<compile_context>
chip_gen: v7x
topology: tpu7x:2x2x1
jax: 0.10.2.dev20260603
libtpu: 0.0.44.dev20260713+nightly
codegen_flags: <defaults>
</compile_context>

<pallas_src>
import functools

import jax
import jax.numpy as jnp
from jax import lax
from jax.experimental import pallas as pl
from jax.experimental.pallas import tpu as pltpu
from jax.experimental.pallas import tpu_sc as plsc

N = 10000
E = 160000
D_IN = 256
D_HID = 512
D_CLS = 128

C = 128
EP = 172032
NCHUNK = EP // C
NTILES = 16
CHUNKS_PER_TILE = NCHUNK // NTILES
RA = 10240
ZROWS = RA // NTILES
WROWS = RA // NTILES

_mesh = plsc.VectorSubcoreMesh(core_axis_name="c", subcore_axis_name="s")


def _fill_const(ref, rows, width, value):
    @pl.loop(0, rows)
    def _(r):
        @pl.loop(0, width, step=16)
        def _(c):
            ref[r, pl.ds(c, 16)] = jnp.full((16,), value, jnp.float32)


DW = 128


@functools.partial(
    pl.kernel,
    out_type=jax.ShapeDtypeStruct((RA, DW), jnp.float32),
    mesh=_mesh,
    scratch_types=[
        pltpu.VMEM((2, C), jnp.int32),
        pltpu.VMEM((C, DW), jnp.float32),
        pltpu.VMEM((128, DW), jnp.float32),
        pltpu.VMEM_SHARED((RA, DW), jnp.float32),
        pltpu.SemaphoreType.DMA,
    ],
)
def _deg_kernel(dstp_hbm, out_hbm, dstv, ones, zbuf, acc, sem):
    cid = lax.axis_index("c")
    sid = lax.axis_index("s")

    @pl.when(cid == 0)
    def _():
        _fill_const(ones, C, DW, 1.0)
        _fill_const(zbuf, 128, DW, 0.0)
        zb = sid * ZROWS
        for off in range(0, ZROWS, 128):
            n = min(128, ZROWS - off)
            pltpu.sync_copy(zbuf.at[pl.ds(0, n)], acc.at[pl.ds(zb + off, n)])
        plsc.subcore_barrier()

        @pl.loop(0, CHUNKS_PER_TILE)
        def _(k):
            eb = (sid * CHUNKS_PER_TILE + k) * C
            pltpu.sync_copy(dstp_hbm.at[pl.ds(eb, C)], dstv.at[0])
            pltpu.sync_copy(ones, acc.at[dstv.at[0]], add=True)

        plsc.subcore_barrier()
        pltpu.sync_copy(acc.at[pl.ds(sid * ZROWS, ZROWS)],
                        out_hbm.at[pl.ds(sid * ZROWS, ZROWS)])


def _make_prop(S, W):
    S_per_core = S // 2

    @functools.partial(
        pl.kernel,
        out_type=jax.ShapeDtypeStruct((S, RA, W), jnp.float32),
        mesh=_mesh,
        scratch_types=[
            pltpu.VMEM((2, C), jnp.int32),
            pltpu.VMEM((2, C), jnp.int32),
            pltpu.VMEM((C, W), jnp.float32),
            pltpu.VMEM((128, W), jnp.float32),
            pltpu.VMEM_SHARED((RA, W), jnp.float32),
            pltpu.SemaphoreType.DMA,
        ],
    )
    def _prop(xws_hbm, srcp_hbm, dstp_hbm, out_hbm, srcv, dstv, rows, zbuf,
              acc, sem):
        cid = lax.axis_index("c")
        sid = lax.axis_index("s")
        _fill_const(zbuf, 128, W, 0.0)

        for j in range(S_per_core):
            slice_id = cid * S_per_core + j
            zb = sid * ZROWS
            for off in range(0, ZROWS, 128):
                n = min(128, ZROWS - off)
                pltpu.sync_copy(zbuf.at[pl.ds(0, n)], acc.at[pl.ds(zb + off, n)])
            plsc.subcore_barrier()

            @pl.loop(0, CHUNKS_PER_TILE)
            def _(k):
                eb = (sid * CHUNKS_PER_TILE + k) * C
                pltpu.sync_copy(srcp_hbm.at[pl.ds(eb, C)], srcv.at[0])
                pltpu.sync_copy(dstp_hbm.at[pl.ds(eb, C)], dstv.at[0])
                pltpu.async_copy(xws_hbm.at[slice_id].at[srcv.at[0]], rows,
                                 sem).wait()
                pltpu.sync_copy(rows, acc.at[dstv.at[0]], add=True)

            plsc.subcore_barrier()
            wb = sid * WROWS
            pltpu.sync_copy(acc.at[pl.ds(wb, WROWS)],
                            out_hbm.at[slice_id].at[pl.ds(wb, WROWS)])
            plsc.subcore_barrier()

    return _prop


_prop_l1 = _make_prop(4, 128)


@functools.partial(
    pl.kernel,
    out_type=jax.ShapeDtypeStruct((2, RA, D_CLS), jnp.float32),
    mesh=_mesh,
    scratch_types=[
        pltpu.VMEM((2, C), jnp.int32),
        pltpu.VMEM((2, C), jnp.int32),
        pltpu.VMEM((C, D_CLS), jnp.float32),
        pltpu.VMEM((128, D_CLS), jnp.float32),
        pltpu.VMEM_SHARED((RA, D_CLS), jnp.float32),
        pltpu.SemaphoreType.DMA,
    ],
)
def _prop_l2(xws_hbm, srcp_hbm, dstp_hbm, out_hbm, srcv, dstv, rows, zbuf,
             acc, sem):
    cid = lax.axis_index("c")
    sid = lax.axis_index("s")
    _fill_const(zbuf, 128, D_CLS, 0.0)
    zb = sid * ZROWS
    for off in range(0, ZROWS, 128):
        n = min(128, ZROWS - off)
        pltpu.sync_copy(zbuf.at[pl.ds(0, n)], acc.at[pl.ds(zb + off, n)])
    plsc.subcore_barrier()

    half = NCHUNK // 2

    @pl.loop(0, half // NTILES)
    def _(k):
        eb = (cid * half + sid * (half // NTILES) + k) * C
        pltpu.sync_copy(srcp_hbm.at[pl.ds(eb, C)], srcv.at[0])
        pltpu.sync_copy(dstp_hbm.at[pl.ds(eb, C)], dstv.at[0])
        pltpu.async_copy(xws_hbm.at[srcv.at[0]], rows, sem).wait()
        pltpu.sync_copy(rows, acc.at[dstv.at[0]], add=True)

    plsc.subcore_barrier()
    wb = sid * WROWS
    pltpu.sync_copy(acc.at[pl.ds(wb, WROWS)],
                    out_hbm.at[cid].at[pl.ds(wb, WROWS)])


def _dinv_of(deg_blk):
    return lax.rsqrt(jnp.maximum(deg_blk[:, 0:1], 1e-12))


def _mm1_body(x_ref, w_ref, deg_ref, out_ref):
    acc = jnp.dot(x_ref[...], w_ref[...], preferred_element_type=jnp.float32)
    acc = acc * _dinv_of(deg_ref[...])
    for s in range(4):
        out_ref[s] = acc[:, s * 128:(s + 1) * 128]


def _mm2_body(h1_ref, w2_ref, deg_ref, out_ref):
    dinv = _dinv_of(deg_ref[...])
    acc = jnp.zeros((h1_ref.shape[1], 128), jnp.float32)
    for s in range(4):
        h = jnp.maximum(h1_ref[s] * dinv, 0.0)
        acc = acc + jnp.dot(h, w2_ref[s], preferred_element_type=jnp.float32)
    acc = acc * dinv
    out_ref[...] = acc


def _final_body(h2_ref, deg_ref, h3_ref, sm_ref):
    dinv = _dinv_of(deg_ref[...])
    h3 = (h2_ref[0] + h2_ref[1]) * dinv
    m = jnp.max(h3, axis=1, keepdims=True)
    e = jnp.exp(h3 - m)
    h3_ref[...] = h3
    sm_ref[...] = e / jnp.sum(e, axis=1, keepdims=True)


BN = 1000


def _mm1(x, W1, deg):
    return pl.pallas_call(
        _mm1_body,
        grid=(N // BN,),
        in_specs=[
            pl.BlockSpec((BN, D_IN), lambda i: (i, 0)),
            pl.BlockSpec((D_IN, D_HID), lambda i: (0, 0)),
            pl.BlockSpec((BN, DW), lambda i: (i, 0)),
        ],
        out_specs=pl.BlockSpec((4, BN, 128), lambda i: (0, i, 0)),
        out_shape=jax.ShapeDtypeStruct((4, N, 128), jnp.float32),
    )(x, W1, deg)


def _mm2(h1raw, W2r, deg):
    return pl.pallas_call(
        _mm2_body,
        grid=(N // BN,),
        in_specs=[
            pl.BlockSpec((4, BN, 128), lambda i: (0, i, 0)),
            pl.BlockSpec((4, 128, 128), lambda i: (0, 0, 0)),
            pl.BlockSpec((BN, DW), lambda i: (i, 0)),
        ],
        out_specs=pl.BlockSpec((BN, D_CLS), lambda i: (i, 0)),
        out_shape=jax.ShapeDtypeStruct((N, D_CLS), jnp.float32),
    )(h1raw, W2r, deg)


def _final(h2raw, deg):
    return pl.pallas_call(
        _final_body,
        grid=(N // BN,),
        in_specs=[
            pl.BlockSpec((2, BN, D_CLS), lambda i: (0, i, 0)),
            pl.BlockSpec((BN, DW), lambda i: (i, 0)),
        ],
        out_specs=(
            pl.BlockSpec((BN, D_CLS), lambda i: (i, 0)),
            pl.BlockSpec((BN, D_CLS), lambda i: (i, 0)),
        ),
        out_shape=(
            jax.ShapeDtypeStruct((N, D_CLS), jnp.float32),
            jax.ShapeDtypeStruct((N, D_CLS), jnp.float32),
        ),
    )(h2raw, deg)


def kernel(x, edge_index, batch_index, W1, W2):
    loop = jnp.arange(N, dtype=jnp.int32)
    npad = EP - E - N
    srcp = jnp.concatenate([edge_index[0], loop,
                            jnp.zeros((npad,), jnp.int32)])
    dstp = jnp.concatenate([edge_index[1], loop,
                            jnp.full((npad,), N, jnp.int32)])

    deg = _deg_kernel(dstp)
    xw1s = _mm1(x, W1, deg)
    h1raw = _prop_l1(xw1s, srcp, dstp)
    xw2s = _mm2(h1raw, W2.reshape(4, 128, D_CLS), deg)
    h2raw = _prop_l2(xw2s, srcp, dstp)
    hidden3, output = _final(h2raw, deg)
    return (hidden3, output)

# --- scband reference (transcript-rebuilt; emitter-appended) ---
"""Pipeline reference for scband-gcn-27934467293577 (READ-ONLY COPY).

The authoritative reference and input builder live on the scoring server;
editing this copy changes nothing except your own understanding.
"""

import jax, jax.numpy as jnp
import numpy as np

N = 10000
E = 160000
D_IN = 256
D_HID = 512
D_CLS = 128


def setup_inputs(seed: int = 0) -> dict:
    key = jax.random.key(seed)
    k1, k2, k3, k4 = jax.random.split(key, 4)
    x = jax.random.normal(k1, (N, D_IN), dtype=jnp.float32)
    edge_index = jax.random.randint(k2, (2, E), 0, N, dtype=jnp.int32)
    batch_index = jnp.zeros((N,), dtype=jnp.int32)
    # Glorot-style init for GCNConv weights (bias=False)
    W1 = jax.random.normal(k3, (D_IN, D_HID), dtype=jnp.float32) * (1.0 / np.sqrt(D_IN))
    W2 = jax.random.normal(k4, (D_HID, D_CLS), dtype=jnp.float32) * (1.0 / np.sqrt(D_HID))
    return {"x": x, "edge_index": edge_index, "batch_index": batch_index, "W1": W1, "W2": W2}


def gcn_conv(x, edge_index, W):
    # GCNConv: D^{-1/2} (A + I) D^{-1/2} X W  (add_self_loops=True, normalize=True, bias=False)
    n = x.shape[0]
    loop = jnp.arange(n, dtype=edge_index.dtype)
    src = jnp.concatenate([edge_index[0], loop])
    dst = jnp.concatenate([edge_index[1], loop])
    deg = jnp.zeros((n,), dtype=x.dtype).at[dst].add(1.0)
    dinv = jax.lax.rsqrt(jnp.maximum(deg, 1e-12))
    norm = dinv[src] * dinv[dst]
    xw = x @ W
    msg = jnp.take(xw, src, axis=0) * norm[:, None]
    out = jnp.zeros((n, W.shape[1]), dtype=x.dtype).at[dst].add(msg)
    return out


def reference(x, edge_index, batch_index, W1, W2):
    hidden1 = gcn_conv(x, edge_index, W1)
    hidden2 = jax.nn.relu(hidden1)
    hidden3 = gcn_conv(hidden2, edge_index, W2)
    output = jax.nn.softmax(hidden3, axis=1)
    return (hidden3, output)

if __name__ == "__main__":
    import jax
    _d = setup_inputs()
    print(jax.jit(kernel)(*tuple(_d.values())))

</pallas_src>

<mosaic_0001>
#map = affine_map<(d0, d1) -> (0)>
#map1 = affine_map<(d0, d1) -> (0, 0)>
module attributes {stable_mosaic.version = 14 : i64} {
  func.func @_deg_kernel(%arg0: i32, %arg1: i32, %arg2: memref<172032xi32, #tpu.memory_space<hbm>>, %arg3: memref<10240x128xf32, #tpu.memory_space<hbm>>, %arg4: memref<2x128xi32, #tpu.memory_space<vmem>>, %arg5: memref<128x128xf32, #tpu.memory_space<vmem>>, %arg6: memref<128x128xf32, #tpu.memory_space<vmem>>, %arg7: memref<10240x128xf32, #tpu.memory_space<vmem_shared>>, %arg8: memref<!tpu.dma_semaphore, #tpu.memory_space<semaphore_mem>>) attributes {dimension_semantics = [#tpu.dimension_semantics<core_parallel>, #tpu.dimension_semantics<subcore_parallel>], iteration_bounds = array<i64: 2, 16>, scalar_prefetch = 0 : i64, scratch_operands = 5 : i64, tpu.core_type = #tpu.core_type<sc_vector_subcore>, window_params = [{transform_indices = #map}, {transform_indices = #map1}]} {
    %eq3A = arith.constant 0 : i32
    %eq3A_0 = arith.cmpi eq, %arg0, %eq3A : i32
    %convert_element_type3A = arith.extui %eq3A_0 : i1 to i32
    %cond3A = arith.constant 0 : i32
    %cond3A_1 = arith.cmpi ne, %convert_element_type3A, %cond3A : i32
    scf.if %cond3A_1 {
      %scan3A = arith.constant 0 : i32
      %scan3A_2 = arith.constant 128 : i32
      %scan3A_3 = arith.addi %scan3A, %scan3A_2 : i32
      %scan3A_4 = arith.constant 1 : i32
      scf.for %scan3A_31 = %scan3A to %scan3A_3 step %scan3A_4  : i32 {
        %mul3A_32 = arith.constant 1 : i32
        %mul3A_33 = arith.muli %scan3A_31, %mul3A_32 : i32
        %add3A_34 = arith.constant 0 : i32
        %add3A_35 = arith.addi %add3A_34, %mul3A_33 : i32
        %scan3A_36 = arith.constant 0 : i32
        %scan3A_37 = arith.constant 8 : i32
        %scan3A_38 = arith.addi %scan3A_36, %scan3A_37 : i32
        %scan3A_39 = arith.constant 1 : i32
        scf.for %scan3A_41 = %scan3A_36 to %scan3A_38 step %scan3A_39  : i32 {
          %mul3A_42 = arith.constant 16 : i32
          %mul3A_43 = arith.muli %scan3A_41, %mul3A_42 : i32
          %add3A_44 = arith.constant 0 : i32
          %add3A_45 = arith.addi %add3A_44, %mul3A_43 : i32
          %broadcast_in_dim3A = arith.constant 1.000000e+00 : f32
          %broadcast_in_dim3A_46 = vector.broadcast %broadcast_in_dim3A : f32 to vector<16xf32>
          %swap3A = arith.index_cast %add3A_35 : i32 to index
          %swap3A_47 = arith.index_cast %add3A_45 : i32 to index
          %swap3A_48 = tpu.vector_load %arg5[%swap3A, %swap3A_47] {strides = array<i32>} : memref<128x128xf32, #tpu.memory_space<vmem>>, vector<1x16xf32>,
          %swap3A_49 = vector.shape_cast %swap3A_48 : vector<1x16xf32> to vector<16xf32>
          %swap3A_50 = vector.shape_cast %broadcast_in_dim3A_46 : vector<16xf32> to vector<1x16xf32>
          tpu.vector_store %arg5[%swap3A, %swap3A_47], %swap3A_50 {strides = array<i32>} : memref<128x128xf32, #tpu.memory_space<vmem>>, vector<1x16xf32>,
        }
        %scan3A_40 = arith.constant 8 : i32
      }
      %scan3A_5 = arith.constant 128 : i32
      %scan3A_6 = arith.constant 0 : i32
      %scan3A_7 = arith.constant 128 : i32
      %scan3A_8 = arith.addi %scan3A_6, %scan3A_7 : i32
      %scan3A_9 = arith.constant 1 : i32
      scf.for %scan3A_31 = %scan3A_6 to %scan3A_8 step %scan3A_9  : i32 {
        %mul3A_32 = arith.constant 1 : i32
        %mul3A_33 = arith.muli %scan3A_31, %mul3A_32 : i32
        %add3A_34 = arith.constant 0 : i32
        %add3A_35 = arith.addi %add3A_34, %mul3A_33 : i32
        %scan3A_36 = arith.constant 0 : i32
        %scan3A_37 = arith.constant 8 : i32
        %scan3A_38 = arith.addi %scan3A_36, %scan3A_37 : i32
        %scan3A_39 = arith.constant 1 : i32
        scf.for %scan3A_41 = %scan3A_36 to %scan3A_38 step %scan3A_39  : i32 {
          %mul3A_42 = arith.constant 16 : i32
          %mul3A_43 = arith.muli %scan3A_41, %mul3A_42 : i32
          %add3A_44 = arith.constant 0 : i32
          %add3A_45 = arith.addi %add3A_44, %mul3A_43 : i32
          %broadcast_in_dim3A = arith.constant 0.000000e+00 : f32
          %broadcast_in_dim3A_46 = vector.broadcast %broadcast_in_dim3A : f32 to vector<16xf32>
          %swap3A = arith.index_cast %add3A_35 : i32 to index
          %swap3A_47 = arith.index_cast %add3A_45 : i32 to index
          %swap3A_48 = tpu.vector_load %arg6[%swap3A, %swap3A_47] {strides = array<i32>} : memref<128x128xf32, #tpu.memory_space<vmem>>, vector<1x16xf32>,
          %swap3A_49 = vector.shape_cast %swap3A_48 : vector<1x16xf32> to vector<16xf32>
          %swap3A_50 = vector.shape_cast %broadcast_in_dim3A_46 : vector<16xf32> to vector<1x16xf32>
          tpu.vector_store %arg6[%swap3A, %swap3A_47], %swap3A_50 {strides = array<i32>} : memref<128x128xf32, #tpu.memory_space<vmem>>, vector<1x16xf32>,
        }
        %scan3A_40 = arith.constant 8 : i32
      }
      %scan3A_10 = arith.constant 128 : i32
      %mul3A = arith.constant 640 : i32
      %mul3A_11 = arith.muli %arg1, %mul3A : i32
      %add3A = arith.constant 0 : i32
      %add3A_12 = arith.addi %mul3A_11, %add3A : i32
      "tpu.region"() ({
        %run_scoped3A = tpu.sem_alloc : memref<!tpu.dma_semaphore, #tpu.memory_space<semaphore_mem>>
        %dma_start3A = arith.constant 0 : i32
        %dma_start3A_31 = arith.constant 0 : i32
        %dma_start3A_32 = tpu.memref_slice %arg6[%dma_start3A, %dma_start3A_31] : memref<128x128xf32, #tpu.memory_space<vmem>> -> memref<128x128xf32, #tpu.memory_space<vmem>>
        %dma_start3A_33 = arith.constant 0 : i32
        %dma_start3A_34 = tpu.memref_slice %arg7[%add3A_12, %dma_start3A_33] : memref<10240x128xf32, #tpu.memory_space<vmem_shared>> -> memref<128x128xf32, #tpu.memory_space<vmem_shared>>
        %dma_start3A_35 = arith.constant 0 : i32
        %dma_start3A_36 = tpu.memref_slice %arg7[%add3A_12, %dma_start3A_35] : memref<10240x128xf32, #tpu.memory_space<vmem_shared>> -> memref<128x128xf32, #tpu.memory_space<vmem_shared>>
        %dma_start3A_37 = arith.constant 0 : i32
        %dma_start3A_38 = arith.constant 0 : i32
        %dma_start3A_39 = tpu.memref_slice %arg6[%dma_start3A_37, %dma_start3A_38] : memref<128x128xf32, #tpu.memory_space<vmem>> -> memref<128x128xf32, #tpu.memory_space<vmem>>
        tpu.enqueue_dma source(%dma_start3A_39 : memref<128x128xf32, #tpu.memory_space<vmem>>) target(%dma_start3A_36 : memref<128x128xf32, #tpu.memory_space<vmem_shared>>) target_semaphore(%run_scoped3A : memref<!tpu.dma_semaphore, #tpu.memory_space<semaphore_mem>>)
        %dma_wait3A = arith.constant 0 : i32
        %dma_wait3A_40 = arith.constant 0 : i32
        %dma_wait3A_41 = tpu.memref_slice %arg6[%dma_wait3A, %dma_wait3A_40] : memref<128x128xf32, #tpu.memory_space<vmem>> -> memref<128x128xf32, #tpu.memory_space<vmem>>
        %dma_wait3A_42 = arith.constant 0 : i32
        %dma_wait3A_43 = tpu.memref_slice %arg7[%add3A_12, %dma_wait3A_42] : memref<10240x128xf32, #tpu.memory_space<vmem_shared>> -> memref<128x128xf32, #tpu.memory_space<vmem_shared>>
        %dma_wait3A_44 = arith.constant 0 : i32
        %dma_wait3A_45 = tpu.memref_slice %arg7[%add3A_12, %dma_wait3A_44] : memref<10240x128xf32, #tpu.memory_space<vmem_shared>> -> memref<128x128xf32, #tpu.memory_space<vmem_shared>>
        %dma_wait3A_46 = arith.constant 0 : i32
        %dma_wait3A_47 = arith.constant 0 : i32
        %dma_wait3A_48 = tpu.memref_slice %arg6[%dma_wait3A_46, %dma_wait3A_47] : memref<128x128xf32, #tpu.memory_space<vmem>> -> memref<128x128xf32, #tpu.memory_space<vmem>>
        tpu.wait_dma2 semaphore(%run_scoped3A : memref<!tpu.dma_semaphore, #tpu.memory_space<semaphore_mem>>) src(%dma_wait3A_48 : memref<128x128xf32, #tpu.memory_space<vmem>>) dst(%dma_wait3A_45 : memref<128x128xf32, #tpu.memory_space<vmem_shared>>)
        tpu.yield
      }) : () -> ()
      %add3A_13 = arith.constant 128 : i32
      %add3A_14 = arith.addi %mul3A_11, %add3A_13 : i32
      "tpu.region"() ({
        %run_scoped3A = tpu.sem_alloc : memref<!tpu.dma_semaphore, #tpu.memory_space<semaphore_mem>>
        %dma_start3A = arith.constant 0 : i32
        %dma_start3A_31 = arith.constant 0 : i32
        %dma_start3A_32 = tpu.memref_slice %arg6[%dma_start3A, %dma_start3A_31] : memref<128x128xf32, #tpu.memory_space<vmem>> -> memref<128x128xf32, #tpu.memory_space<vmem>>
        %dma_start3A_33 = arith.constant 0 : i32
        %dma_start3A_34 = tpu.memref_slice %arg7[%add3A_14, %dma_start3A_33] : memref<10240x128xf32, #tpu.memory_space<vmem_shared>> -> memref<128x128xf32, #tpu.memory_space<vmem_shared>>
        %dma_start3A_35 = arith.constant 0 : i32
        %dma_start3A_36 = tpu.memref_slice %arg7[%add3A_14, %dma_start3A_35] : memref<10240x128xf32, #tpu.memory_space<vmem_shared>> -> memref<128x128xf32, #tpu.memory_space<vmem_shared>>
        %dma_start3A_37 = arith.constant 0 : i32
        %dma_start3A_38 = arith.constant 0 : i32
        %dma_start3A_39 = tpu.memref_slice %arg6[%dma_start3A_37, %dma_start3A_38] : memref<128x128xf32, #tpu.memory_space<vmem>> -> memref<128x128xf32, #tpu.memory_space<vmem>>
        tpu.enqueue_dma source(%dma_start3A_39 : memref<128x128xf32, #tpu.memory_space<vmem>>) target(%dma_start3A_36 : memref<128x128xf32, #tpu.memory_space<vmem_shared>>) target_semaphore(%run_scoped3A : memref<!tpu.dma_semaphore, #tpu.memory_space<semaphore_mem>>)
        %dma_wait3A = arith.constant 0 : i32
        %dma_wait3A_40 = arith.constant 0 : i32
        %dma_wait3A_41 = tpu.memref_slice %arg6[%dma_wait3A, %dma_wait3A_40] : memref<128x128xf32, #tpu.memory_space<vmem>> -> memref<128x128xf32, #tpu.memory_space<vmem>>
        %dma_wait3A_42 = arith.constant 0 : i32
        %dma_wait3A_43 = tpu.memref_slice %arg7[%add3A_14, %dma_wait3A_42] : memref<10240x128xf32, #tpu.memory_space<vmem_shared>> -> memref<128x128xf32, #tpu.memory_space<vmem_shared>>
        %dma_wait3A_44 = arith.constant 0 : i32
        %dma_wait3A_45 = tpu.memref_slice %arg7[%add3A_14, %dma_wait3A_44] : memref<10240x128xf32, #tpu.memory_space<vmem_shared>> -> memref<128x128xf32, #tpu.memory_space<vmem_shared>>
        %dma_wait3A_46 = arith.constant 0 : i32
        %dma_wait3A_47 = arith.constant 0 : i32
        %dma_wait3A_48 = tpu.memref_slice %arg6[%dma_wait3A_46, %dma_wait3A_47] : memref<128x128xf32, #tpu.memory_space<vmem>> -> memref<128x128xf32, #tpu.memory_space<vmem>>
        tpu.wait_dma2 semaphore(%run_scoped3A : memref<!tpu.dma_semaphore, #tpu.memory_space<semaphore_mem>>) src(%dma_wait3A_48 : memref<128x128xf32, #tpu.memory_space<vmem>>) dst(%dma_wait3A_45 : memref<128x128xf32, #tpu.memory_space<vmem_shared>>)
        tpu.yield
      }) : () -> ()
      %add3A_15 = arith.constant 256 : i32
      %add3A_16 = arith.addi %mul3A_11, %add3A_15 : i32
      "tpu.region"() ({
        %run_scoped3A = tpu.sem_alloc : memref<!tpu.dma_semaphore, #tpu.memory_space<semaphore_mem>>
        %dma_start3A = arith.constant 0 : i32
        %dma_start3A_31 = arith.constant 0 : i32
        %dma_start3A_32 = tpu.memref_slice %arg6[%dma_start3A, %dma_start3A_31] : memref<128x128xf32, #tpu.memory_space<vmem>> -> memref<128x128xf32, #tpu.memory_space<vmem>>
        %dma_start3A_33 = arith.constant 0 : i32
        %dma_start3A_34 = tpu.memref_slice %arg7[%add3A_16, %dma_start3A_33] : memref<10240x128xf32, #tpu.memory_space<vmem_shared>> -> memref<128x128xf32, #tpu.memory_space<vmem_shared>>
        %dma_start3A_35 = arith.constant 0 : i32
        %dma_start3A_36 = tpu.memref_slice %arg7[%add3A_16, %dma_start3A_35] : memref<10240x128xf32, #tpu.memory_space<vmem_shared>> -> memref<128x128xf32, #tpu.memory_space<vmem_shared>>
        %dma_start3A_37 = arith.constant 0 : i32
        %dma_start3A_38 = arith.constant 0 : i32
        %dma_start3A_39 = tpu.memref_slice %arg6[%dma_start3A_37, %dma_start3A_38] : memref<128x128xf32, #tpu.memory_space<vmem>> -> memref<128x128xf32, #tpu.memory_space<vmem>>
        tpu.enqueue_dma source(%dma_start3A_39 : memref<128x128xf32, #tpu.memory_space<vmem>>) target(%dma_start3A_36 : memref<128x128xf32, #tpu.memory_space<vmem_shared>>) target_semaphore(%run_scoped3A : memref<!tpu.dma_semaphore, #tpu.memory_space<semaphore_mem>>)
        %dma_wait3A = arith.constant 0 : i32
        %dma_wait3A_40 = arith.constant 0 : i32
        %dma_wait3A_41 = tpu.memref_slice %arg6[%dma_wait3A, %dma_wait3A_40] : memref<128x128xf32, #tpu.memory_space<vmem>> -> memref<128x128xf32, #tpu.memory_space<vmem>>
        %dma_wait3A_42 = arith.constant 0 : i32
        %dma_wait3A_43 = tpu.memref_slice %arg7[%add3A_16, %dma_wait3A_42] : memref<10240x128xf32, #tpu.memory_space<vmem_shared>> -> memref<128x128xf32, #tpu.memory_space<vmem_shared>>
        %dma_wait3A_44 = arith.constant 0 : i32
        %dma_wait3A_45 = tpu.memref_slice %arg7[%add3A_16, %dma_wait3A_44] : memref<10240x128xf32, #tpu.memory_space<vmem_shared>> -> memref<128x128xf32, #tpu.memory_space<vmem_shared>>
        %dma_wait3A_46 = arith.constant 0 : i32
        %dma_wait3A_47 = arith.constant 0 : i32
        %dma_wait3A_48 = tpu.memref_slice %arg6[%dma_wait3A_46, %dma_wait3A_47] : memref<128x128xf32, #tpu.memory_space<vmem>> -> memref<128x128xf32, #tpu.memory_space<vmem>>
        tpu.wait_dma2 semaphore(%run_scoped3A : memref<!tpu.dma_semaphore, #tpu.memory_space<semaphore_mem>>) src(%dma_wait3A_48 : memref<128x128xf32, #tpu.memory_space<vmem>>) dst(%dma_wait3A_45 : memref<128x128xf32, #tpu.memory_space<vmem_shared>>)
        tpu.yield
      }) : () -> ()
      %add3A_17 = arith.constant 384 : i32
      %add3A_18 = arith.addi %mul3A_11, %add3A_17 : i32
      "tpu.region"() ({
        %run_scoped3A = tpu.sem_alloc : memref<!tpu.dma_semaphore, #tpu.memory_space<semaphore_mem>>
        %dma_start3A = arith.constant 0 : i32
        %dma_start3A_31 = arith.constant 0 : i32
        %dma_start3A_32 = tpu.memref_slice %arg6[%dma_start3A, %dma_start3A_31] : memref<128x128xf32, #tpu.memory_space<vmem>> -> memref<128x128xf32, #tpu.memory_space<vmem>>
        %dma_start3A_33 = arith.constant 0 : i32
        %dma_start3A_34 = tpu.memref_slice %arg7[%add3A_18, %dma_start3A_33] : memref<10240x128xf32, #tpu.memory_space<vmem_shared>> -> memref<128x128xf32, #tpu.memory_space<vmem_shared>>
        %dma_start3A_35 = arith.constant 0 : i32
        %dma_start3A_36 = tpu.memref_slice %arg7[%add3A_18, %dma_start3A_35] : memref<10240x128xf32, #tpu.memory_space<vmem_shared>> -> memref<128x128xf32, #tpu.memory_space<vmem_shared>>
        %dma_start3A_37 = arith.constant 0 : i32
        %dma_start3A_38 = arith.constant 0 : i32
        %dma_start3A_39 = tpu.memref_slice %arg6[%dma_start3A_37, %dma_start3A_38] : memref<128x128xf32, #tpu.memory_space<vmem>> -> memref<128x128xf32, #tpu.memory_space<vmem>>
        tpu.enqueue_dma source(%dma_start3A_39 : memref<128x128xf32, #tpu.memory_space<vmem>>) target(%dma_start3A_36 : memref<128x128xf32, #tpu.memory_space<vmem_shared>>) target_semaphore(%run_scoped3A : memref<!tpu.dma_semaphore, #tpu.memory_space<semaphore_mem>>)
        %dma_wait3A = arith.constant 0 : i32
        %dma_wait3A_40 = arith.constant 0 : i32
        %dma_wait3A_41 = tpu.memref_slice %arg6[%dma_wait3A, %dma_wait3A_40] : memref<128x128xf32, #tpu.memory_space<vmem>> -> memref<128x128xf32, #tpu.memory_space<vmem>>
        %dma_wait3A_42 = arith.constant 0 : i32
        %dma_wait3A_43 = tpu.memref_slice %arg7[%add3A_18, %dma_wait3A_42] : memref<10240x128xf32, #tpu.memory_space<vmem_shared>> -> memref<128x128xf32, #tpu.memory_space<vmem_shared>>
        %dma_wait3A_44 = arith.constant 0 : i32
        %dma_wait3A_45 = tpu.memref_slice %arg7[%add3A_18, %dma_wait3A_44] : memref<10240x128xf32, #tpu.memory_space<vmem_shared>> -> memref<128x128xf32, #tpu.memory_space<vmem_shared>>
        %dma_wait3A_46 = arith.constant 0 : i32
        %dma_wait3A_47 = arith.constant 0 : i32
        %dma_wait3A_48 = tpu.memref_slice %arg6[%dma_wait3A_46, %dma_wait3A_47] : memref<128x128xf32, #tpu.memory_space<vmem>> -> memref<128x128xf32, #tpu.memory_space<vmem>>
        tpu.wait_dma2 semaphore(%run_scoped3A : memref<!tpu.dma_semaphore, #tpu.memory_space<semaphore_mem>>) src(%dma_wait3A_48 : memref<128x128xf32, #tpu.memory_space<vmem>>) dst(%dma_wait3A_45 : memref<128x128xf32, #tpu.memory_space<vmem_shared>>)
        tpu.yield
      }) : () -> ()
      %add3A_19 = arith.constant 512 : i32
      %add3A_20 = arith.addi %mul3A_11, %add3A_19 : i32
      "tpu.region"() ({
        %run_scoped3A = tpu.sem_alloc : memref<!tpu.dma_semaphore, #tpu.memory_space<semaphore_mem>>
        %dma_start3A = arith.constant 0 : i32
        %dma_start3A_31 = arith.constant 0 : i32
        %dma_start3A_32 = tpu.memref_slice %arg6[%dma_start3A, %dma_start3A_31] : memref<128x128xf32, #tpu.memory_space<vmem>> -> memref<128x128xf32, #tpu.memory_space<vmem>>
        %dma_start3A_33 = arith.constant 0 : i32
        %dma_start3A_34 = tpu.memref_slice %arg7[%add3A_20, %dma_start3A_33] : memref<10240x128xf32, #tpu.memory_space<vmem_shared>> -> memref<128x128xf32, #tpu.memory_space<vmem_shared>>
        %dma_start3A_35 = arith.constant 0 : i32
        %dma_start3A_36 = tpu.memref_slice %arg7[%add3A_20, %dma_start3A_35] : memref<10240x128xf32, #tpu.memory_space<vmem_shared>> -> memref<128x128xf32, #tpu.memory_space<vmem_shared>>
        %dma_start3A_37 = arith.constant 0 : i32
        %dma_start3A_38 = arith.constant 0 : i32
        %dma_start3A_39 = tpu.memref_slice %arg6[%dma_start3A_37, %dma_start3A_38] : memref<128x128xf32, #tpu.memory_space<vmem>> -> memref<128x128xf32, #tpu.memory_space<vmem>>
        tpu.enqueue_dma source(%dma_start3A_39 : memref<128x128xf32, #tpu.memory_space<vmem>>) target(%dma_start3A_36 : memref<128x128xf32, #tpu.memory_space<vmem_shared>>) target_semaphore(%run_scoped3A : memref<!tpu.dma_semaphore, #tpu.memory_space<semaphore_mem>>)
        %dma_wait3A = arith.constant 0 : i32
        %dma_wait3A_40 = arith.constant 0 : i32
        %dma_wait3A_41 = tpu.memref_slice %arg6[%dma_wait3A, %dma_wait3A_40] : memref<128x128xf32, #tpu.memory_space<vmem>> -> memref<128x128xf32, #tpu.memory_space<vmem>>
        %dma_wait3A_42 = arith.constant 0 : i32
        %dma_wait3A_43 = tpu.memref_slice %arg7[%add3A_20, %dma_wait3A_42] : memref<10240x128xf32, #tpu.memory_space<vmem_shared>> -> memref<128x128xf32, #tpu.memory_space<vmem_shared>>
        %dma_wait3A_44 = arith.constant 0 : i32
        %dma_wait3A_45 = tpu.memref_slice %arg7[%add3A_20, %dma_wait3A_44] : memref<10240x128xf32, #tpu.memory_space<vmem_shared>> -> memref<128x128xf32, #tpu.memory_space<vmem_shared>>
        %dma_wait3A_46 = arith.constant 0 : i32
        %dma_wait3A_47 = arith.constant 0 : i32
        %dma_wait3A_48 = tpu.memref_slice %arg6[%dma_wait3A_46, %dma_wait3A_47] : memref<128x128xf32, #tpu.memory_space<vmem>> -> memref<128x128xf32, #tpu.memory_space<vmem>>
        tpu.wait_dma2 semaphore(%run_scoped3A : memref<!tpu.dma_semaphore, #tpu.memory_space<semaphore_mem>>) src(%dma_wait3A_48 : memref<128x128xf32, #tpu.memory_space<vmem>>) dst(%dma_wait3A_45 : memref<128x128xf32, #tpu.memory_space<vmem_shared>>)
        tpu.yield
      }) : () -> ()
      %barrier3A = arith.constant 0 : index
      tpu.barrier barrier_id(%barrier3A)
      %scan3A_21 = arith.constant 0 : i32
      %scan3A_22 = arith.constant 84 : i32
      %scan3A_23 = arith.addi %scan3A_21, %scan3A_22 : i32
      %scan3A_24 = arith.constant 1 : i32
      scf.for %scan3A_31 = %scan3A_21 to %scan3A_23 step %scan3A_24  : i32 {
        %mul3A_32 = arith.constant 1 : i32
        %mul3A_33 = arith.muli %scan3A_31, %mul3A_32 : i32
        %add3A_34 = arith.constant 0 : i32
        %add3A_35 = arith.addi %add3A_34, %mul3A_33 : i32
        %mul3A_36 = arith.constant 84 : i32
        %mul3A_37 = arith.muli %arg1, %mul3A_36 : i32
        %add3A_38 = arith.addi %mul3A_37, %add3A_35 : i32
        %mul3A_39 = arith.constant 128 : i32
        %mul3A_40 = arith.muli %add3A_38, %mul3A_39 : i32
        %run_scoped3A = arith.constant 0 : i32
        "tpu.region"() ({
          %run_scoped3A_42 = tpu.sem_alloc : memref<!tpu.dma_semaphore, #tpu.memory_space<semaphore_mem>>
          %dma_start3A = arith.constant 0 : i32
          %dma_start3A_43 = tpu.memref_slice %arg4[%run_scoped3A, %dma_start3A] : memref<2x128xi32, #tpu.memory_space<vmem>> -> memref<1x128xi32, #tpu.memory_space<vmem>>
          %dma_start3A_44 = tpu.memref_squeeze %dma_start3A_43 : memref<1x128xi32, #tpu.memory_space<vmem>> -> memref<128xi32, #tpu.memory_space<vmem>>
          %dma_start3A_45 = tpu.memref_slice %arg2[%mul3A_40] : memref<172032xi32, #tpu.memory_space<hbm>> -> memref<128xi32, #tpu.memory_space<hbm>>
          %dma_start3A_46 = arith.constant 0 : i32
          %dma_start3A_47 = tpu.memref_slice %arg4[%run_scoped3A, %dma_start3A_46] : memref<2x128xi32, #tpu.memory_space<vmem>> -> memref<1x128xi32, #tpu.memory_space<vmem>>
          %dma_start3A_48 = tpu.memref_squeeze %dma_start3A_47 : memref<1x128xi32, #tpu.memory_space<vmem>> -> memref<128xi32, #tpu.memory_space<vmem>>
          %dma_start3A_49 = tpu.memref_slice %arg2[%mul3A_40] : memref<172032xi32, #tpu.memory_space<hbm>> -> memref<128xi32, #tpu.memory_space<hbm>>
          tpu.enqueue_dma source(%dma_start3A_49 : memref<128xi32, #tpu.memory_space<hbm>>) target(%dma_start3A_48 : memref<128xi32, #tpu.memory_space<vmem>>) target_semaphore(%run_scoped3A_42 : memref<!tpu.dma_semaphore, #tpu.memory_space<semaphore_mem>>)
          %dma_wait3A = arith.constant 0 : i32
          %dma_wait3A_50 = tpu.memref_slice %arg4[%run_scoped3A, %dma_wait3A] : memref<2x128xi32, #tpu.memory_space<vmem>> -> memref<1x128xi32, #tpu.memory_space<vmem>>
          %dma_wait3A_51 = tpu.memref_squeeze %dma_wait3A_50 : memref<1x128xi32, #tpu.memory_space<vmem>> -> memref<128xi32, #tpu.memory_space<vmem>>
          %dma_wait3A_52 = tpu.memref_slice %arg2[%mul3A_40] : memref<172032xi32, #tpu.memory_space<hbm>> -> memref<128xi32, #tpu.memory_space<hbm>>
          %dma_wait3A_53 = arith.constant 0 : i32
          %dma_wait3A_54 = tpu.memref_slice %arg4[%run_scoped3A, %dma_wait3A_53] : memref<2x128xi32, #tpu.memory_space<vmem>> -> memref<1x128xi32, #tpu.memory_space<vmem>>
          %dma_wait3A_55 = tpu.memref_squeeze %dma_wait3A_54 : memref<1x128xi32, #tpu.memory_space<vmem>> -> memref<128xi32, #tpu.memory_space<vmem>>
          %dma_wait3A_56 = tpu.memref_slice %arg2[%mul3A_40] : memref<172032xi32, #tpu.memory_space<hbm>> -> memref<128xi32, #tpu.memory_space<hbm>>
          tpu.wait_dma2 semaphore(%run_scoped3A_42 : memref<!tpu.dma_semaphore, #tpu.memory_space<semaphore_mem>>) src(%dma_wait3A_56 : memref<128xi32, #tpu.memory_space<hbm>>) dst(%dma_wait3A_55 : memref<128xi32, #tpu.memory_space<vmem>>)
          tpu.yield
        }) : () -> ()
        %run_scoped3A_41 = arith.constant 0 : i32
        "tpu.region"() ({
          %run_scoped3A_42 = tpu.sem_alloc : memref<!tpu.dma_semaphore, #tpu.memory_space<semaphore_mem>>
          %dma_start3A = arith.constant 0 : i32
          %dma_start3A_43 = tpu.memref_slice %arg4[%run_scoped3A_41, %dma_start3A] : memref<2x128xi32, #tpu.memory_space<vmem>> -> memref<1x128xi32, #tpu.memory_space<vmem>>
          %dma_start3A_44 = tpu.memref_squeeze %dma_start3A_43 : memref<1x128xi32, #tpu.memory_space<vmem>> -> memref<128xi32, #tpu.memory_space<vmem>>
          %dma_start3A_45 = arith.constant 0 : i32
          %dma_start3A_46 = arith.constant 0 : i32
          %dma_start3A_47 = tpu.memref_slice %arg7[%dma_start3A_45, %dma_start3A_46] : memref<10240x128xf32, #tpu.memory_space<vmem_shared>> -> memref<10240x128xf32, #tpu.memory_space<vmem_shared>>
          tpu.enqueue_indirect_dma source(%arg5 : memref<128x128xf32, #tpu.memory_space<vmem>>) target(%dma_start3A_47 : memref<10240x128xf32, #tpu.memory_space<vmem_shared>>) offsets(%dma_start3A_44 : memref<128xi32, #tpu.memory_space<vmem>>) semaphore(%run_scoped3A_42 : memref<!tpu.dma_semaphore, #tpu.memory_space<semaphore_mem>>) {add = true}
          %dma_wait3A = arith.constant 0 : i32
          %dma_wait3A_48 = tpu.memref_slice %arg4[%run_scoped3A_41, %dma_wait3A] : memref<2x128xi32, #tpu.memory_space<vmem>> -> memref<1x128xi32, #tpu.memory_space<vmem>>
          %dma_wait3A_49 = tpu.memref_squeeze %dma_wait3A_48 : memref<1x128xi32, #tpu.memory_space<vmem>> -> memref<128xi32, #tpu.memory_space<vmem>>
          %dma_wait3A_50 = arith.constant 0 : i32
          %dma_wait3A_51 = arith.constant 0 : i32
          %dma_wait3A_52 = tpu.memref_slice %arg7[%dma_wait3A_50, %dma_wait3A_51] : memref<10240x128xf32, #tpu.memory_space<vmem_shared>> -> memref<10240x128xf32, #tpu.memory_space<vmem_shared>>
          tpu.wait_indirect_dma semaphore(%run_scoped3A_42 : memref<!tpu.dma_semaphore, #tpu.memory_space<semaphore_mem>>) src(%arg5 : memref<128x128xf32, #tpu.memory_space<vmem>>) dst(%dma_wait3A_52 : memref<10240x128xf32, #tpu.memory_space<vmem_shared>>)
          tpu.yield
        }) : () -> ()
      }
      %scan3A_25 = arith.constant 84 : i32
      %barrier3A_26 = arith.constant 0 : index
      tpu.barrier barrier_id(%barrier3A_26)
      %mul3A_27 = arith.constant 640 : i32
      %mul3A_28 = arith.muli %arg1, %mul3A_27 : i32
      %mul3A_29 = arith.constant 640 : i32
      %mul3A_30 = arith.muli %arg1, %mul3A_29 : i32
      "tpu.region"() ({
        %run_scoped3A = tpu.sem_alloc : memref<!tpu.dma_semaphore, #tpu.memory_space<semaphore_mem>>
        %dma_start3A = arith.constant 0 : i32
        %dma_start3A_31 = tpu.memref_slice %arg3[%mul3A_30, %dma_start3A] : memref<10240x128xf32, #tpu.memory_space<hbm>> -> memref<640x128xf32, #tpu.memory_space<hbm>>
        %dma_start3A_32 = arith.constant 0 : i32
        %dma_start3A_33 = tpu.memref_slice %arg7[%mul3A_28, %dma_start3A_32] : memref<10240x128xf32, #tpu.memory_space<vmem_shared>> -> memref<640x128xf32, #tpu.memory_space<vmem_shared>>
        tpu.enqueue_dma source(%dma_start3A_33 : memref<640x128xf32, #tpu.memory_space<vmem_shared>>) target(%dma_start3A_31 : memref<640x128xf32, #tpu.memory_space<hbm>>) target_semaphore(%run_scoped3A : memref<!tpu.dma_semaphore, #tpu.memory_space<semaphore_mem>>)
        %dma_wait3A = arith.constant 0 : i32
        %dma_wait3A_34 = tpu.memref_slice %arg3[%mul3A_30, %dma_wait3A] : memref<10240x128xf32, #tpu.memory_space<hbm>> -> memref<640x128xf32, #tpu.memory_space<hbm>>
        %dma_wait3A_35 = arith.constant 0 : i32
        %dma_wait3A_36 = tpu.memref_slice %arg7[%mul3A_28, %dma_wait3A_35] : memref<10240x128xf32, #tpu.memory_space<vmem_shared>> -> memref<640x128xf32, #tpu.memory_space<vmem_shared>>
        tpu.wait_dma2 semaphore(%run_scoped3A : memref<!tpu.dma_semaphore, #tpu.memory_space<semaphore_mem>>) src(%dma_wait3A_36 : memref<640x128xf32, #tpu.memory_space<vmem_shared>>) dst(%dma_wait3A_34 : memref<640x128xf32, #tpu.memory_space<hbm>>)
        tpu.yield
      }) : () -> ()
    } else {
    }
    return
  }
}

#map = affine_map<(d0, d1) -> (0, 0)>
#map1 = affine_map<(d0, d1) -> (0)>
#map2 = affine_map<(d0, d1) -> (0, 0, 0)>
module attributes {stable_mosaic.version = 14 : i64} {
  func.func @_prop_l2(%arg0: i32, %arg1: i32, %arg2: memref<10000x128xf32, #tpu.memory_space<hbm>>, %arg3: memref<172032xi32, #tpu.memory_space<hbm>>, %arg4: memref<172032xi32, #tpu.memory_space<hbm>>, %arg5: memref<2x10240x128xf32, #tpu.memory_space<hbm>>, %arg6: memref<2x128xi32, #tpu.memory_space<vmem>>, %arg7: memref<2x128xi32, #tpu.memory_space<vmem>>, %arg8: memref<128x128xf32, #tpu.memory_space<vmem>>, %arg9: memref<128x128xf32, #tpu.memory_space<vmem>>, %arg10: memref<10240x128xf32, #tpu.memory_space<vmem_shared>>, %arg11: memref<!tpu.dma_semaphore, #tpu.memory_space<semaphore_mem>>) attributes {dimension_semantics = [#tpu.dimension_semantics<core_parallel>, #tpu.dimension_semantics<subcore_parallel>], iteration_bounds = array<i64: 2, 16>, scalar_prefetch = 0 : i64, scratch_operands = 6 : i64, tpu.core_type = #tpu.core_type<sc_vector_subcore>, window_params = [{transform_indices = #map}, {transform_indices = #map1}, {transform_indices = #map1}, {transform_indices = #map2}]} {
    %scan3A = arith.constant 0 : i32
    %scan3A_0 = arith.constant 128 : i32
    %scan3A_1 = arith.addi %scan3A, %scan3A_0 : i32
    %scan3A_2 = arith.constant 1 : i32
    scf.for %scan3A_22 = %scan3A to %scan3A_1 step %scan3A_2  : i32 {
      %mul3A_23 = arith.constant 1 : i32
      %mul3A_24 = arith.muli %scan3A_22, %mul3A_23 : i32
      %add3A_25 = arith.constant 0 : i32
      %add3A_26 = arith.addi %add3A_25, %mul3A_24 : i32
      %scan3A_27 = arith.constant 0 : i32
      %scan3A_28 = arith.constant 8 : i32
      %scan3A_29 = arith.addi %scan3A_27, %scan3A_28 : i32
      %scan3A_30 = arith.constant 1 : i32
      scf.for %scan3A_32 = %scan3A_27 to %scan3A_29 step %scan3A_30  : i32 {
        %mul3A_33 = arith.constant 16 : i32
        %mul3A_34 = arith.muli %scan3A_32, %mul3A_33 : i32
        %add3A_35 = arith.constant 0 : i32
        %add3A_36 = arith.addi %add3A_35, %mul3A_34 : i32
        %broadcast_in_dim3A = arith.constant 0.000000e+00 : f32
        %broadcast_in_dim3A_37 = vector.broadcast %broadcast_in_dim3A : f32 to vector<16xf32>
        %swap3A = arith.index_cast %add3A_26 : i32 to index
        %swap3A_38 = arith.index_cast %add3A_36 : i32 to index
        %swap3A_39 = tpu.vector_load %arg9[%swap3A, %swap3A_38] {strides = array<i32>} : memref<128x128xf32, #tpu.memory_space<vmem>>, vector<1x16xf32>,
        %swap3A_40 = vector.shape_cast %swap3A_39 : vector<1x16xf32> to vector<16xf32>
        %swap3A_41 = vector.shape_cast %broadcast_in_dim3A_37 : vector<16xf32> to vector<1x16xf32>
        tpu.vector_store %arg9[%swap3A, %swap3A_38], %swap3A_41 {strides = array<i32>} : memref<128x128xf32, #tpu.memory_space<vmem>>, vector<1x16xf32>,
      }
      %scan3A_31 = arith.constant 8 : i32
    }
    %scan3A_3 = arith.constant 128 : i32
    %mul3A = arith.constant 640 : i32
    %mul3A_4 = arith.muli %arg1, %mul3A : i32
    %add3A = arith.constant 0 : i32
    %add3A_5 = arith.addi %mul3A_4, %add3A : i32
    "tpu.region"() ({
      %run_scoped3A = tpu.sem_alloc : memref<!tpu.dma_semaphore, #tpu.memory_space<semaphore_mem>>
      %dma_start3A = arith.constant 0 : i32
      %dma_start3A_22 = arith.constant 0 : i32
      %dma_start3A_23 = tpu.memref_slice %arg9[%dma_start3A, %dma_start3A_22] : memref<128x128xf32, #tpu.memory_space<vmem>> -> memref<128x128xf32, #tpu.memory_space<vmem>>
      %dma_start3A_24 = arith.constant 0 : i32
      %dma_start3A_25 = tpu.memref_slice %arg10[%add3A_5, %dma_start3A_24] : memref<10240x128xf32, #tpu.memory_space<vmem_shared>> -> memref<128x128xf32, #tpu.memory_space<vmem_shared>>
      %dma_start3A_26 = arith.constant 0 : i32
      %dma_start3A_27 = tpu.memref_slice %arg10[%add3A_5, %dma_start3A_26] : memref<10240x128xf32, #tpu.memory_space<vmem_shared>> -> memref<128x128xf32, #tpu.memory_space<vmem_shared>>
      %dma_start3A_28 = arith.constant 0 : i32
      %dma_start3A_29 = arith.constant 0 : i32
      %dma_start3A_30 = tpu.memref_slice %arg9[%dma_start3A_28, %dma_start3A_29] : memref<128x128xf32, #tpu.memory_space<vmem>> -> memref<128x128xf32, #tpu.memory_space<vmem>>
      tpu.enqueue_dma source(%dma_start3A_30 : memref<128x128xf32, #tpu.memory_space<vmem>>) target(%dma_start3A_27 : memref<128x128xf32, #tpu.memory_space<vmem_shared>>) target_semaphore(%run_scoped3A : memref<!tpu.dma_semaphore, #tpu.memory_space<semaphore_mem>>)
      %dma_wait3A = arith.constant 0 : i32
      %dma_wait3A_31 = arith.constant 0 : i32
      %dma_wait3A_32 = tpu.memref_slice %arg9[%dma_wait3A, %dma_wait3A_31] : memref<128x128xf32, #tpu.memory_space<vmem>> -> memref<128x128xf32, #tpu.memory_space<vmem>>
      %dma_wait3A_33 = arith.constant 0 : i32
      %dma_wait3A_34 = tpu.memref_slice %arg10[%add3A_5, %dma_wait3A_33] : memref<10240x128xf32, #tpu.memory_space<vmem_shared>> -> memref<128x128xf32, #tpu.memory_space<vmem_shared>>
      %dma_wait3A_35 = arith.constant 0 : i32
      %dma_wait3A_36 = tpu.memref_slice %arg10[%add3A_5, %dma_wait3A_35] : memref<10240x128xf32, #tpu.memory_space<vmem_shared>> -> memref<128x128xf32, #tpu.memory_space<vmem_shared>>
      %dma_wait3A_37 = arith.constant 0 : i32
      %dma_wait3A_38 = arith.constant 0 : i32
      %dma_wait3A_39 = tpu.memref_slice %arg9[%dma_wait3A_37, %dma_wait3A_38] : memref<128x128xf32, #tpu.memory_space<vmem>> -> memref<128x128xf32, #tpu.memory_space<vmem>>
      tpu.wait_dma2 semaphore(%run_scoped3A : memref<!tpu.dma_semaphore, #tpu.memory_space<semaphore_mem>>) src(%dma_wait3A_39 : memref<128x128xf32, #tpu.memory_space<vmem>>) dst(%dma_wait3A_36 : memref<128x128xf32, #tpu.memory_space<vmem_shared>>)
      tpu.yield
    }) : () -> ()
    %add3A_6 = arith.constant 128 : i32
    %add3A_7 = arith.addi %mul3A_4, %add3A_6 : i32
    "tpu.region"() ({
      %run_scoped3A = tpu.sem_alloc : memref<!tpu.dma_semaphore, #tpu.memory_space<semaphore_mem>>
      %dma_start3A = arith.constant 0 : i32
      %dma_start3A_22 = arith.constant 0 : i32
      %dma_start3A_23 = tpu.memref_slice %arg9[%dma_start3A, %dma_start3A_22] : memref<128x128xf32, #tpu.memory_space<vmem>> -> memref<128x128xf32, #tpu.memory_space<vmem>>
      %dma_start3A_24 = arith.constant 0 : i32
      %dma_start3A_25 = tpu.memref_slice %arg10[%add3A_7, %dma_start3A_24] : memref<10240x128xf32, #tpu.memory_space<vmem_shared>> -> memref<128x128xf32, #tpu.memory_space<vmem_shared>>
      %dma_start3A_26 = arith.constant 0 : i32
      %dma_start3A_27 = tpu.memref_slice %arg10[%add3A_7, %dma_start3A_26] : memref<10240x128xf32, #tpu.memory_space<vmem_shared>> -> memref<128x128xf32, #tpu.memory_space<vmem_shared>>
      %dma_start3A_28 = arith.constant 0 : i32
      %dma_start3A_29 = arith.constant 0 : i32
      %dma_start3A_30 = tpu.memref_slice %arg9[%dma_start3A_28, %dma_start3A_29] : memref<128x128xf32, #tpu.memory_space<vmem>> -> memref<128x128xf32, #tpu.memory_space<vmem>>
      tpu.enqueue_dma source(%dma_start3A_30 : memref<128x128xf32, #tpu.memory_space<vmem>>) target(%dma_start3A_27 : memref<128x128xf32, #tpu.memory_space<vmem_shared>>) target_semaphore(%run_scoped3A : memref<!tpu.dma_semaphore, #tpu.memory_space<semaphore_mem>>)
      %dma_wait3A = arith.constant 0 : i32
      %dma_wait3A_31 = arith.constant 0 : i32
      %dma_wait3A_32 = tpu.memref_slice %arg9[%dma_wait3A, %dma_wait3A_31] : memref<128x128xf32, #tpu.memory_space<vmem>> -> memref<128x128xf32, #tpu.memory_space<vmem>>
      %dma_wait3A_33 = arith.constant 0 : i32
      %dma_wait3A_34 = tpu.memref_slice %arg10[%add3A_7, %dma_wait3A_33] : memref<10240x128xf32, #tpu.memory_space<vmem_shared>> -> memref<128x128xf32, #tpu.memory_space<vmem_shared>>
      %dma_wait3A_35 = arith.constant 0 : i32
      %dma_wait3A_36 = tpu.memref_slice %arg10[%add3A_7, %dma_wait3A_35] : memref<10240x128xf32, #tpu.memory_space<vmem_shared>> -> memref<128x128xf32, #tpu.memory_space<vmem_shared>>
      %dma_wait3A_37 = arith.constant 0 : i32
      %dma_wait3A_38 = arith.constant 0 : i32
      %dma_wait3A_39 = tpu.memref_slice %arg9[%dma_wait3A_37, %dma_wait3A_38] : memref<128x128xf32, #tpu.memory_space<vmem>> -> memref<128x128xf32, #tpu.memory_space<vmem>>
      tpu.wait_dma2 semaphore(%run_scoped3A : memref<!tpu.dma_semaphore, #tpu.memory_space<semaphore_mem>>) src(%dma_wait3A_39 : memref<128x128xf32, #tpu.memory_space<vmem>>) dst(%dma_wait3A_36 : memref<128x128xf32, #tpu.memory_space<vmem_shared>>)
      tpu.yield
    }) : () -> ()
    %add3A_8 = arith.constant 256 : i32
    %add3A_9 = arith.addi %mul3A_4, %add3A_8 : i32
    "tpu.region"() ({
      %run_scoped3A = tpu.sem_alloc : memref<!tpu.dma_semaphore, #tpu.memory_space<semaphore_mem>>
      %dma_start3A = arith.constant 0 : i32
      %dma_start3A_22 = arith.constant 0 : i32
      %dma_start3A_23 = tpu.memref_slice %arg9[%dma_start3A, %dma_start3A_22] : memref<128x128xf32, #tpu.memory_space<vmem>> -> memref<128x128xf32, #tpu.memory_space<vmem>>
      %dma_start3A_24 = arith.constant 0 : i32
      %dma_start3A_25 = tpu.memref_slice %arg10[%add3A_9, %dma_start3A_24] : memref<10240x128xf32, #tpu.memory_space<vmem_shared>> -> memref<128x128xf32, #tpu.memory_space<vmem_shared>>
      %dma_start3A_26 = arith.constant 0 : i32
      %dma_start3A_27 = tpu.memref_slice %arg10[%add3A_9, %dma_start3A_26] : memref<10240x128xf32, #tpu.memory_space<vmem_shared>> -> memref<128x128xf32, #tpu.memory_space<vmem_shared>>
      %dma_start3A_28 = arith.constant 0 : i32
      %dma_start3A_29 = arith.constant 0 : i32
      %dma_start3A_30 = tpu.memref_slice %arg9[%dma_start3A_28, %dma_start3A_29] : memref<128x128xf32, #tpu.memory_space<vmem>> -> memref<128x128xf32, #tpu.memory_space<vmem>>
      tpu.enqueue_dma source(%dma_start3A_30 : memref<128x128xf32, #tpu.memory_space<vmem>>) target(%dma_start3A_27 : memref<128x128xf32, #tpu.memory_space<vmem_shared>>) target_semaphore(%run_scoped3A : memref<!tpu.dma_semaphore, #tpu.memory_space<semaphore_mem>>)
      %dma_wait3A = arith.constant 0 : i32
      %dma_wait3A_31 = arith.constant 0 : i32
      %dma_wait3A_32 = tpu.memref_slice %arg9[%dma_wait3A, %dma_wait3A_31] : memref<128x128xf32, #tpu.memory_space<vmem>> -> memref<128x128xf32, #tpu.memory_space<vmem>>
      %dma_wait3A_33 = arith.constant 0 : i32
      %dma_wait3A_34 = tpu.memref_slice %arg10[%add3A_9, %dma_wait3A_33] : memref<10240x128xf32, #tpu.memory_space<vmem_shared>> -> memref<128x128xf32, #tpu.memory_space<vmem_shared>>
      %dma_wait3A_35 = arith.constant 0 : i32
      %dma_wait3A_36 = tpu.memref_slice %arg10[%add3A_9, %dma_wait3A_35] : memref<10240x128xf32, #tpu.memory_space<vmem_shared>> -> memref<128x128xf32, #tpu.memory_space<vmem_shared>>
      %dma_wait3A_37 = arith.constant 0 : i32
      %dma_wait3A_38 = arith.constant 0 : i32
      %dma_wait3A_39 = tpu.memref_slice %arg9[%dma_wait3A_37, %dma_wait3A_38] : memref<128x128xf32, #tpu.memory_space<vmem>> -> memref<128x128xf32, #tpu.memory_space<vmem>>
      tpu.wait_dma2 semaphore(%run_scoped3A : memref<!tpu.dma_semaphore, #tpu.memory_space<semaphore_mem>>) src(%dma_wait3A_39 : memref<128x128xf32, #tpu.memory_space<vmem>>) dst(%dma_wait3A_36 : memref<128x128xf32, #tpu.memory_space<vmem_shared>>)
      tpu.yield
    }) : () -> ()
    %add3A_10 = arith.constant 384 : i32
    %add3A_11 = arith.addi %mul3A_4, %add3A_10 : i32
    "tpu.region"() ({
      %run_scoped3A = tpu.sem_alloc : memref<!tpu.dma_semaphore, #tpu.memory_space<semaphore_mem>>
      %dma_start3A = arith.constant 0 : i32
      %dma_start3A_22 = arith.constant 0 : i32
      %dma_start3A_23 = tpu.memref_slice %arg9[%dma_start3A, %dma_start3A_22] : memref<128x128xf32, #tpu.memory_space<vmem>> -> memref<128x128xf32, #tpu.memory_space<vmem>>
      %dma_start3A_24 = arith.constant 0 : i32
      %dma_start3A_25 = tpu.memref_slice %arg10[%add3A_11, %dma_start3A_24] : memref<10240x128xf32, #tpu.memory_space<vmem_shared>> -> memref<128x128xf32, #tpu.memory_space<vmem_shared>>
      %dma_start3A_26 = arith.constant 0 : i32
      %dma_start3A_27 = tpu.memref_slice %arg10[%add3A_11, %dma_start3A_26] : memref<10240x128xf32, #tpu.memory_space<vmem_shared>> -> memref<128x128xf32, #tpu.memory_space<vmem_shared>>
      %dma_start3A_28 = arith.constant 0 : i32
      %dma_start3A_29 = arith.constant 0 : i32
      %dma_start3A_30 = tpu.memref_slice %arg9[%dma_start3A_28, %dma_start3A_29] : memref<128x128xf32, #tpu.memory_space<vmem>> -> memref<128x128xf32, #tpu.memory_space<vmem>>
      tpu.enqueue_dma source(%dma_start3A_30 : memref<128x128xf32, #tpu.memory_space<vmem>>) target(%dma_start3A_27 : memref<128x128xf32, #tpu.memory_space<vmem_shared>>) target_semaphore(%run_scoped3A : memref<!tpu.dma_semaphore, #tpu.memory_space<semaphore_mem>>)
      %dma_wait3A = arith.constant 0 : i32
      %dma_wait3A_31 = arith.constant 0 : i32
      %dma_wait3A_32 = tpu.memref_slice %arg9[%dma_wait3A, %dma_wait3A_31] : memref<128x128xf32, #tpu.memory_space<vmem>> -> memref<128x128xf32, #tpu.memory_space<vmem>>
      %dma_wait3A_33 = arith.constant 0 : i32
      %dma_wait3A_34 = tpu.memref_slice %arg10[%add3A_11, %dma_wait3A_33] : memref<10240x128xf32, #tpu.memory_space<vmem_shared>> -> memref<128x128xf32, #tpu.memory_space<vmem_shared>>
      %dma_wait3A_35 = arith.constant 0 : i32
      %dma_wait3A_36 = tpu.memref_slice %arg10[%add3A_11, %dma_wait3A_35] : memref<10240x128xf32, #tpu.memory_space<vmem_shared>> -> memref<128x128xf32, #tpu.memory_space<vmem_shared>>
      %dma_wait3A_37 = arith.constant 0 : i32
      %dma_wait3A_38 = arith.constant 0 : i32
      %dma_wait3A_39 = tpu.memref_slice %arg9[%dma_wait3A_37, %dma_wait3A_38] : memref<128x128xf32, #tpu.memory_space<vmem>> -> memref<128x128xf32, #tpu.memory_space<vmem>>
      tpu.wait_dma2 semaphore(%run_scoped3A : memref<!tpu.dma_semaphore, #tpu.memory_space<semaphore_mem>>) src(%dma_wait3A_39 : memref<128x128xf32, #tpu.memory_space<vmem>>) dst(%dma_wait3A_36 : memref<128x128xf32, #tpu.memory_space<vmem_shared>>)
      tpu.yield
    }) : () -> ()
    %add3A_12 = arith.constant 512 : i32
    %add3A_13 = arith.addi %mul3A_4, %add3A_12 : i32
    "tpu.region"() ({
      %run_scoped3A = tpu.sem_alloc : memref<!tpu.dma_semaphore, #tpu.memory_space<semaphore_mem>>
      %dma_start3A = arith.constant 0 : i32
      %dma_start3A_22 = arith.constant 0 : i32
      %dma_start3A_23 = tpu.memref_slice %arg9[%dma_start3A, %dma_start3A_22] : memref<128x128xf32, #tpu.memory_space<vmem>> -> memref<128x128xf32, #tpu.memory_space<vmem>>
      %dma_start3A_24 = arith.constant 0 : i32
      %dma_start3A_25 = tpu.memref_slice %arg10[%add3A_13, %dma_start3A_24] : memref<10240x128xf32, #tpu.memory_space<vmem_shared>> -> memref<128x128xf32, #tpu.memory_space<vmem_shared>>
      %dma_start3A_26 = arith.constant 0 : i32
      %dma_start3A_27 = tpu.memref_slice %arg10[%add3A_13, %dma_start3A_26] : memref<10240x128xf32, #tpu.memory_space<vmem_shared>> -> memref<128x128xf32, #tpu.memory_space<vmem_shared>>
      %dma_start3A_28 = arith.constant 0 : i32
      %dma_start3A_29 = arith.constant 0 : i32
      %dma_start3A_30 = tpu.memref_slice %arg9[%dma_start3A_28, %dma_start3A_29] : memref<128x128xf32, #tpu.memory_space<vmem>> -> memref<128x128xf32, #tpu.memory_space<vmem>>
      tpu.enqueue_dma source(%dma_start3A_30 : memref<128x128xf32, #tpu.memory_space<vmem>>) target(%dma_start3A_27 : memref<128x128xf32, #tpu.memory_space<vmem_shared>>) target_semaphore(%run_scoped3A : memref<!tpu.dma_semaphore, #tpu.memory_space<semaphore_mem>>)
      %dma_wait3A = arith.constant 0 : i32
      %dma_wait3A_31 = arith.constant 0 : i32
      %dma_wait3A_32 = tpu.memref_slice %arg9[%dma_wait3A, %dma_wait3A_31] : memref<128x128xf32, #tpu.memory_space<vmem>> -> memref<128x128xf32, #tpu.memory_space<vmem>>
      %dma_wait3A_33 = arith.constant 0 : i32
      %dma_wait3A_34 = tpu.memref_slice %arg10[%add3A_13, %dma_wait3A_33] : memref<10240x128xf32, #tpu.memory_space<vmem_shared>> -> memref<128x128xf32, #tpu.memory_space<vmem_shared>>
      %dma_wait3A_35 = arith.constant 0 : i32
      %dma_wait3A_36 = tpu.memref_slice %arg10[%add3A_13, %dma_wait3A_35] : memref<10240x128xf32, #tpu.memory_space<vmem_shared>> -> memref<128x128xf32, #tpu.memory_space<vmem_shared>>
      %dma_wait3A_37 = arith.constant 0 : i32
      %dma_wait3A_38 = arith.constant 0 : i32
      %dma_wait3A_39 = tpu.memref_slice %arg9[%dma_wait3A_37, %dma_wait3A_38] : memref<128x128xf32, #tpu.memory_space<vmem>> -> memref<128x128xf32, #tpu.memory_space<vmem>>
      tpu.wait_dma2 semaphore(%run_scoped3A : memref<!tpu.dma_semaphore, #tpu.memory_space<semaphore_mem>>) src(%dma_wait3A_39 : memref<128x128xf32, #tpu.memory_space<vmem>>) dst(%dma_wait3A_36 : memref<128x128xf32, #tpu.memory_space<vmem_shared>>)
      tpu.yield
    }) : () -> ()
    %barrier3A = arith.constant 0 : index
    tpu.barrier barrier_id(%barrier3A)
    %scan3A_14 = arith.constant 0 : i32
    %scan3A_15 = arith.constant 42 : i32
    %scan3A_16 = arith.addi %scan3A_14, %scan3A_15 : i32
    %scan3A_17 = arith.constant 1 : i32
    scf.for %scan3A_22 = %scan3A_14 to %scan3A_16 step %scan3A_17  : i32 {
      %mul3A_23 = arith.constant 1 : i32
      %mul3A_24 = arith.muli %scan3A_22, %mul3A_23 : i32
      %add3A_25 = arith.constant 0 : i32
      %add3A_26 = arith.addi %add3A_25, %mul3A_24 : i32
      %mul3A_27 = arith.constant 672 : i32
      %mul3A_28 = arith.muli %arg0, %mul3A_27 : i32
      %mul3A_29 = arith.constant 42 : i32
      %mul3A_30 = arith.muli %arg1, %mul3A_29 : i32
      %add3A_31 = arith.addi %mul3A_28, %mul3A_30 : i32
      %add3A_32 = arith.addi %add3A_31, %add3A_26 : i32
      %mul3A_33 = arith.constant 128 : i32
      %mul3A_34 = arith.muli %add3A_32, %mul3A_33 : i32
      %run_scoped3A = arith.constant 0 : i32
      "tpu.region"() ({
        %run_scoped3A_49 = tpu.sem_alloc : memref<!tpu.dma_semaphore, #tpu.memory_space<semaphore_mem>>
        %dma_start3A_50 = arith.constant 0 : i32
        %dma_start3A_51 = tpu.memref_slice %arg6[%run_scoped3A, %dma_start3A_50] : memref<2x128xi32, #tpu.memory_space<vmem>> -> memref<1x128xi32, #tpu.memory_space<vmem>>
        %dma_start3A_52 = tpu.memref_squeeze %dma_start3A_51 : memref<1x128xi32, #tpu.memory_space<vmem>> -> memref<128xi32, #tpu.memory_space<vmem>>
        %dma_start3A_53 = tpu.memref_slice %arg3[%mul3A_34] : memref<172032xi32, #tpu.memory_space<hbm>> -> memref<128xi32, #tpu.memory_space<hbm>>
        %dma_start3A_54 = arith.constant 0 : i32
        %dma_start3A_55 = tpu.memref_slice %arg6[%run_scoped3A, %dma_start3A_54] : memref<2x128xi32, #tpu.memory_space<vmem>> -> memref<1x128xi32, #tpu.memory_space<vmem>>
        %dma_start3A_56 = tpu.memref_squeeze %dma_start3A_55 : memref<1x128xi32, #tpu.memory_space<vmem>> -> memref<128xi32, #tpu.memory_space<vmem>>
        %dma_start3A_57 = tpu.memref_slice %arg3[%mul3A_34] : memref<172032xi32, #tpu.memory_space<hbm>> -> memref<128xi32, #tpu.memory_space<hbm>>
        tpu.enqueue_dma source(%dma_start3A_57 : memref<128xi32, #tpu.memory_space<hbm>>) target(%dma_start3A_56 : memref<128xi32, #tpu.memory_space<vmem>>) target_semaphore(%run_scoped3A_49 : memref<!tpu.dma_semaphore, #tpu.memory_space<semaphore_mem>>)
        %dma_wait3A_58 = arith.constant 0 : i32
        %dma_wait3A_59 = tpu.memref_slice %arg6[%run_scoped3A, %dma_wait3A_58] : memref<2x128xi32, #tpu.memory_space<vmem>> -> memref<1x128xi32, #tpu.memory_space<vmem>>
        %dma_wait3A_60 = tpu.memref_squeeze %dma_wait3A_59 : memref<1x128xi32, #tpu.memory_space<vmem>> -> memref<128xi32, #tpu.memory_space<vmem>>
        %dma_wait3A_61 = tpu.memref_slice %arg3[%mul3A_34] : memref<172032xi32, #tpu.memory_space<hbm>> -> memref<128xi32, #tpu.memory_space<hbm>>
        %dma_wait3A_62 = arith.constant 0 : i32
        %dma_wait3A_63 = tpu.memref_slice %arg6[%run_scoped3A, %dma_wait3A_62] : memref<2x128xi32, #tpu.memory_space<vmem>> -> memref<1x128xi32, #tpu.memory_space<vmem>>
        %dma_wait3A_64 = tpu.memref_squeeze %dma_wait3A_63 : memref<1x128xi32, #tpu.memory_space<vmem>> -> memref<128xi32, #tpu.memory_space<vmem>>
        %dma_wait3A_65 = tpu.memref_slice %arg3[%mul3A_34] : memref<172032xi32, #tpu.memory_space<hbm>> -> memref<128xi32, #tpu.memory_space<hbm>>
        tpu.wait_dma2 semaphore(%run_scoped3A_49 : memref<!tpu.dma_semaphore, #tpu.memory_space<semaphore_mem>>) src(%dma_wait3A_65 : memref<128xi32, #tpu.memory_space<hbm>>) dst(%dma_wait3A_64 : memref<128xi32, #tpu.memory_space<vmem>>)
        tpu.yield
      }) : () -> ()
      %run_scoped3A_35 = arith.constant 0 : i32
      "tpu.region"() ({
        %run_scoped3A_49 = tpu.sem_alloc : memref<!tpu.dma_semaphore, #tpu.memory_space<semaphore_mem>>
        %dma_start3A_50 = arith.constant 0 : i32
        %dma_start3A_51 = tpu.memref_slice %arg7[%run_scoped3A_35, %dma_start3A_50] : memref<2x128xi32, #tpu.memory_space<vmem>> -> memref<1x128xi32, #tpu.memory_space<vmem>>
        %dma_start3A_52 = tpu.memref_squeeze %dma_start3A_51 : memref<1x128xi32, #tpu.memory_space<vmem>> -> memref<128xi32, #tpu.memory_space<vmem>>
        %dma_start3A_53 = tpu.memref_slice %arg4[%mul3A_34] : memref<172032xi32, #tpu.memory_space<hbm>> -> memref<128xi32, #tpu.memory_space<hbm>>
        %dma_start3A_54 = arith.constant 0 : i32
        %dma_start3A_55 = tpu.memref_slice %arg7[%run_scoped3A_35, %dma_start3A_54] : memref<2x128xi32, #tpu.memory_space<vmem>> -> memref<1x128xi32, #tpu.memory_space<vmem>>
        %dma_start3A_56 = tpu.memref_squeeze %dma_start3A_55 : memref<1x128xi32, #tpu.memory_space<vmem>> -> memref<128xi32, #tpu.memory_space<vmem>>
        %dma_start3A_57 = tpu.memref_slice %arg4[%mul3A_34] : memref<172032xi32, #tpu.memory_space<hbm>> -> memref<128xi32, #tpu.memory_space<hbm>>
        tpu.enqueue_dma source(%dma_start3A_57 : memref<128xi32, #tpu.memory_space<hbm>>) target(%dma_start3A_56 : memref<128xi32, #tpu.memory_space<vmem>>) target_semaphore(%run_scoped3A_49 : memref<!tpu.dma_semaphore, #tpu.memory_space<semaphore_mem>>)
        %dma_wait3A_58 = arith.constant 0 : i32
        %dma_wait3A_59 = tpu.memref_slice %arg7[%run_scoped3A_35, %dma_wait3A_58] : memref<2x128xi32, #tpu.memory_space<vmem>> -> memref<1x128xi32, #tpu.memory_space<vmem>>
        %dma_wait3A_60 = tpu.memref_squeeze %dma_wait3A_59 : memref<1x128xi32, #tpu.memory_space<vmem>> -> memref<128xi32, #tpu.memory_space<vmem>>
        %dma_wait3A_61 = tpu.memref_slice %arg4[%mul3A_34] : memref<172032xi32, #tpu.memory_space<hbm>> -> memref<128xi32, #tpu.memory_space<hbm>>
        %dma_wait3A_62 = arith.constant 0 : i32
        %dma_wait3A_63 = tpu.memref_slice %arg7[%run_scoped3A_35, %dma_wait3A_62] : memref<2x128xi32, #tpu.memory_space<vmem>> -> memref<1x128xi32, #tpu.memory_space<vmem>>
        %dma_wait3A_64 = tpu.memref_squeeze %dma_wait3A_63 : memref<1x128xi32, #tpu.memory_space<vmem>> -> memref<128xi32, #tpu.memory_space<vmem>>
        %dma_wait3A_65 = tpu.memref_slice %arg4[%mul3A_34] : memref<172032xi32, #tpu.memory_space<hbm>> -> memref<128xi32, #tpu.memory_space<hbm>>
        tpu.wait_dma2 semaphore(%run_scoped3A_49 : memref<!tpu.dma_semaphore, #tpu.memory_space<semaphore_mem>>) src(%dma_wait3A_65 : memref<128xi32, #tpu.memory_space<hbm>>) dst(%dma_wait3A_64 : memref<128xi32, #tpu.memory_space<vmem>>)
        tpu.yield
      }) : () -> ()
      %dma_start3A = arith.constant 0 : i32
      %dma_start3A_36 = arith.constant 0 : i32
      %dma_start3A_37 = tpu.memref_slice %arg6[%dma_start3A, %dma_start3A_36] : memref<2x128xi32, #tpu.memory_space<vmem>> -> memref<1x128xi32, #tpu.memory_space<vmem>>
      %dma_start3A_38 = tpu.memref_squeeze %dma_start3A_37 : memref<1x128xi32, #tpu.memory_space<vmem>> -> memref<128xi32, #tpu.memory_space<vmem>>
      %dma_start3A_39 = arith.constant 0 : i32
      %dma_start3A_40 = arith.constant 0 : i32
      %dma_start3A_41 = tpu.memref_slice %arg2[%dma_start3A_39, %dma_start3A_40] : memref<10000x128xf32, #tpu.memory_space<hbm>> -> memref<10000x128xf32, #tpu.memory_space<hbm>>
      tpu.enqueue_indirect_dma source(%dma_start3A_41 : memref<10000x128xf32, #tpu.memory_space<hbm>>) target(%arg8 : memref<128x128xf32, #tpu.memory_space<vmem>>) offsets(%dma_start3A_38 : memref<128xi32, #tpu.memory_space<vmem>>) semaphore(%arg11 : memref<!tpu.dma_semaphore, #tpu.memory_space<semaphore_mem>>)
      %dma_wait3A = arith.constant 0 : i32
      %dma_wait3A_42 = arith.constant 0 : i32
      %dma_wait3A_43 = tpu.memref_slice %arg6[%dma_wait3A, %dma_wait3A_42] : memref<2x128xi32, #tpu.memory_space<vmem>> -> memref<1x128xi32, #tpu.memory_space<vmem>>
      %dma_wait3A_44 = tpu.memref_squeeze %dma_wait3A_43 : memref<1x128xi32, #tpu.memory_space<vmem>> -> memref<128xi32, #tpu.memory_space<vmem>>
      %dma_wait3A_45 = arith.constant 0 : i32
      %dma_wait3A_46 = arith.constant 0 : i32
      %dma_wait3A_47 = tpu.memref_slice %arg2[%dma_wait3A_45, %dma_wait3A_46] : memref<10000x128xf32, #tpu.memory_space<hbm>> -> memref<10000x128xf32, #tpu.memory_space<hbm>>
      tpu.wait_indirect_dma semaphore(%arg11 : memref<!tpu.dma_semaphore, #tpu.memory_space<semaphore_mem>>) src(%dma_wait3A_47 : memref<10000x128xf32, #tpu.memory_space<hbm>>) dst(%arg8 : memref<128x128xf32, #tpu.memory_space<vmem>>)
      %run_scoped3A_48 = arith.constant 0 : i32
      "tpu.region"() ({
        %run_scoped3A_49 = tpu.sem_alloc : memref<!tpu.dma_semaphore, #tpu.memory_space<semaphore_mem>>
        %dma_start3A_50 = arith.constant 0 : i32
        %dma_start3A_51 = tpu.memref_slice %arg7[%run_scoped3A_48, %dma_start3A_50] : memref<2x128xi32, #tpu.memory_space<vmem>> -> memref<1x128xi32, #tpu.memory_space<vmem>>
        %dma_start3A_52 = tpu.memref_squeeze %dma_start3A_51 : memref<1x128xi32, #tpu.memory_space<vmem>> -> memref<128xi32, #tpu.memory_space<vmem>>
        %dma_start3A_53 = arith.constant 0 : i32
        %dma_start3A_54 = arith.constant 0 : i32
        %dma_start3A_55 = tpu.memref_slice %arg10[%dma_start3A_53, %dma_start3A_54] : memref<10240x128xf32, #tpu.memory_space<vmem_shared>> -> memref<10240x128xf32, #tpu.memory_space<vmem_shared>>
        tpu.enqueue_indirect_dma source(%arg8 : memref<128x128xf32, #tpu.memory_space<vmem>>) target(%dma_start3A_55 : memref<10240x128xf32, #tpu.memory_space<vmem_shared>>) offsets(%dma_start3A_52 : memref<128xi32, #tpu.memory_space<vmem>>) semaphore(%run_scoped3A_49 : memref<!tpu.dma_semaphore, #tpu.memory_space<semaphore_mem>>) {add = true}
        %dma_wait3A_56 = arith.constant 0 : i32
        %dma_wait3A_57 = tpu.memref_slice %arg7[%run_scoped3A_48, %dma_wait3A_56] : memref<2x128xi32, #tpu.memory_space<vmem>> -> memref<1x128xi32, #tpu.memory_space<vmem>>
        %dma_wait3A_58 = tpu.memref_squeeze %dma_wait3A_57 : memref<1x128xi32, #tpu.memory_space<vmem>> -> memref<128xi32, #tpu.memory_space<vmem>>
        %dma_wait3A_59 = arith.constant 0 : i32
        %dma_wait3A_60 = arith.constant 0 : i32
        %dma_wait3A_61 = tpu.memref_slice %arg10[%dma_wait3A_59, %dma_wait3A_60] : memref<10240x128xf32, #tpu.memory_space<vmem_shared>> -> memref<10240x128xf32, #tpu.memory_space<vmem_shared>>
        tpu.wait_indirect_dma semaphore(%run_scoped3A_49 : memref<!tpu.dma_semaphore, #tpu.memory_space<semaphore_mem>>) src(%arg8 : memref<128x128xf32, #tpu.memory_space<vmem>>) dst(%dma_wait3A_61 : memref<10240x128xf32, #tpu.memory_space<vmem_shared>>)
        tpu.yield
      }) : () -> ()
    }
    %scan3A_18 = arith.constant 42 : i32
    %barrier3A_19 = arith.constant 0 : index
    tpu.barrier barrier_id(%barrier3A_19)
    %mul3A_20 = arith.constant 640 : i32
    %mul3A_21 = arith.muli %arg1, %mul3A_20 : i32
    "tpu.region"() ({
      %run_scoped3A = tpu.sem_alloc : memref<!tpu.dma_semaphore, #tpu.memory_space<semaphore_mem>>
      %dma_start3A = arith.constant 0 : i32
      %dma_start3A_22 = arith.constant 0 : i32
      %dma_start3A_23 = tpu.memref_slice %arg5[%arg0, %dma_start3A, %dma_start3A_22] : memref<2x10240x128xf32, #tpu.memory_space<hbm>> -> memref<1x10240x128xf32, #tpu.memory_space<hbm>>
      %dma_start3A_24 = tpu.memref_squeeze %dma_start3A_23 : memref<1x10240x128xf32, #tpu.memory_space<hbm>> -> memref<10240x128xf32, #tpu.memory_space<hbm>>
      %dma_start3A_25 = arith.constant 0 : i32
      %dma_start3A_26 = tpu.memref_slice %dma_start3A_24[%mul3A_21, %dma_start3A_25] : memref<10240x128xf32, #tpu.memory_space<hbm>> -> memref<640x128xf32, #tpu.memory_space<hbm>>
      %dma_start3A_27 = arith.constant 0 : i32
      %dma_start3A_28 = tpu.memref_slice %arg10[%mul3A_21, %dma_start3A_27] : memref<10240x128xf32, #tpu.memory_space<vmem_shared>> -> memref<640x128xf32, #tpu.memory_space<vmem_shared>>
      tpu.enqueue_dma source(%dma_start3A_28 : memref<640x128xf32, #tpu.memory_space<vmem_shared>>) target(%dma_start3A_26 : memref<640x128xf32, #tpu.memory_space<hbm>>) target_semaphore(%run_scoped3A : memref<!tpu.dma_semaphore, #tpu.memory_space<semaphore_mem>>)
      %dma_wait3A = arith.constant 0 : i32
      %dma_wait3A_29 = arith.constant 0 : i32
      %dma_wait3A_30 = tpu.memref_slice %arg5[%arg0, %dma_wait3A, %dma_wait3A_29] : memref<2x10240x128xf32, #tpu.memory_space<hbm>> -> memref<1x10240x128xf32, #tpu.memory_space<hbm>>
      %dma_wait3A_31 = tpu.memref_squeeze %dma_wait3A_30 : memref<1x10240x128xf32, #tpu.memory_space<hbm>> -> memref<10240x128xf32, #tpu.memory_space<hbm>>
      %dma_wait3A_32 = arith.constant 0 : i32
      %dma_wait3A_33 = tpu.memref_slice %dma_wait3A_31[%mul3A_21, %dma_wait3A_32] : memref<10240x128xf32, #tpu.memory_space<hbm>> -> memref<640x128xf32, #tpu.memory_space<hbm>>
      %dma_wait3A_34 = arith.constant 0 : i32
      %dma_wait3A_35 = tpu.memref_slice %arg10[%mul3A_21, %dma_wait3A_34] : memref<10240x128xf32, #tpu.memory_space<vmem_shared>> -> memref<640x128xf32, #tpu.memory_space<vmem_shared>>
      tpu.wait_dma2 semaphore(%run_scoped3A : memref<!tpu.dma_semaphore, #tpu.memory_space<semaphore_mem>>) src(%dma_wait3A_35 : memref<640x128xf32, #tpu.memory_space<vmem_shared>>) dst(%dma_wait3A_33 : memref<640x128xf32, #tpu.memory_space<hbm>>)
      tpu.yield
    }) : () -> ()
    return
  }
}

#map = affine_map<(d0, d1) -> (0, 0, 0)>
#map1 = affine_map<(d0, d1) -> (0)>
module attributes {stable_mosaic.version = 14 : i64} {
  func.func @_prop(%arg0: i32, %arg1: i32, %arg2: memref<4x10000x128xf32, #tpu.memory_space<hbm>>, %arg3: memref<172032xi32, #tpu.memory_space<hbm>>, %arg4: memref<172032xi32, #tpu.memory_space<hbm>>, %arg5: memref<4x10240x128xf32, #tpu.memory_space<hbm>>, %arg6: memref<2x128xi32, #tpu.memory_space<vmem>>, %arg7: memref<2x128xi32, #tpu.memory_space<vmem>>, %arg8: memref<128x128xf32, #tpu.memory_space<vmem>>, %arg9: memref<128x128xf32, #tpu.memory_space<vmem>>, %arg10: memref<10240x128xf32, #tpu.memory_space<vmem_shared>>, %arg11: memref<!tpu.dma_semaphore, #tpu.memory_space<semaphore_mem>>) attributes {dimension_semantics = [#tpu.dimension_semantics<core_parallel>, #tpu.dimension_semantics<subcore_parallel>], iteration_bounds = array<i64: 2, 16>, scalar_prefetch = 0 : i64, scratch_operands = 6 : i64, tpu.core_type = #tpu.core_type<sc_vector_subcore>, window_params = [{transform_indices = #map}, {transform_indices = #map1}, {transform_indices = #map1}, {transform_indices = #map}]} {
    %scan3A = arith.constant 0 : i32
    %scan3A_0 = arith.constant 128 : i32
    %scan3A_1 = arith.addi %scan3A, %scan3A_0 : i32
    %scan3A_2 = arith.constant 1 : i32
    scf.for %scan3A_53 = %scan3A to %scan3A_1 step %scan3A_2  : i32 {
      %mul3A_54 = arith.constant 1 : i32
      %mul3A_55 = arith.muli %scan3A_53, %mul3A_54 : i32
      %add3A_56 = arith.constant 0 : i32
      %add3A_57 = arith.addi %add3A_56, %mul3A_55 : i32
      %scan3A_58 = arith.constant 0 : i32
      %scan3A_59 = arith.constant 8 : i32
      %scan3A_60 = arith.addi %scan3A_58, %scan3A_59 : i32
      %scan3A_61 = arith.constant 1 : i32
      scf.for %scan3A_63 = %scan3A_58 to %scan3A_60 step %scan3A_61  : i32 {
        %mul3A_64 = arith.constant 16 : i32
        %mul3A_65 = arith.muli %scan3A_63, %mul3A_64 : i32
        %add3A_66 = arith.constant 0 : i32
        %add3A_67 = arith.addi %add3A_66, %mul3A_65 : i32
        %broadcast_in_dim3A = arith.constant 0.000000e+00 : f32
        %broadcast_in_dim3A_68 = vector.broadcast %broadcast_in_dim3A : f32 to vector<16xf32>
        %swap3A = arith.index_cast %add3A_57 : i32 to index
        %swap3A_69 = arith.index_cast %add3A_67 : i32 to index
        %swap3A_70 = tpu.vector_load %arg9[%swap3A, %swap3A_69] {strides = array<i32>} : memref<128x128xf32, #tpu.memory_space<vmem>>, vector<1x16xf32>,
        %swap3A_71 = vector.shape_cast %swap3A_70 : vector<1x16xf32> to vector<16xf32>
        %swap3A_72 = vector.shape_cast %broadcast_in_dim3A_68 : vector<16xf32> to vector<1x16xf32>
        tpu.vector_store %arg9[%swap3A, %swap3A_69], %swap3A_72 {strides = array<i32>} : memref<128x128xf32, #tpu.memory_space<vmem>>, vector<1x16xf32>,
      }
      %scan3A_62 = arith.constant 8 : i32
    }
    %scan3A_3 = arith.constant 128 : i32
    %mul3A = arith.constant 2 : i32
    %mul3A_4 = arith.muli %arg0, %mul3A : i32
    %add3A = arith.constant 0 : i32
    %add3A_5 = arith.addi %mul3A_4, %add3A : i32
    %mul3A_6 = arith.constant 640 : i32
    %mul3A_7 = arith.muli %arg1, %mul3A_6 : i32
    %add3A_8 = arith.constant 0 : i32
    %add3A_9 = arith.addi %mul3A_7, %add3A_8 : i32
    "tpu.region"() ({
      %run_scoped3A = tpu.sem_alloc : memref<!tpu.dma_semaphore, #tpu.memory_space<semaphore_mem>>
      %dma_start3A = arith.constant 0 : i32
      %dma_start3A_53 = arith.constant 0 : i32
      %dma_start3A_54 = tpu.memref_slice %arg9[%dma_start3A, %dma_start3A_53] : memref<128x128xf32, #tpu.memory_space<vmem>> -> memref<128x128xf32, #tpu.memory_space<vmem>>
      %dma_start3A_55 = arith.constant 0 : i32
      %dma_start3A_56 = tpu.memref_slice %arg10[%add3A_9, %dma_start3A_55] : memref<10240x128xf32, #tpu.memory_space<vmem_shared>> -> memref<128x128xf32, #tpu.memory_space<vmem_shared>>
      %dma_start3A_57 = arith.constant 0 : i32
      %dma_start3A_58 = tpu.memref_slice %arg10[%add3A_9, %dma_start3A_57] : memref<10240x128xf32, #tpu.memory_space<vmem_shared>> -> memref<128x128xf32, #tpu.memory_space<vmem_shared>>
      %dma_start3A_59 = arith.constant 0 : i32
      %dma_start3A_60 = arith.constant 0 : i32
      %dma_start3A_61 = tpu.memref_slice %arg9[%dma_start3A_59, %dma_start3A_60] : memref<128x128xf32, #tpu.memory_space<vmem>> -> memref<128x128xf32, #tpu.memory_space<vmem>>
      tpu.enqueue_dma source(%dma_start3A_61 : memref<128x128xf32, #tpu.memory_space<vmem>>) target(%dma_start3A_58 : memref<128x128xf32, #tpu.memory_space<vmem_shared>>) target_semaphore(%run_scoped3A : memref<!tpu.dma_semaphore, #tpu.memory_space<semaphore_mem>>)
      %dma_wait3A = arith.constant 0 : i32
      %dma_wait3A_62 = arith.constant 0 : i32
      %dma_wait3A_63 = tpu.memref_slice %arg9[%dma_wait3A, %dma_wait3A_62] : memref<128x128xf32, #tpu.memory_space<vmem>> -> memref<128x128xf32, #tpu.memory_space<vmem>>
      %dma_wait3A_64 = arith.constant 0 : i32
      %dma_wait3A_65 = tpu.memref_slice %arg10[%add3A_9, %dma_wait3A_64] : memref<10240x128xf32, #tpu.memory_space<vmem_shared>> -> memref<128x128xf32, #tpu.memory_space<vmem_shared>>
      %dma_wait3A_66 = arith.constant 0 : i32
      %dma_wait3A_67 = tpu.memref_slice %arg10[%add3A_9, %dma_wait3A_66] : memref<10240x128xf32, #tpu.memory_space<vmem_shared>> -> memref<128x128xf32, #tpu.memory_space<vmem_shared>>
      %dma_wait3A_68 = arith.constant 0 : i32
      %dma_wait3A_69 = arith.constant 0 : i32
      %dma_wait3A_70 = tpu.memref_slice %arg9[%dma_wait3A_68, %dma_wait3A_69] : memref<128x128xf32, #tpu.memory_space<vmem>> -> memref<128x128xf32, #tpu.memory_space<vmem>>
      tpu.wait_dma2 semaphore(%run_scoped3A : memref<!tpu.dma_semaphore, #tpu.memory_space<semaphore_mem>>) src(%dma_wait3A_70 : memref<128x128xf32, #tpu.memory_space<vmem>>) dst(%dma_wait3A_67 : memref<128x128xf32, #tpu.memory_space<vmem_shared>>)
      tpu.yield
    }) : () -> ()
    %add3A_10 = arith.constant 128 : i32
    %add3A_11 = arith.addi %mul3A_7, %add3A_10 : i32
    "tpu.region"() ({
      %run_scoped3A = tpu.sem_alloc : memref<!tpu.dma_semaphore, #tpu.memory_space<semaphore_mem>>
      %dma_start3A = arith.constant 0 : i32
      %dma_start3A_53 = arith.constant 0 : i32
      %dma_start3A_54 = tpu.memref_slice %arg9[%dma_start3A, %dma_start3A_53] : memref<128x128xf32, #tpu.memory_space<vmem>> -> memref<128x128xf32, #tpu.memory_space<vmem>>
      %dma_start3A_55 = arith.constant 0 : i32
      %dma_start3A_56 = tpu.memref_slice %arg10[%add3A_11, %dma_start3A_55] : memref<10240x128xf32, #tpu.memory_space<vmem_shared>> -> memref<128x128xf32, #tpu.memory_space<vmem_shared>>
      %dma_start3A_57 = arith.constant 0 : i32
      %dma_start3A_58 = tpu.memref_slice %arg10[%add3A_11, %dma_start3A_57] : memref<10240x128xf32, #tpu.memory_space<vmem_shared>> -> memref<128x128xf32, #tpu.memory_space<vmem_shared>>
      %dma_start3A_59 = arith.constant 0 : i32
      %dma_start3A_60 = arith.constant 0 : i32
      %dma_start3A_61 = tpu.memref_slice %arg9[%dma_start3A_59, %dma_start3A_60] : memref<128x128xf32, #tpu.memory_space<vmem>> -> memref<128x128xf32, #tpu.memory_space<vmem>>
      tpu.enqueue_dma source(%dma_start3A_61 : memref<128x128xf32, #tpu.memory_space<vmem>>) target(%dma_start3A_58 : memref<128x128xf32, #tpu.memory_space<vmem_shared>>) target_semaphore(%run_scoped3A : memref<!tpu.dma_semaphore, #tpu.memory_space<semaphore_mem>>)
      %dma_wait3A = arith.constant 0 : i32
      %dma_wait3A_62 = arith.constant 0 : i32
      %dma_wait3A_63 = tpu.memref_slice %arg9[%dma_wait3A, %dma_wait3A_62] : memref<128x128xf32, #tpu.memory_space<vmem>> -> memref<128x128xf32, #tpu.memory_space<vmem>>
      %dma_wait3A_64 = arith.constant 0 : i32
      %dma_wait3A_65 = tpu.memref_slice %arg10[%add3A_11, %dma_wait3A_64] : memref<10240x128xf32, #tpu.memory_space<vmem_shared>> -> memref<128x128xf32, #tpu.memory_space<vmem_shared>>
      %dma_wait3A_66 = arith.constant 0 : i32
      %dma_wait3A_67 = tpu.memref_slice %arg10[%add3A_11, %dma_wait3A_66] : memref<10240x128xf32, #tpu.memory_space<vmem_shared>> -> memref<128x128xf32, #tpu.memory_space<vmem_shared>>
      %dma_wait3A_68 = arith.constant 0 : i32
      %dma_wait3A_69 = arith.constant 0 : i32
      %dma_wait3A_70 = tpu.memref_slice %arg9[%dma_wait3A_68, %dma_wait3A_69] : memref<128x128xf32, #tpu.memory_space<vmem>> -> memref<128x128xf32, #tpu.memory_space<vmem>>
      tpu.wait_dma2 semaphore(%run_scoped3A : memref<!tpu.dma_semaphore, #tpu.memory_space<semaphore_mem>>) src(%dma_wait3A_70 : memref<128x128xf32, #tpu.memory_space<vmem>>) dst(%dma_wait3A_67 : memref<128x128xf32, #tpu.memory_space<vmem_shared>>)
      tpu.yield
    }) : () -> ()
    %add3A_12 = arith.constant 256 : i32
    %add3A_13 = arith.addi %mul3A_7, %add3A_12 : i32
    "tpu.region"() ({
      %run_scoped3A = tpu.sem_alloc : memref<!tpu.dma_semaphore, #tpu.memory_space<semaphore_mem>>
      %dma_start3A = arith.constant 0 : i32
      %dma_start3A_53 = arith.constant 0 : i32
      %dma_start3A_54 = tpu.memref_slice %arg9[%dma_start3A, %dma_start3A_53] : memref<128x128xf32, #tpu.memory_space<vmem>> -> memref<128x128xf32, #tpu.memory_space<vmem>>
      %dma_start3A_55 = arith.constant 0 : i32
      %dma_start3A_56 = tpu.memref_slice %arg10[%add3A_13, %dma_start3A_55] : memref<10240x128xf32, #tpu.memory_space<vmem_shared>> -> memref<128x128xf32, #tpu.memory_space<vmem_shared>>
      %dma_start3A_57 = arith.constant 0 : i32
      %dma_start3A_58 = tpu.memref_slice %arg10[%add3A_13, %dma_start3A_57] : memref<10240x128xf32, #tpu.memory_space<vmem_shared>> -> memref<128x128xf32, #tpu.memory_space<vmem_shared>>
      %dma_start3A_59 = arith.constant 0 : i32
      %dma_start3A_60 = arith.constant 0 : i32
      %dma_start3A_61 = tpu.memref_slice %arg9[%dma_start3A_59, %dma_start3A_60] : memref<128x128xf32, #tpu.memory_space<vmem>> -> memref<128x128xf32, #tpu.memory_space<vmem>>
      tpu.enqueue_dma source(%dma_start3A_61 : memref<128x128xf32, #tpu.memory_space<vmem>>) target(%dma_start3A_58 : memref<128x128xf32, #tpu.memory_space<vmem_shared>>) target_semaphore(%run_scoped3A : memref<!tpu.dma_semaphore, #tpu.memory_space<semaphore_mem>>)
      %dma_wait3A = arith.constant 0 : i32
      %dma_wait3A_62 = arith.constant 0 : i32
      %dma_wait3A_63 = tpu.memref_slice %arg9[%dma_wait3A, %dma_wait3A_62] : memref<128x128xf32, #tpu.memory_space<vmem>> -> memref<128x128xf32, #tpu.memory_space<vmem>>
      %dma_wait3A_64 = arith.constant 0 : i32
      %dma_wait3A_65 = tpu.memref_slice %arg10[%add3A_13, %dma_wait3A_64] : memref<10240x128xf32, #tpu.memory_space<vmem_shared>> -> memref<128x128xf32, #tpu.memory_space<vmem_shared>>
      %dma_wait3A_66 = arith.constant 0 : i32
      %dma_wait3A_67 = tpu.memref_slice %arg10[%add3A_13, %dma_wait3A_66] : memref<10240x128xf32, #tpu.memory_space<vmem_shared>> -> memref<128x128xf32, #tpu.memory_space<vmem_shared>>
      %dma_wait3A_68 = arith.constant 0 : i32
      %dma_wait3A_69 = arith.constant 0 : i32
      %dma_wait3A_70 = tpu.memref_slice %arg9[%dma_wait3A_68, %dma_wait3A_69] : memref<128x128xf32, #tpu.memory_space<vmem>> -> memref<128x128xf32, #tpu.memory_space<vmem>>
      tpu.wait_dma2 semaphore(%run_scoped3A : memref<!tpu.dma_semaphore, #tpu.memory_space<semaphore_mem>>) src(%dma_wait3A_70 : memref<128x128xf32, #tpu.memory_space<vmem>>) dst(%dma_wait3A_67 : memref<128x128xf32, #tpu.memory_space<vmem_shared>>)
      tpu.yield
    }) : () -> ()
    %add3A_14 = arith.constant 384 : i32
    %add3A_15 = arith.addi %mul3A_7, %add3A_14 : i32
    "tpu.region"() ({
      %run_scoped3A = tpu.sem_alloc : memref<!tpu.dma_semaphore, #tpu.memory_space<semaphore_mem>>
      %dma_start3A = arith.constant 0 : i32
      %dma_start3A_53 = arith.constant 0 : i32
      %dma_start3A_54 = tpu.memref_slice %arg9[%dma_start3A, %dma_start3A_53] : memref<128x128xf32, #tpu.memory_space<vmem>> -> memref<128x128xf32, #tpu.memory_space<vmem>>
      %dma_start3A_55 = arith.constant 0 : i32
      %dma_start3A_56 = tpu.memref_slice %arg10[%add3A_15, %dma_start3A_55] : memref<10240x128xf32, #tpu.memory_space<vmem_shared>> -> memref<128x128xf32, #tpu.memory_space<vmem_shared>>
      %dma_start3A_57 = arith.constant 0 : i32
      %dma_start3A_58 = tpu.memref_slice %arg10[%add3A_15, %dma_start3A_57] : memref<10240x128xf32, #tpu.memory_space<vmem_shared>> -> memref<128x128xf32, #tpu.memory_space<vmem_shared>>
      %dma_start3A_59 = arith.constant 0 : i32
      %dma_start3A_60 = arith.constant 0 : i32
      %dma_start3A_61 = tpu.memref_slice %arg9[%dma_start3A_59, %dma_start3A_60] : memref<128x128xf32, #tpu.memory_space<vmem>> -> memref<128x128xf32, #tpu.memory_space<vmem>>
      tpu.enqueue_dma source(%dma_start3A_61 : memref<128x128xf32, #tpu.memory_space<vmem>>) target(%dma_start3A_58 : memref<128x128xf32, #tpu.memory_space<vmem_shared>>) target_semaphore(%run_scoped3A : memref<!tpu.dma_semaphore, #tpu.memory_space<semaphore_mem>>)
      %dma_wait3A = arith.constant 0 : i32
      %dma_wait3A_62 = arith.constant 0 : i32
      %dma_wait3A_63 = tpu.memref_slice %arg9[%dma_wait3A, %dma_wait3A_62] : memref<128x128xf32, #tpu.memory_space<vmem>> -> memref<128x128xf32, #tpu.memory_space<vmem>>
      %dma_wait3A_64 = arith.constant 0 : i32
      %dma_wait3A_65 = tpu.memref_slice %arg10[%add3A_15, %dma_wait3A_64] : memref<10240x128xf32, #tpu.memory_space<vmem_shared>> -> memref<128x128xf32, #tpu.memory_space<vmem_shared>>
      %dma_wait3A_66 = arith.constant 0 : i32
      %dma_wait3A_67 = tpu.memref_slice %arg10[%add3A_15, %dma_wait3A_66] : memref<10240x128xf32, #tpu.memory_space<vmem_shared>> -> memref<128x128xf32, #tpu.memory_space<vmem_shared>>
      %dma_wait3A_68 = arith.constant 0 : i32
      %dma_wait3A_69 = arith.constant 0 : i32
      %dma_wait3A_70 = tpu.memref_slice %arg9[%dma_wait3A_68, %dma_wait3A_69] : memref<128x128xf32, #tpu.memory_space<vmem>> -> memref<128x128xf32, #tpu.memory_space<vmem>>
      tpu.wait_dma2 semaphore(%run_scoped3A : memref<!tpu.dma_semaphore, #tpu.memory_space<semaphore_mem>>) src(%dma_wait3A_70 : memref<128x128xf32, #tpu.memory_space<vmem>>) dst(%dma_wait3A_67 : memref<128x128xf32, #tpu.memory_space<vmem_shared>>)
      tpu.yield
    }) : () -> ()
    %add3A_16 = arith.constant 512 : i32
    %add3A_17 = arith.addi %mul3A_7, %add3A_16 : i32
    "tpu.region"() ({
      %run_scoped3A = tpu.sem_alloc : memref<!tpu.dma_semaphore, #tpu.memory_space<semaphore_mem>>
      %dma_start3A = arith.constant 0 : i32
      %dma_start3A_53 = arith.constant 0 : i32
      %dma_start3A_54 = tpu.memref_slice %arg9[%dma_start3A, %dma_start3A_53] : memref<128x128xf32, #tpu.memory_space<vmem>> -> memref<128x128xf32, #tpu.memory_space<vmem>>
      %dma_start3A_55 = arith.constant 0 : i32
      %dma_start3A_56 = tpu.memref_slice %arg10[%add3A_17, %dma_start3A_55] : memref<10240x128xf32, #tpu.memory_space<vmem_shared>> -> memref<128x128xf32, #tpu.memory_space<vmem_shared>>
      %dma_start3A_57 = arith.constant 0 : i32
      %dma_start3A_58 = tpu.memref_slice %arg10[%add3A_17, %dma_start3A_57] : memref<10240x128xf32, #tpu.memory_space<vmem_shared>> -> memref<128x128xf32, #tpu.memory_space<vmem_shared>>
      %dma_start3A_59 = arith.constant 0 : i32
      %dma_start3A_60 = arith.constant 0 : i32
      %dma_start3A_61 = tpu.memref_slice %arg9[%dma_start3A_59, %dma_start3A_60] : memref<128x128xf32, #tpu.memory_space<vmem>> -> memref<128x128xf32, #tpu.memory_space<vmem>>
      tpu.enqueue_dma source(%dma_start3A_61 : memref<128x128xf32, #tpu.memory_space<vmem>>) target(%dma_start3A_58 : memref<128x128xf32, #tpu.memory_space<vmem_shared>>) target_semaphore(%run_scoped3A : memref<!tpu.dma_semaphore, #tpu.memory_space<semaphore_mem>>)
      %dma_wait3A = arith.constant 0 : i32
      %dma_wait3A_62 = arith.constant 0 : i32
      %dma_wait3A_63 = tpu.memref_slice %arg9[%dma_wait3A, %dma_wait3A_62] : memref<128x128xf32, #tpu.memory_space<vmem>> -> memref<128x128xf32, #tpu.memory_space<vmem>>
      %dma_wait3A_64 = arith.constant 0 : i32
      %dma_wait3A_65 = tpu.memref_slice %arg10[%add3A_17, %dma_wait3A_64] : memref<10240x128xf32, #tpu.memory_space<vmem_shared>> -> memref<128x128xf32, #tpu.memory_space<vmem_shared>>
      %dma_wait3A_66 = arith.constant 0 : i32
      %dma_wait3A_67 = tpu.memref_slice %arg10[%add3A_17, %dma_wait3A_66] : memref<10240x128xf32, #tpu.memory_space<vmem_shared>> -> memref<128x128xf32, #tpu.memory_space<vmem_shared>>
      %dma_wait3A_68 = arith.constant 0 : i32
      %dma_wait3A_69 = arith.constant 0 : i32
      %dma_wait3A_70 = tpu.memref_slice %arg9[%dma_wait3A_68, %dma_wait3A_69] : memref<128x128xf32, #tpu.memory_space<vmem>> -> memref<128x128xf32, #tpu.memory_space<vmem>>
      tpu.wait_dma2 semaphore(%run_scoped3A : memref<!tpu.dma_semaphore, #tpu.memory_space<semaphore_mem>>) src(%dma_wait3A_70 : memref<128x128xf32, #tpu.memory_space<vmem>>) dst(%dma_wait3A_67 : memref<128x128xf32, #tpu.memory_space<vmem_shared>>)
      tpu.yield
    }) : () -> ()
    %barrier3A = arith.constant 0 : index
    tpu.barrier barrier_id(%barrier3A)
    %scan3A_18 = arith.constant 0 : i32
    %scan3A_19 = arith.constant 84 : i32
    %scan3A_20 = arith.addi %scan3A_18, %scan3A_19 : i32
    %scan3A_21 = arith.constant 1 : i32
    scf.for %scan3A_53 = %scan3A_18 to %scan3A_20 step %scan3A_21  : i32 {
      %mul3A_54 = arith.constant 1 : i32
      %mul3A_55 = arith.muli %scan3A_53, %mul3A_54 : i32
      %add3A_56 = arith.constant 0 : i32
      %add3A_57 = arith.addi %add3A_56, %mul3A_55 : i32
      %mul3A_58 = arith.constant 84 : i32
      %mul3A_59 = arith.muli %arg1, %mul3A_58 : i32
      %add3A_60 = arith.addi %mul3A_59, %add3A_57 : i32
      %mul3A_61 = arith.constant 128 : i32
      %mul3A_62 = arith.muli %add3A_60, %mul3A_61 : i32
      %run_scoped3A = arith.constant 0 : i32
      "tpu.region"() ({
        %run_scoped3A_85 = tpu.sem_alloc : memref<!tpu.dma_semaphore, #tpu.memory_space<semaphore_mem>>
        %dma_start3A_86 = arith.constant 0 : i32
        %dma_start3A_87 = tpu.memref_slice %arg6[%run_scoped3A, %dma_start3A_86] : memref<2x128xi32, #tpu.memory_space<vmem>> -> memref<1x128xi32, #tpu.memory_space<vmem>>
        %dma_start3A_88 = tpu.memref_squeeze %dma_start3A_87 : memref<1x128xi32, #tpu.memory_space<vmem>> -> memref<128xi32, #tpu.memory_space<vmem>>
        %dma_start3A_89 = tpu.memref_slice %arg3[%mul3A_62] : memref<172032xi32, #tpu.memory_space<hbm>> -> memref<128xi32, #tpu.memory_space<hbm>>
        %dma_start3A_90 = arith.constant 0 : i32
        %dma_start3A_91 = tpu.memref_slice %arg6[%run_scoped3A, %dma_start3A_90] : memref<2x128xi32, #tpu.memory_space<vmem>> -> memref<1x128xi32, #tpu.memory_space<vmem>>
        %dma_start3A_92 = tpu.memref_squeeze %dma_start3A_91 : memref<1x128xi32, #tpu.memory_space<vmem>> -> memref<128xi32, #tpu.memory_space<vmem>>
        %dma_start3A_93 = tpu.memref_slice %arg3[%mul3A_62] : memref<172032xi32, #tpu.memory_space<hbm>> -> memref<128xi32, #tpu.memory_space<hbm>>
        tpu.enqueue_dma source(%dma_start3A_93 : memref<128xi32, #tpu.memory_space<hbm>>) target(%dma_start3A_92 : memref<128xi32, #tpu.memory_space<vmem>>) target_semaphore(%run_scoped3A_85 : memref<!tpu.dma_semaphore, #tpu.memory_space<semaphore_mem>>)
        %dma_wait3A_94 = arith.constant 0 : i32
        %dma_wait3A_95 = tpu.memref_slice %arg6[%run_scoped3A, %dma_wait3A_94] : memref<2x128xi32, #tpu.memory_space<vmem>> -> memref<1x128xi32, #tpu.memory_space<vmem>>
        %dma_wait3A_96 = tpu.memref_squeeze %dma_wait3A_95 : memref<1x128xi32, #tpu.memory_space<vmem>> -> memref<128xi32, #tpu.memory_space<vmem>>
        %dma_wait3A_97 = tpu.memref_slice %arg3[%mul3A_62] : memref<172032xi32, #tpu.memory_space<hbm>> -> memref<128xi32, #tpu.memory_space<hbm>>
        %dma_wait3A_98 = arith.constant 0 : i32
        %dma_wait3A_99 = tpu.memref_slice %arg6[%run_scoped3A, %dma_wait3A_98] : memref<2x128xi32, #tpu.memory_space<vmem>> -> memref<1x128xi32, #tpu.memory_space<vmem>>
        %dma_wait3A_100 = tpu.memref_squeeze %dma_wait3A_99 : memref<1x128xi32, #tpu.memory_space<vmem>> -> memref<128xi32, #tpu.memory_space<vmem>>
        %dma_wait3A_101 = tpu.memref_slice %arg3[%mul3A_62] : memref<172032xi32, #tpu.memory_space<hbm>> -> memref<128xi32, #tpu.memory_space<hbm>>
        tpu.wait_dma2 semaphore(%run_scoped3A_85 : memref<!tpu.dma_semaphore, #tpu.memory_space<semaphore_mem>>) src(%dma_wait3A_101 : memref<128xi32, #tpu.memory_space<hbm>>) dst(%dma_wait3A_100 : memref<128xi32, #tpu.memory_space<vmem>>)
        tpu.yield
      }) : () -> ()
      %run_scoped3A_63 = arith.constant 0 : i32
      "tpu.region"() ({
        %run_scoped3A_85 = tpu.sem_alloc : memref<!tpu.dma_semaphore, #tpu.memory_space<semaphore_mem>>
        %dma_start3A_86 = arith.constant 0 : i32
        %dma_start3A_87 = tpu.memref_slice %arg7[%run_scoped3A_63, %dma_start3A_86] : memref<2x128xi32, #tpu.memory_space<vmem>> -> memref<1x128xi32, #tpu.memory_space<vmem>>
        %dma_start3A_88 = tpu.memref_squeeze %dma_start3A_87 : memref<1x128xi32, #tpu.memory_space<vmem>> -> memref<128xi32, #tpu.memory_space<vmem>>
        %dma_start3A_89 = tpu.memref_slice %arg4[%mul3A_62] : memref<172032xi32, #tpu.memory_space<hbm>> -> memref<128xi32, #tpu.memory_space<hbm>>
        %dma_start3A_90 = arith.constant 0 : i32
        %dma_start3A_91 = tpu.memref_slice %arg7[%run_scoped3A_63, %dma_start3A_90] : memref<2x128xi32, #tpu.memory_space<vmem>> -> memref<1x128xi32, #tpu.memory_space<vmem>>
        %dma_start3A_92 = tpu.memref_squeeze %dma_start3A_91 : memref<1x128xi32, #tpu.memory_space<vmem>> -> memref<128xi32, #tpu.memory_space<vmem>>
        %dma_start3A_93 = tpu.memref_slice %arg4[%mul3A_62] : memref<172032xi32, #tpu.memory_space<hbm>> -> memref<128xi32, #tpu.memory_space<hbm>>
        tpu.enqueue_dma source(%dma_start3A_93 : memref<128xi32, #tpu.memory_space<hbm>>) target(%dma_start3A_92 : memref<128xi32, #tpu.memory_space<vmem>>) target_semaphore(%run_scoped3A_85 : memref<!tpu.dma_semaphore, #tpu.memory_space<semaphore_mem>>)
        %dma_wait3A_94 = arith.constant 0 : i32
        %dma_wait3A_95 = tpu.memref_slice %arg7[%run_scoped3A_63, %dma_wait3A_94] : memref<2x128xi32, #tpu.memory_space<vmem>> -> memref<1x128xi32, #tpu.memory_space<vmem>>
        %dma_wait3A_96 = tpu.memref_squeeze %dma_wait3A_95 : memref<1x128xi32, #tpu.memory_space<vmem>> -> memref<128xi32, #tpu.memory_space<vmem>>
        %dma_wait3A_97 = tpu.memref_slice %arg4[%mul3A_62] : memref<172032xi32, #tpu.memory_space<hbm>> -> memref<128xi32, #tpu.memory_space<hbm>>
        %dma_wait3A_98 = arith.constant 0 : i32
        %dma_wait3A_99 = tpu.memref_slice %arg7[%run_scoped3A_63, %dma_wait3A_98] : memref<2x128xi32, #tpu.memory_space<vmem>> -> memref<1x128xi32, #tpu.memory_space<vmem>>
        %dma_wait3A_100 = tpu.memref_squeeze %dma_wait3A_99 : memref<1x128xi32, #tpu.memory_space<vmem>> -> memref<128xi32, #tpu.memory_space<vmem>>
        %dma_wait3A_101 = tpu.memref_slice %arg4[%mul3A_62] : memref<172032xi32, #tpu.memory_space<hbm>> -> memref<128xi32, #tpu.memory_space<hbm>>
        tpu.wait_dma2 semaphore(%run_scoped3A_85 : memref<!tpu.dma_semaphore, #tpu.memory_space<semaphore_mem>>) src(%dma_wait3A_101 : memref<128xi32, #tpu.memory_space<hbm>>) dst(%dma_wait3A_100 : memref<128xi32, #tpu.memory_space<vmem>>)
        tpu.yield
      }) : () -> ()
      %dma_start3A = arith.constant 0 : i32
      %dma_start3A_64 = arith.constant 0 : i32
      %dma_start3A_65 = tpu.memref_slice %arg6[%dma_start3A, %dma_start3A_64] : memref<2x128xi32, #tpu.memory_space<vmem>> -> memref<1x128xi32, #tpu.memory_space<vmem>>
      %dma_start3A_66 = tpu.memref_squeeze %dma_start3A_65 : memref<1x128xi32, #tpu.memory_space<vmem>> -> memref<128xi32, #tpu.memory_space<vmem>>
      %dma_start3A_67 = arith.constant 0 : i32
      %dma_start3A_68 = arith.constant 0 : i32
      %dma_start3A_69 = tpu.memref_slice %arg2[%add3A_5, %dma_start3A_67, %dma_start3A_68] : memref<4x10000x128xf32, #tpu.memory_space<hbm>> -> memref<1x10000x128xf32, #tpu.memory_space<hbm>>
      %dma_start3A_70 = tpu.memref_squeeze %dma_start3A_69 : memref<1x10000x128xf32, #tpu.memory_space<hbm>> -> memref<10000x128xf32, #tpu.memory_space<hbm>>
      %dma_start3A_71 = arith.constant 0 : i32
      %dma_start3A_72 = arith.constant 0 : i32
      %dma_start3A_73 = tpu.memref_slice %dma_start3A_70[%dma_start3A_71, %dma_start3A_72] : memref<10000x128xf32, #tpu.memory_space<hbm>> -> memref<10000x128xf32, #tpu.memory_space<hbm>>
      tpu.enqueue_indirect_dma source(%dma_start3A_73 : memref<10000x128xf32, #tpu.memory_space<hbm>>) target(%arg8 : memref<128x128xf32, #tpu.memory_space<vmem>>) offsets(%dma_start3A_66 : memref<128xi32, #tpu.memory_space<vmem>>) semaphore(%arg11 : memref<!tpu.dma_semaphore, #tpu.memory_space<semaphore_mem>>)
      %dma_wait3A = arith.constant 0 : i32
      %dma_wait3A_74 = arith.constant 0 : i32
      %dma_wait3A_75 = tpu.memref_slice %arg6[%dma_wait3A, %dma_wait3A_74] : memref<2x128xi32, #tpu.memory_space<vmem>> -> memref<1x128xi32, #tpu.memory_space<vmem>>
      %dma_wait3A_76 = tpu.memref_squeeze %dma_wait3A_75 : memref<1x128xi32, #tpu.memory_space<vmem>> -> memref<128xi32, #tpu.memory_space<vmem>>
      %dma_wait3A_77 = arith.constant 0 : i32
      %dma_wait3A_78 = arith.constant 0 : i32
      %dma_wait3A_79 = tpu.memref_slice %arg2[%add3A_5, %dma_wait3A_77, %dma_wait3A_78] : memref<4x10000x128xf32, #tpu.memory_space<hbm>> -> memref<1x10000x128xf32, #tpu.memory_space<hbm>>
      %dma_wait3A_80 = tpu.memref_squeeze %dma_wait3A_79 : memref<1x10000x128xf32, #tpu.memory_space<hbm>> -> memref<10000x128xf32, #tpu.memory_space<hbm>>
      %dma_wait3A_81 = arith.constant 0 : i32
      %dma_wait3A_82 = arith.constant 0 : i32
      %dma_wait3A_83 = tpu.memref_slice %dma_wait3A_80[%dma_wait3A_81, %dma_wait3A_82] : memref<10000x128xf32, #tpu.memory_space<hbm>> -> memref<10000x128xf32, #tpu.memory_space<hbm>>
      tpu.wait_indirect_dma semaphore(%arg11 : memref<!tpu.dma_semaphore, #tpu.memory_space<semaphore_mem>>) src(%dma_wait3A_83 : memref<10000x128xf32, #tpu.memory_space<hbm>>) dst(%arg8 : memref<128x128xf32, #tpu.memory_space<vmem>>)
      %run_scoped3A_84 = arith.constant 0 : i32
      "tpu.region"() ({
        %run_scoped3A_85 = tpu.sem_alloc : memref<!tpu.dma_semaphore, #tpu.memory_space<semaphore_mem>>
        %dma_start3A_86 = arith.constant 0 : i32
        %dma_start3A_87 = tpu.memref_slice %arg7[%run_scoped3A_84, %dma_start3A_86] : memref<2x128xi32, #tpu.memory_space<vmem>> -> memref<1x128xi32, #tpu.memory_space<vmem>>
        %dma_start3A_88 = tpu.memref_squeeze %dma_start3A_87 : memref<1x128xi32, #tpu.memory_space<vmem>> -> memref<128xi32, #tpu.memory_space<vmem>>
        %dma_start3A_89 = arith.constant 0 : i32
        %dma_start3A_90 = arith.constant 0 : i32
        %dma_start3A_91 = tpu.memref_slice %arg10[%dma_start3A_89, %dma_start3A_90] : memref<10240x128xf32, #tpu.memory_space<vmem_shared>> -> memref<10240x128xf32, #tpu.memory_space<vmem_shared>>
        tpu.enqueue_indirect_dma source(%arg8 : memref<128x128xf32, #tpu.memory_space<vmem>>) target(%dma_start3A_91 : memref<10240x128xf32, #tpu.memory_space<vmem_shared>>) offsets(%dma_start3A_88 : memref<128xi32, #tpu.memory_space<vmem>>) semaphore(%run_scoped3A_85 : memref<!tpu.dma_semaphore, #tpu.memory_space<semaphore_mem>>) {add = true}
        %dma_wait3A_92 = arith.constant 0 : i32
        %dma_wait3A_93 = tpu.memref_slice %arg7[%run_scoped3A_84, %dma_wait3A_92] : memref<2x128xi32, #tpu.memory_space<vmem>> -> memref<1x128xi32, #tpu.memory_space<vmem>>
        %dma_wait3A_94 = tpu.memref_squeeze %dma_wait3A_93 : memref<1x128xi32, #tpu.memory_space<vmem>> -> memref<128xi32, #tpu.memory_space<vmem>>
        %dma_wait3A_95 = arith.constant 0 : i32
        %dma_wait3A_96 = arith.constant 0 : i32
        %dma_wait3A_97 = tpu.memref_slice %arg10[%dma_wait3A_95, %dma_wait3A_96] : memref<10240x128xf32, #tpu.memory_space<vmem_shared>> -> memref<10240x128xf32, #tpu.memory_space<vmem_shared>>
        tpu.wait_indirect_dma semaphore(%run_scoped3A_85 : memref<!tpu.dma_semaphore, #tpu.memory_space<semaphore_mem>>) src(%arg8 : memref<128x128xf32, #tpu.memory_space<vmem>>) dst(%dma_wait3A_97 : memref<10240x128xf32, #tpu.memory_space<vmem_shared>>)
        tpu.yield
      }) : () -> ()
    }
    %scan3A_22 = arith.constant 84 : i32
    %barrier3A_23 = arith.constant 0 : index
    tpu.barrier barrier_id(%barrier3A_23)
    %mul3A_24 = arith.constant 640 : i32
    %mul3A_25 = arith.muli %arg1, %mul3A_24 : i32
    "tpu.region"() ({
      %run_scoped3A = tpu.sem_alloc : memref<!tpu.dma_semaphore, #tpu.memory_space<semaphore_mem>>
      %dma_start3A = arith.constant 0 : i32
      %dma_start3A_53 = arith.constant 0 : i32
      %dma_start3A_54 = tpu.memref_slice %arg5[%add3A_5, %dma_start3A, %dma_start3A_53] : memref<4x10240x128xf32, #tpu.memory_space<hbm>> -> memref<1x10240x128xf32, #tpu.memory_space<hbm>>
      %dma_start3A_55 = tpu.memref_squeeze %dma_start3A_54 : memref<1x10240x128xf32, #tpu.memory_space<hbm>> -> memref<10240x128xf32, #tpu.memory_space<hbm>>
      %dma_start3A_56 = arith.constant 0 : i32
      %dma_start3A_57 = tpu.memref_slice %dma_start3A_55[%mul3A_25, %dma_start3A_56] : memref<10240x128xf32, #tpu.memory_space<hbm>> -> memref<640x128xf32, #tpu.memory_space<hbm>>
      %dma_start3A_58 = arith.constant 0 : i32
      %dma_start3A_59 = tpu.memref_slice %arg10[%mul3A_25, %dma_start3A_58] : memref<10240x128xf32, #tpu.memory_space<vmem_shared>> -> memref<640x128xf32, #tpu.memory_space<vmem_shared>>
      tpu.enqueue_dma source(%dma_start3A_59 : memref<640x128xf32, #tpu.memory_space<vmem_shared>>) target(%dma_start3A_57 : memref<640x128xf32, #tpu.memory_space<hbm>>) target_semaphore(%run_scoped3A : memref<!tpu.dma_semaphore, #tpu.memory_space<semaphore_mem>>)
      %dma_wait3A = arith.constant 0 : i32
      %dma_wait3A_60 = arith.constant 0 : i32
      %dma_wait3A_61 = tpu.memref_slice %arg5[%add3A_5, %dma_wait3A, %dma_wait3A_60] : memref<4x10240x128xf32, #tpu.memory_space<hbm>> -> memref<1x10240x128xf32, #tpu.memory_space<hbm>>
      %dma_wait3A_62 = tpu.memref_squeeze %dma_wait3A_61 : memref<1x10240x128xf32, #tpu.memory_space<hbm>> -> memref<10240x128xf32, #tpu.memory_space<hbm>>
      %dma_wait3A_63 = arith.constant 0 : i32
      %dma_wait3A_64 = tpu.memref_slice %dma_wait3A_62[%mul3A_25, %dma_wait3A_63] : memref<10240x128xf32, #tpu.memory_space<hbm>> -> memref<640x128xf32, #tpu.memory_space<hbm>>
      %dma_wait3A_65 = arith.constant 0 : i32
      %dma_wait3A_66 = tpu.memref_slice %arg10[%mul3A_25, %dma_wait3A_65] : memref<10240x128xf32, #tpu.memory_space<vmem_shared>> -> memref<640x128xf32, #tpu.memory_space<vmem_shared>>
      tpu.wait_dma2 semaphore(%run_scoped3A : memref<!tpu.dma_semaphore, #tpu.memory_space<semaphore_mem>>) src(%dma_wait3A_66 : memref<640x128xf32, #tpu.memory_space<vmem_shared>>) dst(%dma_wait3A_64 : memref<640x128xf32, #tpu.memory_space<hbm>>)
      tpu.yield
    }) : () -> ()
    %barrier3A_26 = arith.constant 0 : index
    tpu.barrier barrier_id(%barrier3A_26)
    %mul3A_27 = arith.constant 2 : i32
    %mul3A_28 = arith.muli %arg0, %mul3A_27 : i32
    %add3A_29 = arith.constant 1 : i32
    %add3A_30 = arith.addi %mul3A_28, %add3A_29 : i32
    %mul3A_31 = arith.constant 640 : i32
    %mul3A_32 = arith.muli %arg1, %mul3A_31 : i32
    %add3A_33 = arith.constant 0 : i32
    %add3A_34 = arith.addi %mul3A_32, %add3A_33 : i32
    "tpu.region"() ({
      %run_scoped3A = tpu.sem_alloc : memref<!tpu.dma_semaphore, #tpu.memory_space<semaphore_mem>>
      %dma_start3A = arith.constant 0 : i32
      %dma_start3A_53 = arith.constant 0 : i32
      %dma_start3A_54 = tpu.memref_slice %arg9[%dma_start3A, %dma_start3A_53] : memref<128x128xf32, #tpu.memory_space<vmem>> -> memref<128x128xf32, #tpu.memory_space<vmem>>
      %dma_start3A_55 = arith.constant 0 : i32
      %dma_start3A_56 = tpu.memref_slice %arg10[%add3A_34, %dma_start3A_55] : memref<10240x128xf32, #tpu.memory_space<vmem_shared>> -> memref<128x128xf32, #tpu.memory_space<vmem_shared>>
      %dma_start3A_57 = arith.constant 0 : i32
      %dma_start3A_58 = tpu.memref_slice %arg10[%add3A_34, %dma_start3A_57] : memref<10240x128xf32, #tpu.memory_space<vmem_shared>> -> memref<128x128xf32, #tpu.memory_space<vmem_shared>>
      %dma_start3A_59 = arith.constant 0 : i32
      %dma_start3A_60 = arith.constant 0 : i32
      %dma_start3A_61 = tpu.memref_slice %arg9[%dma_start3A_59, %dma_start3A_60] : memref<128x128xf32, #tpu.memory_space<vmem>> -> memref<128x128xf32, #tpu.memory_space<vmem>>
      tpu.enqueue_dma source(%dma_start3A_61 : memref<128x128xf32, #tpu.memory_space<vmem>>) target(%dma_start3A_58 : memref<128x128xf32, #tpu.memory_space<vmem_shared>>) target_semaphore(%run_scoped3A : memref<!tpu.dma_semaphore, #tpu.memory_space<semaphore_mem>>)
      %dma_wait3A = arith.constant 0 : i32
      %dma_wait3A_62 = arith.constant 0 : i32
      %dma_wait3A_63 = tpu.memref_slice %arg9[%dma_wait3A, %dma_wait3A_62] : memref<128x128xf32, #tpu.memory_space<vmem>> -> memref<128x128xf32, #tpu.memory_space<vmem>>
      %dma_wait3A_64 = arith.constant 0 : i32
      %dma_wait3A_65 = tpu.memref_slice %arg10[%add3A_34, %dma_wait3A_64] : memref<10240x128xf32, #tpu.memory_space<vmem_shared>> -> memref<128x128xf32, #tpu.memory_space<vmem_shared>>
      %dma_wait3A_66 = arith.constant 0 : i32
      %dma_wait3A_67 = tpu.memref_slice %arg10[%add3A_34, %dma_wait3A_66] : memref<10240x128xf32, #tpu.memory_space<vmem_shared>> -> memref<128x128xf32, #tpu.memory_space<vmem_shared>>
      %dma_wait3A_68 = arith.constant 0 : i32
      %dma_wait3A_69 = arith.constant 0 : i32
      %dma_wait3A_70 = tpu.memref_slice %arg9[%dma_wait3A_68, %dma_wait3A_69] : memref<128x128xf32, #tpu.memory_space<vmem>> -> memref<128x128xf32, #tpu.memory_space<vmem>>
      tpu.wait_dma2 semaphore(%run_scoped3A : memref<!tpu.dma_semaphore, #tpu.memory_space<semaphore_mem>>) src(%dma_wait3A_70 : memref<128x128xf32, #tpu.memory_space<vmem>>) dst(%dma_wait3A_67 : memref<128x128xf32, #tpu.memory_space<vmem_shared>>)
      tpu.yield
    }) : () -> ()
    %add3A_35 = arith.constant 128 : i32
    %add3A_36 = arith.addi %mul3A_32, %add3A_35 : i32
    "tpu.region"() ({
      %run_scoped3A = tpu.sem_alloc : memref<!tpu.dma_semaphore, #tpu.memory_space<semaphore_mem>>
      %dma_start3A = arith.constant 0 : i32
      %dma_start3A_53 = arith.constant 0 : i32
      %dma_start3A_54 = tpu.memref_slice %arg9[%dma_start3A, %dma_start3A_53] : memref<128x128xf32, #tpu.memory_space<vmem>> -> memref<128x128xf32, #tpu.memory_space<vmem>>
      %dma_start3A_55 = arith.constant 0 : i32
      %dma_start3A_56 = tpu.memref_slice %arg10[%add3A_36, %dma_start3A_55] : memref<10240x128xf32, #tpu.memory_space<vmem_shared>> -> memref<128x128xf32, #tpu.memory_space<vmem_shared>>
      %dma_start3A_57 = arith.constant 0 : i32
      %dma_start3A_58 = tpu.memref_slice %arg10[%add3A_36, %dma_start3A_57] : memref<10240x128xf32, #tpu.memory_space<vmem_shared>> -> memref<128x128xf32, #tpu.memory_space<vmem_shared>>
      %dma_start3A_59 = arith.constant 0 : i32
      %dma_start3A_60 = arith.constant 0 : i32
      %dma_start3A_61 = tpu.memref_slice %arg9[%dma_start3A_59, %dma_start3A_60] : memref<128x128xf32, #tpu.memory_space<vmem>> -> memref<128x128xf32, #tpu.memory_space<vmem>>
      tpu.enqueue_dma source(%dma_start3A_61 : memref<128x128xf32, #tpu.memory_space<vmem>>) target(%dma_start3A_58 : memref<128x128xf32, #tpu.memory_space<vmem_shared>>) target_semaphore(%run_scoped3A : memref<!tpu.dma_semaphore, #tpu.memory_space<semaphore_mem>>)
      %dma_wait3A = arith.constant 0 : i32
      %dma_wait3A_62 = arith.constant 0 : i32
      %dma_wait3A_63 = tpu.memref_slice %arg9[%dma_wait3A, %dma_wait3A_62] : memref<128x128xf32, #tpu.memory_space<vmem>> -> memref<128x128xf32, #tpu.memory_space<vmem>>
      %dma_wait3A_64 = arith.constant 0 : i32
      %dma_wait3A_65 = tpu.memref_slice %arg10[%add3A_36, %dma_wait3A_64] : memref<10240x128xf32, #tpu.memory_space<vmem_shared>> -> memref<128x128xf32, #tpu.memory_space<vmem_shared>>
      %dma_wait3A_66 = arith.constant 0 : i32
      %dma_wait3A_67 = tpu.memref_slice %arg10[%add3A_36, %dma_wait3A_66] : memref<10240x128xf32, #tpu.memory_space<vmem_shared>> -> memref<128x128xf32, #tpu.memory_space<vmem_shared>>
      %dma_wait3A_68 = arith.constant 0 : i32
      %dma_wait3A_69 = arith.constant 0 : i32
      %dma_wait3A_70 = tpu.memref_slice %arg9[%dma_wait3A_68, %dma_wait3A_69] : memref<128x128xf32, #tpu.memory_space<vmem>> -> memref<128x128xf32, #tpu.memory_space<vmem>>
      tpu.wait_dma2 semaphore(%run_scoped3A : memref<!tpu.dma_semaphore, #tpu.memory_space<semaphore_mem>>) src(%dma_wait3A_70 : memref<128x128xf32, #tpu.memory_space<vmem>>) dst(%dma_wait3A_67 : memref<128x128xf32, #tpu.memory_space<vmem_shared>>)
      tpu.yield
    }) : () -> ()
    %add3A_37 = arith.constant 256 : i32
    %add3A_38 = arith.addi %mul3A_32, %add3A_37 : i32
    "tpu.region"() ({
      %run_scoped3A = tpu.sem_alloc : memref<!tpu.dma_semaphore, #tpu.memory_space<semaphore_mem>>
      %dma_start3A = arith.constant 0 : i32
      %dma_start3A_53 = arith.constant 0 : i32
      %dma_start3A_54 = tpu.memref_slice %arg9[%dma_start3A, %dma_start3A_53] : memref<128x128xf32, #tpu.memory_space<vmem>> -> memref<128x128xf32, #tpu.memory_space<vmem>>
      %dma_start3A_55 = arith.constant 0 : i32
      %dma_start3A_56 = tpu.memref_slice %arg10[%add3A_38, %dma_start3A_55] : memref<10240x128xf32, #tpu.memory_space<vmem_shared>> -> memref<128x128xf32, #tpu.memory_space<vmem_shared>>
      %dma_start3A_57 = arith.constant 0 : i32
      %dma_start3A_58 = tpu.memref_slice %arg10[%add3A_38, %dma_start3A_57] : memref<10240x128xf32, #tpu.memory_space<vmem_shared>> -> memref<128x128xf32, #tpu.memory_space<vmem_shared>>
      %dma_start3A_59 = arith.constant 0 : i32
      %dma_start3A_60 = arith.constant 0 : i32
      %dma_start3A_61 = tpu.memref_slice %arg9[%dma_start3A_59, %dma_start3A_60] : memref<128x128xf32, #tpu.memory_space<vmem>> -> memref<128x128xf32, #tpu.memory_space<vmem>>
      tpu.enqueue_dma source(%dma_start3A_61 : memref<128x128xf32, #tpu.memory_space<vmem>>) target(%dma_start3A_58 : memref<128x128xf32, #tpu.memory_space<vmem_shared>>) target_semaphore(%run_scoped3A : memref<!tpu.dma_semaphore, #tpu.memory_space<semaphore_mem>>)
      %dma_wait3A = arith.constant 0 : i32
      %dma_wait3A_62 = arith.constant 0 : i32
      %dma_wait3A_63 = tpu.memref_slice %arg9[%dma_wait3A, %dma_wait3A_62] : memref<128x128xf32, #tpu.memory_space<vmem>> -> memref<128x128xf32, #tpu.memory_space<vmem>>
      %dma_wait3A_64 = arith.constant 0 : i32
      %dma_wait3A_65 = tpu.memref_slice %arg10[%add3A_38, %dma_wait3A_64] : memref<10240x128xf32, #tpu.memory_space<vmem_shared>> -> memref<128x128xf32, #tpu.memory_space<vmem_shared>>
      %dma_wait3A_66 = arith.constant 0 : i32
      %dma_wait3A_67 = tpu.memref_slice %arg10[%add3A_38, %dma_wait3A_66] : memref<10240x128xf32, #tpu.memory_space<vmem_shared>> -> memref<128x128xf32, #tpu.memory_space<vmem_shared>>
      %dma_wait3A_68 = arith.constant 0 : i32
      %dma_wait3A_69 = arith.constant 0 : i32
      %dma_wait3A_70 = tpu.memref_slice %arg9[%dma_wait3A_68, %dma_wait3A_69] : memref<128x128xf32, #tpu.memory_space<vmem>> -> memref<128x128xf32, #tpu.memory_space<vmem>>
      tpu.wait_dma2 semaphore(%run_scoped3A : memref<!tpu.dma_semaphore, #tpu.memory_space<semaphore_mem>>) src(%dma_wait3A_70 : memref<128x128xf32, #tpu.memory_space<vmem>>) dst(%dma_wait3A_67 : memref<128x128xf32, #tpu.memory_space<vmem_shared>>)
      tpu.yield
    }) : () -> ()
    %add3A_39 = arith.constant 384 : i32
    %add3A_40 = arith.addi %mul3A_32, %add3A_39 : i32
    "tpu.region"() ({
      %run_scoped3A = tpu.sem_alloc : memref<!tpu.dma_semaphore, #tpu.memory_space<semaphore_mem>>
      %dma_start3A = arith.constant 0 : i32
      %dma_start3A_53 = arith.constant 0 : i32
      %dma_start3A_54 = tpu.memref_slice %arg9[%dma_start3A, %dma_start3A_53] : memref<128x128xf32, #tpu.memory_space<vmem>> -> memref<128x128xf32, #tpu.memory_space<vmem>>
      %dma_start3A_55 = arith.constant 0 : i32
      %dma_start3A_56 = tpu.memref_slice %arg10[%add3A_40, %dma_start3A_55] : memref<10240x128xf32, #tpu.memory_space<vmem_shared>> -> memref<128x128xf32, #tpu.memory_space<vmem_shared>>
      %dma_start3A_57 = arith.constant 0 : i32
      %dma_start3A_58 = tpu.memref_slice %arg10[%add3A_40, %dma_start3A_57] : memref<10240x128xf32, #tpu.memory_space<vmem_shared>> -> memref<128x128xf32, #tpu.memory_space<vmem_shared>>
      %dma_start3A_59 = arith.constant 0 : i32
      %dma_start3A_60 = arith.constant 0 : i32
      %dma_start3A_61 = tpu.memref_slice %arg9[%dma_start3A_59, %dma_start3A_60] : memref<128x128xf32, #tpu.memory_space<vmem>> -> memref<128x128xf32, #tpu.memory_space<vmem>>
      tpu.enqueue_dma source(%dma_start3A_61 : memref<128x128xf32, #tpu.memory_space<vmem>>) target(%dma_start3A_58 : memref<128x128xf32, #tpu.memory_space<vmem_shared>>) target_semaphore(%run_scoped3A : memref<!tpu.dma_semaphore, #tpu.memory_space<semaphore_mem>>)
      %dma_wait3A = arith.constant 0 : i32
      %dma_wait3A_62 = arith.constant 0 : i32
      %dma_wait3A_63 = tpu.memref_slice %arg9[%dma_wait3A, %dma_wait3A_62] : memref<128x128xf32, #tpu.memory_space<vmem>> -> memref<128x128xf32, #tpu.memory_space<vmem>>
      %dma_wait3A_64 = arith.constant 0 : i32
      %dma_wait3A_65 = tpu.memref_slice %arg10[%add3A_40, %dma_wait3A_64] : memref<10240x128xf32, #tpu.memory_space<vmem_shared>> -> memref<128x128xf32, #tpu.memory_space<vmem_shared>>
      %dma_wait3A_66 = arith.constant 0 : i32
      %dma_wait3A_67 = tpu.memref_slice %arg10[%add3A_40, %dma_wait3A_66] : memref<10240x128xf32, #tpu.memory_space<vmem_shared>> -> memref<128x128xf32, #tpu.memory_space<vmem_shared>>
      %dma_wait3A_68 = arith.constant 0 : i32
      %dma_wait3A_69 = arith.constant 0 : i32
      %dma_wait3A_70 = tpu.memref_slice %arg9[%dma_wait3A_68, %dma_wait3A_69] : memref<128x128xf32, #tpu.memory_space<vmem>> -> memref<128x128xf32, #tpu.memory_space<vmem>>
      tpu.wait_dma2 semaphore(%run_scoped3A : memref<!tpu.dma_semaphore, #tpu.memory_space<semaphore_mem>>) src(%dma_wait3A_70 : memref<128x128xf32, #tpu.memory_space<vmem>>) dst(%dma_wait3A_67 : memref<128x128xf32, #tpu.memory_space<vmem_shared>>)
      tpu.yield
    }) : () -> ()
    %add3A_41 = arith.constant 512 : i32
    %add3A_42 = arith.addi %mul3A_32, %add3A_41 : i32
    "tpu.region"() ({
      %run_scoped3A = tpu.sem_alloc : memref<!tpu.dma_semaphore, #tpu.memory_space<semaphore_mem>>
      %dma_start3A = arith.constant 0 : i32
      %dma_start3A_53 = arith.constant 0 : i32
      %dma_start3A_54 = tpu.memref_slice %arg9[%dma_start3A, %dma_start3A_53] : memref<128x128xf32, #tpu.memory_space<vmem>> -> memref<128x128xf32, #tpu.memory_space<vmem>>
      %dma_start3A_55 = arith.constant 0 : i32
      %dma_start3A_56 = tpu.memref_slice %arg10[%add3A_42, %dma_start3A_55] : memref<10240x128xf32, #tpu.memory_space<vmem_shared>> -> memref<128x128xf32, #tpu.memory_space<vmem_shared>>
      %dma_start3A_57 = arith.constant 0 : i32
      %dma_start3A_58 = tpu.memref_slice %arg10[%add3A_42, %dma_start3A_57] : memref<10240x128xf32, #tpu.memory_space<vmem_shared>> -> memref<128x128xf32, #tpu.memory_space<vmem_shared>>
      %dma_start3A_59 = arith.constant 0 : i32
      %dma_start3A_60 = arith.constant 0 : i32
      %dma_start3A_61 = tpu.memref_slice %arg9[%dma_start3A_59, %dma_start3A_60] : memref<128x128xf32, #tpu.memory_space<vmem>> -> memref<128x128xf32, #tpu.memory_space<vmem>>
      tpu.enqueue_dma source(%dma_start3A_61 : memref<128x128xf32, #tpu.memory_space<vmem>>) target(%dma_start3A_58 : memref<128x128xf32, #tpu.memory_space<vmem_shared>>) target_semaphore(%run_scoped3A : memref<!tpu.dma_semaphore, #tpu.memory_space<semaphore_mem>>)
      %dma_wait3A = arith.constant 0 : i32
      %dma_wait3A_62 = arith.constant 0 : i32
      %dma_wait3A_63 = tpu.memref_slice %arg9[%dma_wait3A, %dma_wait3A_62] : memref<128x128xf32, #tpu.memory_space<vmem>> -> memref<128x128xf32, #tpu.memory_space<vmem>>
      %dma_wait3A_64 = arith.constant 0 : i32
      %dma_wait3A_65 = tpu.memref_slice %arg10[%add3A_42, %dma_wait3A_64] : memref<10240x128xf32, #tpu.memory_space<vmem_shared>> -> memref<128x128xf32, #tpu.memory_space<vmem_shared>>
      %dma_wait3A_66 = arith.constant 0 : i32
      %dma_wait3A_67 = tpu.memref_slice %arg10[%add3A_42, %dma_wait3A_66] : memref<10240x128xf32, #tpu.memory_space<vmem_shared>> -> memref<128x128xf32, #tpu.memory_space<vmem_shared>>
      %dma_wait3A_68 = arith.constant 0 : i32
      %dma_wait3A_69 = arith.constant 0 : i32
      %dma_wait3A_70 = tpu.memref_slice %arg9[%dma_wait3A_68, %dma_wait3A_69] : memref<128x128xf32, #tpu.memory_space<vmem>> -> memref<128x128xf32, #tpu.memory_space<vmem>>
      tpu.wait_dma2 semaphore(%run_scoped3A : memref<!tpu.dma_semaphore, #tpu.memory_space<semaphore_mem>>) src(%dma_wait3A_70 : memref<128x128xf32, #tpu.memory_space<vmem>>) dst(%dma_wait3A_67 : memref<128x128xf32, #tpu.memory_space<vmem_shared>>)
      tpu.yield
    }) : () -> ()
    %barrier3A_43 = arith.constant 0 : index
    tpu.barrier barrier_id(%barrier3A_43)
    %scan3A_44 = arith.constant 0 : i32
    %scan3A_45 = arith.constant 84 : i32
    %scan3A_46 = arith.addi %scan3A_44, %scan3A_45 : i32
    %scan3A_47 = arith.constant 1 : i32
    scf.for %scan3A_53 = %scan3A_44 to %scan3A_46 step %scan3A_47  : i32 {
      %mul3A_54 = arith.constant 1 : i32
      %mul3A_55 = arith.muli %scan3A_53, %mul3A_54 : i32
      %add3A_56 = arith.constant 0 : i32
      %add3A_57 = arith.addi %add3A_56, %mul3A_55 : i32
      %mul3A_58 = arith.constant 84 : i32
      %mul3A_59 = arith.muli %arg1, %mul3A_58 : i32
      %add3A_60 = arith.addi %mul3A_59, %add3A_57 : i32
      %mul3A_61 = arith.constant 128 : i32
      %mul3A_62 = arith.muli %add3A_60, %mul3A_61 : i32
      %run_scoped3A = arith.constant 0 : i32
      "tpu.region"() ({
        %run_scoped3A_85 = tpu.sem_alloc : memref<!tpu.dma_semaphore, #tpu.memory_space<semaphore_mem>>
        %dma_start3A_86 = arith.constant 0 : i32
        %dma_start3A_87 = tpu.memref_slice %arg6[%run_scoped3A, %dma_start3A_86] : memref<2x128xi32, #tpu.memory_space<vmem>> -> memref<1x128xi32, #tpu.memory_space<vmem>>
        %dma_start3A_88 = tpu.memref_squeeze %dma_start3A_87 : memref<1x128xi32, #tpu.memory_space<vmem>> -> memref<128xi32, #tpu.memory_space<vmem>>
        %dma_start3A_89 = tpu.memref_slice %arg3[%mul3A_62] : memref<172032xi32, #tpu.memory_space<hbm>> -> memref<128xi32, #tpu.memory_space<hbm>>
        %dma_start3A_90 = arith.constant 0 : i32
        %dma_start3A_91 = tpu.memref_slice %arg6[%run_scoped3A, %dma_start3A_90] : memref<2x128xi32, #tpu.memory_space<vmem>> -> memref<1x128xi32, #tpu.memory_space<vmem>>
        %dma_start3A_92 = tpu.memref_squeeze %dma_start3A_91 : memref<1x128xi32, #tpu.memory_space<vmem>> -> memref<128xi32, #tpu.memory_space<vmem>>
        %dma_start3A_93 = tpu.memref_slice %arg3[%mul3A_62] : memref<172032xi32, #tpu.memory_space<hbm>> -> memref<128xi32, #tpu.memory_space<hbm>>
        tpu.enqueue_dma source(%dma_start3A_93 : memref<128xi32, #tpu.memory_space<hbm>>) target(%dma_start3A_92 : memref<128xi32, #tpu.memory_space<vmem>>) target_semaphore(%run_scoped3A_85 : memref<!tpu.dma_semaphore, #tpu.memory_space<semaphore_mem>>)
        %dma_wait3A_94 = arith.constant 0 : i32
        %dma_wait3A_95 = tpu.memref_slice %arg6[%run_scoped3A, %dma_wait3A_94] : memref<2x128xi32, #tpu.memory_space<vmem>> -> memref<1x128xi32, #tpu.memory_space<vmem>>
        %dma_wait3A_96 = tpu.memref_squeeze %dma_wait3A_95 : memref<1x128xi32, #tpu.memory_space<vmem>> -> memref<128xi32, #tpu.memory_space<vmem>>
        %dma_wait3A_97 = tpu.memref_slice %arg3[%mul3A_62] : memref<172032xi32, #tpu.memory_space<hbm>> -> memref<128xi32, #tpu.memory_space<hbm>>
        %dma_wait3A_98 = arith.constant 0 : i32
        %dma_wait3A_99 = tpu.memref_slice %arg6[%run_scoped3A, %dma_wait3A_98] : memref<2x128xi32, #tpu.memory_space<vmem>> -> memref<1x128xi32, #tpu.memory_space<vmem>>
        %dma_wait3A_100 = tpu.memref_squeeze %dma_wait3A_99 : memref<1x128xi32, #tpu.memory_space<vmem>> -> memref<128xi32, #tpu.memory_space<vmem>>
        %dma_wait3A_101 = tpu.memref_slice %arg3[%mul3A_62] : memref<172032xi32, #tpu.memory_space<hbm>> -> memref<128xi32, #tpu.memory_space<hbm>>
        tpu.wait_dma2 semaphore(%run_scoped3A_85 : memref<!tpu.dma_semaphore, #tpu.memory_space<semaphore_mem>>) src(%dma_wait3A_101 : memref<128xi32, #tpu.memory_space<hbm>>) dst(%dma_wait3A_100 : memref<128xi32, #tpu.memory_space<vmem>>)
        tpu.yield
      }) : () -> ()
      %run_scoped3A_63 = arith.constant 0 : i32
      "tpu.region"() ({
        %run_scoped3A_85 = tpu.sem_alloc : memref<!tpu.dma_semaphore, #tpu.memory_space<semaphore_mem>>
        %dma_start3A_86 = arith.constant 0 : i32
        %dma_start3A_87 = tpu.memref_slice %arg7[%run_scoped3A_63, %dma_start3A_86] : memref<2x128xi32, #tpu.memory_space<vmem>> -> memref<1x128xi32, #tpu.memory_space<vmem>>
        %dma_start3A_88 = tpu.memref_squeeze %dma_start3A_87 : memref<1x128xi32, #tpu.memory_space<vmem>> -> memref<128xi32, #tpu.memory_space<vmem>>
        %dma_start3A_89 = tpu.memref_slice %arg4[%mul3A_62] : memref<172032xi32, #tpu.memory_space<hbm>> -> memref<128xi32, #tpu.memory_space<hbm>>
        %dma_start3A_90 = arith.constant 0 : i32
        %dma_start3A_91 = tpu.memref_slice %arg7[%run_scoped3A_63, %dma_start3A_90] : memref<2x128xi32, #tpu.memory_space<vmem>> -> memref<1x128xi32, #tpu.memory_space<vmem>>
        %dma_start3A_92 = tpu.memref_squeeze %dma_start3A_91 : memref<1x128xi32, #tpu.memory_space<vmem>> -> memref<128xi32, #tpu.memory_space<vmem>>
        %dma_start3A_93 = tpu.memref_slice %arg4[%mul3A_62] : memref<172032xi32, #tpu.memory_space<hbm>> -> memref<128xi32, #tpu.memory_space<hbm>>
        tpu.enqueue_dma source(%dma_start3A_93 : memref<128xi32, #tpu.memory_space<hbm>>) target(%dma_start3A_92 : memref<128xi32, #tpu.memory_space<vmem>>) target_semaphore(%run_scoped3A_85 : memref<!tpu.dma_semaphore, #tpu.memory_space<semaphore_mem>>)
        %dma_wait3A_94 = arith.constant 0 : i32
        %dma_wait3A_95 = tpu.memref_slice %arg7[%run_scoped3A_63, %dma_wait3A_94] : memref<2x128xi32, #tpu.memory_space<vmem>> -> memref<1x128xi32, #tpu.memory_space<vmem>>
        %dma_wait3A_96 = tpu.memref_squeeze %dma_wait3A_95 : memref<1x128xi32, #tpu.memory_space<vmem>> -> memref<128xi32, #tpu.memory_space<vmem>>
        %dma_wait3A_97 = tpu.memref_slice %arg4[%mul3A_62] : memref<172032xi32, #tpu.memory_space<hbm>> -> memref<128xi32, #tpu.memory_space<hbm>>
        %dma_wait3A_98 = arith.constant 0 : i32
        %dma_wait3A_99 = tpu.memref_slice %arg7[%run_scoped3A_63, %dma_wait3A_98] : memref<2x128xi32, #tpu.memory_space<vmem>> -> memref<1x128xi32, #tpu.memory_space<vmem>>
        %dma_wait3A_100 = tpu.memref_squeeze %dma_wait3A_99 : memref<1x128xi32, #tpu.memory_space<vmem>> -> memref<128xi32, #tpu.memory_space<vmem>>
        %dma_wait3A_101 = tpu.memref_slice %arg4[%mul3A_62] : memref<172032xi32, #tpu.memory_space<hbm>> -> memref<128xi32, #tpu.memory_space<hbm>>
        tpu.wait_dma2 semaphore(%run_scoped3A_85 : memref<!tpu.dma_semaphore, #tpu.memory_space<semaphore_mem>>) src(%dma_wait3A_101 : memref<128xi32, #tpu.memory_space<hbm>>) dst(%dma_wait3A_100 : memref<128xi32, #tpu.memory_space<vmem>>)
        tpu.yield
      }) : () -> ()
      %dma_start3A = arith.constant 0 : i32
      %dma_start3A_64 = arith.constant 0 : i32
      %dma_start3A_65 = tpu.memref_slice %arg6[%dma_start3A, %dma_start3A_64] : memref<2x128xi32, #tpu.memory_space<vmem>> -> memref<1x128xi32, #tpu.memory_space<vmem>>
      %dma_start3A_66 = tpu.memref_squeeze %dma_start3A_65 : memref<1x128xi32, #tpu.memory_space<vmem>> -> memref<128xi32, #tpu.memory_space<vmem>>
      %dma_start3A_67 = arith.constant 0 : i32
      %dma_start3A_68 = arith.constant 0 : i32
      %dma_start3A_69 = tpu.memref_slice %arg2[%add3A_30, %dma_start3A_67, %dma_start3A_68] : memref<4x10000x128xf32, #tpu.memory_space<hbm>> -> memref<1x10000x128xf32, #tpu.memory_space<hbm>>
      %dma_start3A_70 = tpu.memref_squeeze %dma_start3A_69 : memref<1x10000x128xf32, #tpu.memory_space<hbm>> -> memref<10000x128xf32, #tpu.memory_space<hbm>>
      %dma_start3A_71 = arith.constant 0 : i32
      %dma_start3A_72 = arith.constant 0 : i32
      %dma_start3A_73 = tpu.memref_slice %dma_start3A_70[%dma_start3A_71, %dma_start3A_72] : memref<10000x128xf32, #tpu.memory_space<hbm>> -> memref<10000x128xf32, #tpu.memory_space<hbm>>
      tpu.enqueue_indirect_dma source(%dma_start3A_73 : memref<10000x128xf32, #tpu.memory_space<hbm>>) target(%arg8 : memref<128x128xf32, #tpu.memory_space<vmem>>) offsets(%dma_start3A_66 : memref<128xi32, #tpu.memory_space<vmem>>) semaphore(%arg11 : memref<!tpu.dma_semaphore, #tpu.memory_space<semaphore_mem>>)
      %dma_wait3A = arith.constant 0 : i32
      %dma_wait3A_74 = arith.constant 0 : i32
      %dma_wait3A_75 = tpu.memref_slice %arg6[%dma_wait3A, %dma_wait3A_74] : memref<2x128xi32, #tpu.memory_space<vmem>> -> memref<1x128xi32, #tpu.memory_space<vmem>>
      %dma_wait3A_76 = tpu.memref_squeeze %dma_wait3A_75 : memref<1x128xi32, #tpu.memory_space<vmem>> -> memref<128xi32, #tpu.memory_space<vmem>>
      %dma_wait3A_77 = arith.constant 0 : i32
      %dma_wait3A_78 = arith.constant 0 : i32
      %dma_wait3A_79 = tpu.memref_slice %arg2[%add3A_30, %dma_wait3A_77, %dma_wait3A_78] : memref<4x10000x128xf32, #tpu.memory_space<hbm>> -> memref<1x10000x128xf32, #tpu.memory_space<hbm>>
      %dma_wait3A_80 = tpu.memref_squeeze %dma_wait3A_79 : memref<1x10000x128xf32, #tpu.memory_space<hbm>> -> memref<10000x128xf32, #tpu.memory_space<hbm>>
      %dma_wait3A_81 = arith.constant 0 : i32
      %dma_wait3A_82 = arith.constant 0 : i32
      %dma_wait3A_83 = tpu.memref_slice %dma_wait3A_80[%dma_wait3A_81, %dma_wait3A_82] : memref<10000x128xf32, #tpu.memory_space<hbm>> -> memref<10000x128xf32, #tpu.memory_space<hbm>>
      tpu.wait_indirect_dma semaphore(%arg11 : memref<!tpu.dma_semaphore, #tpu.memory_space<semaphore_mem>>) src(%dma_wait3A_83 : memref<10000x128xf32, #tpu.memory_space<hbm>>) dst(%arg8 : memref<128x128xf32, #tpu.memory_space<vmem>>)
      %run_scoped3A_84 = arith.constant 0 : i32
      "tpu.region"() ({
        %run_scoped3A_85 = tpu.sem_alloc : memref<!tpu.dma_semaphore, #tpu.memory_space<semaphore_mem>>
        %dma_start3A_86 = arith.constant 0 : i32
        %dma_start3A_87 = tpu.memref_slice %arg7[%run_scoped3A_84, %dma_start3A_86] : memref<2x128xi32, #tpu.memory_space<vmem>> -> memref<1x128xi32, #tpu.memory_space<vmem>>
        %dma_start3A_88 = tpu.memref_squeeze %dma_start3A_87 : memref<1x128xi32, #tpu.memory_space<vmem>> -> memref<128xi32, #tpu.memory_space<vmem>>
        %dma_start3A_89 = arith.constant 0 : i32
        %dma_start3A_90 = arith.constant 0 : i32
        %dma_start3A_91 = tpu.memref_slice %arg10[%dma_start3A_89, %dma_start3A_90] : memref<10240x128xf32, #tpu.memory_space<vmem_shared>> -> memref<10240x128xf32, #tpu.memory_space<vmem_shared>>
        tpu.enqueue_indirect_dma source(%arg8 : memref<128x128xf32, #tpu.memory_space<vmem>>) target(%dma_start3A_91 : memref<10240x128xf32, #tpu.memory_space<vmem_shared>>) offsets(%dma_start3A_88 : memref<128xi32, #tpu.memory_space<vmem>>) semaphore(%run_scoped3A_85 : memref<!tpu.dma_semaphore, #tpu.memory_space<semaphore_mem>>) {add = true}
        %dma_wait3A_92 = arith.constant 0 : i32
        %dma_wait3A_93 = tpu.memref_slice %arg7[%run_scoped3A_84, %dma_wait3A_92] : memref<2x128xi32, #tpu.memory_space<vmem>> -> memref<1x128xi32, #tpu.memory_space<vmem>>
        %dma_wait3A_94 = tpu.memref_squeeze %dma_wait3A_93 : memref<1x128xi32, #tpu.memory_space<vmem>> -> memref<128xi32, #tpu.memory_space<vmem>>
        %dma_wait3A_95 = arith.constant 0 : i32
        %dma_wait3A_96 = arith.constant 0 : i32
        %dma_wait3A_97 = tpu.memref_slice %arg10[%dma_wait3A_95, %dma_wait3A_96] : memref<10240x128xf32, #tpu.memory_space<vmem_shared>> -> memref<10240x128xf32, #tpu.memory_space<vmem_shared>>
        tpu.wait_indirect_dma semaphore(%run_scoped3A_85 : memref<!tpu.dma_semaphore, #tpu.memory_space<semaphore_mem>>) src(%arg8 : memref<128x128xf32, #tpu.memory_space<vmem>>) dst(%dma_wait3A_97 : memref<10240x128xf32, #tpu.memory_space<vmem_shared>>)
        tpu.yield
      }) : () -> ()
    }
    %scan3A_48 = arith.constant 84 : i32
    %barrier3A_49 = arith.constant 0 : index
    tpu.barrier barrier_id(%barrier3A_49)
    %mul3A_50 = arith.constant 640 : i32
    %mul3A_51 = arith.muli %arg1, %mul3A_50 : i32
    "tpu.region"() ({
      %run_scoped3A = tpu.sem_alloc : memref<!tpu.dma_semaphore, #tpu.memory_space<semaphore_mem>>
      %dma_start3A = arith.constant 0 : i32
      %dma_start3A_53 = arith.constant 0 : i32
      %dma_start3A_54 = tpu.memref_slice %arg5[%add3A_30, %dma_start3A, %dma_start3A_53] : memref<4x10240x128xf32, #tpu.memory_space<hbm>> -> memref<1x10240x128xf32, #tpu.memory_space<hbm>>
      %dma_start3A_55 = tpu.memref_squeeze %dma_start3A_54 : memref<1x10240x128xf32, #tpu.memory_space<hbm>> -> memref<10240x128xf32, #tpu.memory_space<hbm>>
      %dma_start3A_56 = arith.constant 0 : i32
      %dma_start3A_57 = tpu.memref_slice %dma_start3A_55[%mul3A_51, %dma_start3A_56] : memref<10240x128xf32, #tpu.memory_space<hbm>> -> memref<640x128xf32, #tpu.memory_space<hbm>>
      %dma_start3A_58 = arith.constant 0 : i32
      %dma_start3A_59 = tpu.memref_slice %arg10[%mul3A_51, %dma_start3A_58] : memref<10240x128xf32, #tpu.memory_space<vmem_shared>> -> memref<640x128xf32, #tpu.memory_space<vmem_shared>>
      tpu.enqueue_dma source(%dma_start3A_59 : memref<640x128xf32, #tpu.memory_space<vmem_shared>>) target(%dma_start3A_57 : memref<640x128xf32, #tpu.memory_space<hbm>>) target_semaphore(%run_scoped3A : memref<!tpu.dma_semaphore, #tpu.memory_space<semaphore_mem>>)
      %dma_wait3A = arith.constant 0 : i32
      %dma_wait3A_60 = arith.constant 0 : i32
      %dma_wait3A_61 = tpu.memref_slice %arg5[%add3A_30, %dma_wait3A, %dma_wait3A_60] : memref<4x10240x128xf32, #tpu.memory_space<hbm>> -> memref<1x10240x128xf32, #tpu.memory_space<hbm>>
      %dma_wait3A_62 = tpu.memref_squeeze %dma_wait3A_61 : memref<1x10240x128xf32, #tpu.memory_space<hbm>> -> memref<10240x128xf32, #tpu.memory_space<hbm>>
      %dma_wait3A_63 = arith.constant 0 : i32
      %dma_wait3A_64 = tpu.memref_slice %dma_wait3A_62[%mul3A_51, %dma_wait3A_63] : memref<10240x128xf32, #tpu.memory_space<hbm>> -> memref<640x128xf32, #tpu.memory_space<hbm>>
      %dma_wait3A_65 = arith.constant 0 : i32
      %dma_wait3A_66 = tpu.memref_slice %arg10[%mul3A_51, %dma_wait3A_65] : memref<10240x128xf32, #tpu.memory_space<vmem_shared>> -> memref<640x128xf32, #tpu.memory_space<vmem_shared>>
      tpu.wait_dma2 semaphore(%run_scoped3A : memref<!tpu.dma_semaphore, #tpu.memory_space<semaphore_mem>>) src(%dma_wait3A_66 : memref<640x128xf32, #tpu.memory_space<vmem_shared>>) dst(%dma_wait3A_64 : memref<640x128xf32, #tpu.memory_space<hbm>>)
      tpu.yield
    }) : () -> ()
    %barrier3A_52 = arith.constant 0 : index
    tpu.barrier barrier_id(%barrier3A_52)
    return
  }
}

module attributes {stable_mosaic.version = 14 : i64} {
  func.func @_mm2_body(%arg0: i32, %arg1: memref<4x1000x128xf32, #tpu.memory_space<vmem>>, %arg2: memref<4x128x128xf32, #tpu.memory_space<vmem>>, %arg3: memref<1000x128xf32, #tpu.memory_space<vmem>>, %arg4: memref<1000x128xf32, #tpu.memory_space<vmem>>) attributes {dimension_semantics = [#tpu.dimension_semantics<arbitrary>], iteration_bounds = array<i64: 10>, scalar_prefetch = 0 : i64, scratch_operands = 0 : i64, tpu.core_type = #tpu.core_type<tc>, window_params = [{transform_indices = @transform_0, window_bounds = array<i64: 4, 1000, 128>}, {pipeline_mode = #tpu.pipeline_mode<synchronous>, transform_indices = @transform_1, window_bounds = array<i64: 4, 128, 128>}, {transform_indices = @transform_2, window_bounds = array<i64: 1000, 128>}, {transform_indices = @transform_3, window_bounds = array<i64: 1000, 128>}]} {
    %get3A = arith.constant 0 : index
    %get3A_0 = arith.constant 0 : index
    %get3A_1 = vector.load %arg3[%get3A, %get3A_0] : memref<1000x128xf32, #tpu.memory_space<vmem>>, vector<1000x128xf32>
    %slice3A = vector.extract_strided_slice %get3A_1 {offsets = [0, 0], sizes = [1000, 1], strides = [1, 1]} : vector<1000x128xf32> to vector<1000x1xf32>
    %max3A = arith.constant 9.99999996E-13 : f32
    %max3A_2 = vector.broadcast %max3A : f32 to vector<1000x1xf32>
    %max3A_3 = arith.maximumf %slice3A, %max3A_2 : vector<1000x1xf32>
    %rsqrt3A = math.rsqrt %max3A_3 : vector<1000x1xf32>
    %broadcast_in_dim3A = arith.constant 0.000000e+00 : f32
    %broadcast_in_dim3A_4 = vector.broadcast %broadcast_in_dim3A : f32 to vector<1000x128xf32>
    %get3A_5 = arith.constant 0 : index
    %get3A_6 = arith.constant 0 : index
    %get3A_7 = arith.constant 0 : index
    %get3A_8 = vector.load %arg1[%get3A_5, %get3A_6, %get3A_7] : memref<4x1000x128xf32, #tpu.memory_space<vmem>>, vector<1x1000x128xf32>
    %get3A_9 = vector.shape_cast %get3A_8 : vector<1x1000x128xf32> to vector<1000x128xf32>
    %mul3A = vector.broadcast %rsqrt3A : vector<1000x1xf32> to vector<1000x128xf32>
    %mul3A_10 = arith.mulf %get3A_9, %mul3A : vector<1000x128xf32>
    %max3A_11 = arith.constant 0.000000e+00 : f32
    %max3A_12 = vector.broadcast %max3A_11 : f32 to vector<1000x128xf32>
    %max3A_13 = arith.maximumf %mul3A_10, %max3A_12 : vector<1000x128xf32>
    %get3A_14 = arith.constant 0 : index
    %get3A_15 = arith.constant 0 : index
    %get3A_16 = arith.constant 0 : index
    %get3A_17 = vector.load %arg2[%get3A_14, %get3A_15, %get3A_16] : memref<4x128x128xf32, #tpu.memory_space<vmem>>, vector<1x128x128xf32>
    %get3A_18 = vector.shape_cast %get3A_17 : vector<1x128x128xf32> to vector<128x128xf32>
    %dot_general3A = arith.constant dense<0.000000e+00> : vector<1000x128xf32>
    %dot_general3A_19 = tpu.matmul %max3A_13, %get3A_18, %dot_general3A {dimension_numbers = #tpu.dot_dimension_numbers<[1], [0], [0], [1], [0, 0, 1, 1], [], []>, transpose_lhs_hint = false} : vector<1000x128xf32>, vector<128x128xf32>, vector<1000x128xf32> -> vector<1000x128xf32>
    %add3A = arith.addf %broadcast_in_dim3A_4, %dot_general3A_19 : vector<1000x128xf32>
    %get3A_20 = arith.constant 1 : index
    %get3A_21 = arith.constant 0 : index
    %get3A_22 = arith.constant 0 : index
    %get3A_23 = vector.load %arg1[%get3A_20, %get3A_21, %get3A_22] : memref<4x1000x128xf32, #tpu.memory_space<vmem>>, vector<1x1000x128xf32>
    %get3A_24 = vector.shape_cast %get3A_23 : vector<1x1000x128xf32> to vector<1000x128xf32>
    %mul3A_25 = vector.broadcast %rsqrt3A : vector<1000x1xf32> to vector<1000x128xf32>
    %mul3A_26 = arith.mulf %get3A_24, %mul3A_25 : vector<1000x128xf32>
    %max3A_27 = arith.constant 0.000000e+00 : f32
    %max3A_28 = vector.broadcast %max3A_27 : f32 to vector<1000x128xf32>
    %max3A_29 = arith.maximumf %mul3A_26, %max3A_28 : vector<1000x128xf32>
    %get3A_30 = arith.constant 1 : index
    %get3A_31 = arith.constant 0 : index
    %get3A_32 = arith.constant 0 : index
    %get3A_33 = vector.load %arg2[%get3A_30, %get3A_31, %get3A_32] : memref<4x128x128xf32, #tpu.memory_space<vmem>>, vector<1x128x128xf32>
    %get3A_34 = vector.shape_cast %get3A_33 : vector<1x128x128xf32> to vector<128x128xf32>
    %dot_general3A_35 = arith.constant dense<0.000000e+00> : vector<1000x128xf32>
    %dot_general3A_36 = tpu.matmul %max3A_29, %get3A_34, %dot_general3A_35 {dimension_numbers = #tpu.dot_dimension_numbers<[1], [0], [0], [1], [0, 0, 1, 1], [], []>, transpose_lhs_hint = false} : vector<1000x128xf32>, vector<128x128xf32>, vector<1000x128xf32> -> vector<1000x128xf32>
    %add3A_37 = arith.addf %add3A, %dot_general3A_36 : vector<1000x128xf32>
    %get3A_38 = arith.constant 2 : index
    %get3A_39 = arith.constant 0 : index
    %get3A_40 = arith.constant 0 : index
    %get3A_41 = vector.load %arg1[%get3A_38, %get3A_39, %get3A_40] : memref<4x1000x128xf32, #tpu.memory_space<vmem>>, vector<1x1000x128xf32>
    %get3A_42 = vector.shape_cast %get3A_41 : vector<1x1000x128xf32> to vector<1000x128xf32>
    %mul3A_43 = vector.broadcast %rsqrt3A : vector<1000x1xf32> to vector<1000x128xf32>
    %mul3A_44 = arith.mulf %get3A_42, %mul3A_43 : vector<1000x128xf32>
    %max3A_45 = arith.constant 0.000000e+00 : f32
    %max3A_46 = vector.broadcast %max3A_45 : f32 to vector<1000x128xf32>
    %max3A_47 = arith.maximumf %mul3A_44, %max3A_46 : vector<1000x128xf32>
    %get3A_48 = arith.constant 2 : index
    %get3A_49 = arith.constant 0 : index
    %get3A_50 = arith.constant 0 : index
    %get3A_51 = vector.load %arg2[%get3A_48, %get3A_49, %get3A_50] : memref<4x128x128xf32, #tpu.memory_space<vmem>>, vector<1x128x128xf32>
    %get3A_52 = vector.shape_cast %get3A_51 : vector<1x128x128xf32> to vector<128x128xf32>
    %dot_general3A_53 = arith.constant dense<0.000000e+00> : vector<1000x128xf32>
    %dot_general3A_54 = tpu.matmul %max3A_47, %get3A_52, %dot_general3A_53 {dimension_numbers = #tpu.dot_dimension_numbers<[1], [0], [0], [1], [0, 0, 1, 1], [], []>, transpose_lhs_hint = false} : vector<1000x128xf32>, vector<128x128xf32>, vector<1000x128xf32> -> vector<1000x128xf32>
    %add3A_55 = arith.addf %add3A_37, %dot_general3A_54 : vector<1000x128xf32>
    %get3A_56 = arith.constant 3 : index
    %get3A_57 = arith.constant 0 : index
    %get3A_58 = arith.constant 0 : index
    %get3A_59 = vector.load %arg1[%get3A_56, %get3A_57, %get3A_58] : memref<4x1000x128xf32, #tpu.memory_space<vmem>>, vector<1x1000x128xf32>
    %get3A_60 = vector.shape_cast %get3A_59 : vector<1x1000x128xf32> to vector<1000x128xf32>
    %mul3A_61 = vector.broadcast %rsqrt3A : vector<1000x1xf32> to vector<1000x128xf32>
    %mul3A_62 = arith.mulf %get3A_60, %mul3A_61 : vector<1000x128xf32>
    %max3A_63 = arith.constant 0.000000e+00 : f32
    %max3A_64 = vector.broadcast %max3A_63 : f32 to vector<1000x128xf32>
    %max3A_65 = arith.maximumf %mul3A_62, %max3A_64 : vector<1000x128xf32>
    %get3A_66 = arith.constant 3 : index
    %get3A_67 = arith.constant 0 : index
    %get3A_68 = arith.constant 0 : index
    %get3A_69 = vector.load %arg2[%get3A_66, %get3A_67, %get3A_68] : memref<4x128x128xf32, #tpu.memory_space<vmem>>, vector<1x128x128xf32>
    %get3A_70 = vector.shape_cast %get3A_69 : vector<1x128x128xf32> to vector<128x128xf32>
    %dot_general3A_71 = arith.constant dense<0.000000e+00> : vector<1000x128xf32>
    %dot_general3A_72 = tpu.matmul %max3A_65, %get3A_70, %dot_general3A_71 {dimension_numbers = #tpu.dot_dimension_numbers<[1], [0], [0], [1], [0, 0, 1, 1], [], []>, transpose_lhs_hint = false} : vector<1000x128xf32>, vector<128x128xf32>, vector<1000x128xf32> -> vector<1000x128xf32>
    %add3A_73 = arith.addf %add3A_55, %dot_general3A_72 : vector<1000x128xf32>
    %mul3A_74 = vector.broadcast %rsqrt3A : vector<1000x1xf32> to vector<1000x128xf32>
    %mul3A_75 = arith.mulf %add3A_73, %mul3A_74 : vector<1000x128xf32>
    %swap3A = arith.constant 0 : index
    %swap3A_76 = arith.constant 0 : index
    %swap3A_77 = vector.load %arg4[%swap3A, %swap3A_76] : memref<1000x128xf32, #tpu.memory_space<vmem>>, vector<1000x128xf32>
    tpu.vector_store %arg4[%swap3A, %swap3A_76], %mul3A_75 {strides = array<i32>} : memref<1000x128xf32, #tpu.memory_space<vmem>>, vector<1000x128xf32>,
    return
  }
  func.func @transform_0(%arg0: i32) -> (i32, i32, i32) {
    %c0_i32 = arith.constant 0 : i32
    %c0_i32_0 = arith.constant 0 : i32
    %c0_i32_1 = arith.constant 0 : i32
    return %c0_i32, %arg0, %c0_i32_0 : i32, i32, i32
  }
  func.func @transform_1(%arg0: i32) -> (i32, i32, i32) {
    %c0_i32 = arith.constant 0 : i32
    %c0_i32_0 = arith.constant 0 : i32
    %c0_i32_1 = arith.constant 0 : i32
    %c0_i32_2 = arith.constant 0 : i32
    return %c0_i32, %c0_i32_0, %c0_i32_1 : i32, i32, i32
  }
  func.func @transform_2(%arg0: i32) -> (i32, i32) {
    %c0_i32 = arith.constant 0 : i32
    %c0_i32_0 = arith.constant 0 : i32
    return %arg0, %c0_i32 : i32, i32
  }
  func.func @transform_3(%arg0: i32) -> (i32, i32) {
    %c0_i32 = arith.constant 0 : i32
    %c0_i32_0 = arith.constant 0 : i32
    return %arg0, %c0_i32 : i32, i32
  }
}

module attributes {stable_mosaic.version = 14 : i64} {
  func.func @_mm1_body(%arg0: i32, %arg1: memref<1000x256xf32, #tpu.memory_space<vmem>>, %arg2: memref<256x512xf32, #tpu.memory_space<vmem>>, %arg3: memref<1000x128xf32, #tpu.memory_space<vmem>>, %arg4: memref<4x1000x128xf32, #tpu.memory_space<vmem>>) attributes {dimension_semantics = [#tpu.dimension_semantics<arbitrary>], iteration_bounds = array<i64: 10>, scalar_prefetch = 0 : i64, scratch_operands = 0 : i64, tpu.core_type = #tpu.core_type<tc>, window_params = [{transform_indices = @transform_0, window_bounds = array<i64: 1000, 256>}, {pipeline_mode = #tpu.pipeline_mode<synchronous>, transform_indices = @transform_1, window_bounds = array<i64: 256, 512>}, {transform_indices = @transform_2, window_bounds = array<i64: 1000, 128>}, {transform_indices = @transform_3, window_bounds = array<i64: 4, 1000, 128>}]} {
    %get3A = arith.constant 0 : index
    %get3A_0 = arith.constant 0 : index
    %get3A_1 = vector.load %arg1[%get3A, %get3A_0] : memref<1000x256xf32, #tpu.memory_space<vmem>>, vector<1000x256xf32>
    %get3A_2 = arith.constant 0 : index
    %get3A_3 = arith.constant 0 : index
    %get3A_4 = vector.load %arg2[%get3A_2, %get3A_3] : memref<256x512xf32, #tpu.memory_space<vmem>>, vector<256x512xf32>
    %dot_general3A = arith.constant dense<0.000000e+00> : vector<1000x512xf32>
    %dot_general3A_5 = tpu.matmul %get3A_1, %get3A_4, %dot_general3A {dimension_numbers = #tpu.dot_dimension_numbers<[1], [0], [0], [1], [0, 0, 1, 1], [], []>, transpose_lhs_hint = false} : vector<1000x256xf32>, vector<256x512xf32>, vector<1000x512xf32> -> vector<1000x512xf32>
    %get3A_6 = arith.constant 0 : index
    %get3A_7 = arith.constant 0 : index
    %get3A_8 = vector.load %arg3[%get3A_6, %get3A_7] : memref<1000x128xf32, #tpu.memory_space<vmem>>, vector<1000x128xf32>
    %slice3A = vector.extract_strided_slice %get3A_8 {offsets = [0, 0], sizes = [1000, 1], strides = [1, 1]} : vector<1000x128xf32> to vector<1000x1xf32>
    %max3A = arith.constant 9.99999996E-13 : f32
    %max3A_9 = vector.broadcast %max3A : f32 to vector<1000x1xf32>
    %max3A_10 = arith.maximumf %slice3A, %max3A_9 : vector<1000x1xf32>
    %rsqrt3A = math.rsqrt %max3A_10 : vector<1000x1xf32>
    %mul3A = vector.broadcast %rsqrt3A : vector<1000x1xf32> to vector<1000x512xf32>
    %mul3A_11 = arith.mulf %dot_general3A_5, %mul3A : vector<1000x512xf32>
    %slice3A_12 = vector.extract_strided_slice %mul3A_11 {offsets = [0, 0], sizes = [1000, 128], strides = [1, 1]} : vector<1000x512xf32> to vector<1000x128xf32>
    %swap3A = arith.constant 0 : index
    %swap3A_13 = arith.constant 0 : index
    %swap3A_14 = arith.constant 0 : index
    %swap3A_15 = vector.load %arg4[%swap3A, %swap3A_13, %swap3A_14] : memref<4x1000x128xf32, #tpu.memory_space<vmem>>, vector<1x1000x128xf32>
    %swap3A_16 = vector.shape_cast %swap3A_15 : vector<1x1000x128xf32> to vector<1000x128xf32>
    %swap3A_17 = vector.shape_cast %slice3A_12 : vector<1000x128xf32> to vector<1x1000x128xf32>
    tpu.vector_store %arg4[%swap3A, %swap3A_13, %swap3A_14], %swap3A_17 {strides = array<i32>} : memref<4x1000x128xf32, #tpu.memory_space<vmem>>, vector<1x1000x128xf32>,
    %slice3A_18 = vector.extract_strided_slice %mul3A_11 {offsets = [0, 128], sizes = [1000, 128], strides = [1, 1]} : vector<1000x512xf32> to vector<1000x128xf32>
    %swap3A_19 = arith.constant 1 : index
    %swap3A_20 = arith.constant 0 : index
    %swap3A_21 = arith.constant 0 : index
    %swap3A_22 = vector.load %arg4[%swap3A_19, %swap3A_20, %swap3A_21] : memref<4x1000x128xf32, #tpu.memory_space<vmem>>, vector<1x1000x128xf32>
    %swap3A_23 = vector.shape_cast %swap3A_22 : vector<1x1000x128xf32> to vector<1000x128xf32>
    %swap3A_24 = vector.shape_cast %slice3A_18 : vector<1000x128xf32> to vector<1x1000x128xf32>
    tpu.vector_store %arg4[%swap3A_19, %swap3A_20, %swap3A_21], %swap3A_24 {strides = array<i32>} : memref<4x1000x128xf32, #tpu.memory_space<vmem>>, vector<1x1000x128xf32>,
    %slice3A_25 = vector.extract_strided_slice %mul3A_11 {offsets = [0, 256], sizes = [1000, 128], strides = [1, 1]} : vector<1000x512xf32> to vector<1000x128xf32>
    %swap3A_26 = arith.constant 2 : index
    %swap3A_27 = arith.constant 0 : index
    %swap3A_28 = arith.constant 0 : index
    %swap3A_29 = vector.load %arg4[%swap3A_26, %swap3A_27, %swap3A_28] : memref<4x1000x128xf32, #tpu.memory_space<vmem>>, vector<1x1000x128xf32>
    %swap3A_30 = vector.shape_cast %swap3A_29 : vector<1x1000x128xf32> to vector<1000x128xf32>
    %swap3A_31 = vector.shape_cast %slice3A_25 : vector<1000x128xf32> to vector<1x1000x128xf32>
    tpu.vector_store %arg4[%swap3A_26, %swap3A_27, %swap3A_28], %swap3A_31 {strides = array<i32>} : memref<4x1000x128xf32, #tpu.memory_space<vmem>>, vector<1x1000x128xf32>,
    %slice3A_32 = vector.extract_strided_slice %mul3A_11 {offsets = [0, 384], sizes = [1000, 128], strides = [1, 1]} : vector<1000x512xf32> to vector<1000x128xf32>
    %swap3A_33 = arith.constant 3 : index
    %swap3A_34 = arith.constant 0 : index
    %swap3A_35 = arith.constant 0 : index
    %swap3A_36 = vector.load %arg4[%swap3A_33, %swap3A_34, %swap3A_35] : memref<4x1000x128xf32, #tpu.memory_space<vmem>>, vector<1x1000x128xf32>
    %swap3A_37 = vector.shape_cast %swap3A_36 : vector<1x1000x128xf32> to vector<1000x128xf32>
    %swap3A_38 = vector.shape_cast %slice3A_32 : vector<1000x128xf32> to vector<1x1000x128xf32>
    tpu.vector_store %arg4[%swap3A_33, %swap3A_34, %swap3A_35], %swap3A_38 {strides = array<i32>} : memref<4x1000x128xf32, #tpu.memory_space<vmem>>, vector<1x1000x128xf32>,
    return
  }
  func.func @transform_0(%arg0: i32) -> (i32, i32) {
    %c0_i32 = arith.constant 0 : i32
    %c0_i32_0 = arith.constant 0 : i32
    return %arg0, %c0_i32 : i32, i32
  }
  func.func @transform_1(%arg0: i32) -> (i32, i32) {
    %c0_i32 = arith.constant 0 : i32
    %c0_i32_0 = arith.constant 0 : i32
    %c0_i32_1 = arith.constant 0 : i32
    return %c0_i32, %c0_i32_0 : i32, i32
  }
  func.func @transform_2(%arg0: i32) -> (i32, i32) {
    %c0_i32 = arith.constant 0 : i32
    %c0_i32_0 = arith.constant 0 : i32
    return %arg0, %c0_i32 : i32, i32
  }
  func.func @transform_3(%arg0: i32) -> (i32, i32, i32) {
    %c0_i32 = arith.constant 0 : i32
    %c0_i32_0 = arith.constant 0 : i32
    %c0_i32_1 = arith.constant 0 : i32
    return %c0_i32, %arg0, %c0_i32_0 : i32, i32, i32
  }
}

module attributes {stable_mosaic.version = 14 : i64} {
  func.func @_final_body(%arg0: i32, %arg1: memref<2x1000x128xf32, #tpu.memory_space<vmem>>, %arg2: memref<1000x128xf32, #tpu.memory_space<vmem>>, %arg3: memref<1000x128xf32, #tpu.memory_space<vmem>>, %arg4: memref<1000x128xf32, #tpu.memory_space<vmem>>) attributes {dimension_semantics = [#tpu.dimension_semantics<arbitrary>], iteration_bounds = array<i64: 10>, scalar_prefetch = 0 : i64, scratch_operands = 0 : i64, tpu.core_type = #tpu.core_type<tc>, window_params = [{transform_indices = @transform_0, window_bounds = array<i64: 2, 1000, 128>}, {transform_indices = @transform_1, window_bounds = array<i64: 1000, 128>}, {transform_indices = @transform_2, window_bounds = array<i64: 1000, 128>}, {transform_indices = @transform_3, window_bounds = array<i64: 1000, 128>}]} {
    %get3A = arith.constant 0 : index
    %get3A_0 = arith.constant 0 : index
    %get3A_1 = vector.load %arg2[%get3A, %get3A_0] : memref<1000x128xf32, #tpu.memory_space<vmem>>, vector<1000x128xf32>
    %slice3A = vector.extract_strided_slice %get3A_1 {offsets = [0, 0], sizes = [1000, 1], strides = [1, 1]} : vector<1000x128xf32> to vector<1000x1xf32>
    %max3A = arith.constant 9.99999996E-13 : f32
    %max3A_2 = vector.broadcast %max3A : f32 to vector<1000x1xf32>
    %max3A_3 = arith.maximumf %slice3A, %max3A_2 : vector<1000x1xf32>
    %rsqrt3A = math.rsqrt %max3A_3 : vector<1000x1xf32>
    %get3A_4 = arith.constant 0 : index
    %get3A_5 = arith.constant 0 : index
    %get3A_6 = arith.constant 0 : index
    %get3A_7 = vector.load %arg1[%get3A_4, %get3A_5, %get3A_6] : memref<2x1000x128xf32, #tpu.memory_space<vmem>>, vector<1x1000x128xf32>
    %get3A_8 = vector.shape_cast %get3A_7 : vector<1x1000x128xf32> to vector<1000x128xf32>
    %get3A_9 = arith.constant 1 : index
    %get3A_10 = arith.constant 0 : index
    %get3A_11 = arith.constant 0 : index
    %get3A_12 = vector.load %arg1[%get3A_9, %get3A_10, %get3A_11] : memref<2x1000x128xf32, #tpu.memory_space<vmem>>, vector<1x1000x128xf32>
    %get3A_13 = vector.shape_cast %get3A_12 : vector<1x1000x128xf32> to vector<1000x128xf32>
    %add3A = arith.addf %get3A_8, %get3A_13 : vector<1000x128xf32>
    %mul3A = vector.broadcast %rsqrt3A : vector<1000x1xf32> to vector<1000x128xf32>
    %mul3A_14 = arith.mulf %add3A, %mul3A : vector<1000x128xf32>
    %reduce_max3A = arith.constant dense<0xFF800000> : vector<1000xf32>
    %reduce_max3A_15 = vector.multi_reduction <maximumf>, %mul3A_14, %reduce_max3A [1] : vector<1000x128xf32> to vector<1000xf32>
    %broadcast_in_dim3A = vector.shape_cast %reduce_max3A_15 : vector<1000xf32> to vector<1000x1xf32>
    %sub3A = vector.broadcast %broadcast_in_dim3A : vector<1000x1xf32> to vector<1000x128xf32>
    %sub3A_16 = arith.subf %mul3A_14, %sub3A : vector<1000x128xf32>
    %exp3A = math.exp %sub3A_16 : vector<1000x128xf32>
    %swap3A = arith.constant 0 : index
    %swap3A_17 = arith.constant 0 : index
    %swap3A_18 = vector.load %arg3[%swap3A, %swap3A_17] : memref<1000x128xf32, #tpu.memory_space<vmem>>, vector<1000x128xf32>
    tpu.vector_store %arg3[%swap3A, %swap3A_17], %mul3A_14 {strides = array<i32>} : memref<1000x128xf32, #tpu.memory_space<vmem>>, vector<1000x128xf32>,
    %reduce_sum3A = arith.constant dense<0.000000e+00> : vector<1000xf32>
    %reduce_sum3A_19 = vector.multi_reduction <add>, %exp3A, %reduce_sum3A [1] : vector<1000x128xf32> to vector<1000xf32>
    %broadcast_in_dim3A_20 = vector.shape_cast %reduce_sum3A_19 : vector<1000xf32> to vector<1000x1xf32>
    %div3A = vector.broadcast %broadcast_in_dim3A_20 : vector<1000x1xf32> to vector<1000x128xf32>
    %div3A_21 = arith.divf %exp3A, %div3A : vector<1000x128xf32>
    %swap3A_22 = arith.constant 0 : index
    %swap3A_23 = arith.constant 0 : index
    %swap3A_24 = vector.load %arg4[%swap3A_22, %swap3A_23] : memref<1000x128xf32, #tpu.memory_space<vmem>>, vector<1000x128xf32>
    tpu.vector_store %arg4[%swap3A_22, %swap3A_23], %div3A_21 {strides = array<i32>} : memref<1000x128xf32, #tpu.memory_space<vmem>>, vector<1000x128xf32>,
    return
  }
  func.func @transform_0(%arg0: i32) -> (i32, i32, i32) {
    %c0_i32 = arith.constant 0 : i32
    %c0_i32_0 = arith.constant 0 : i32
    %c0_i32_1 = arith.constant 0 : i32
    return %c0_i32, %arg0, %c0_i32_0 : i32, i32, i32
  }
  func.func @transform_1(%arg0: i32) -> (i32, i32) {
    %c0_i32 = arith.constant 0 : i32
    %c0_i32_0 = arith.constant 0 : i32
    return %arg0, %c0_i32 : i32, i32
  }
  func.func @transform_2(%arg0: i32) -> (i32, i32) {
    %c0_i32 = arith.constant 0 : i32
    %c0_i32_0 = arith.constant 0 : i32
    return %arg0, %c0_i32 : i32, i32
  }
  func.func @transform_3(%arg0: i32) -> (i32, i32) {
    %c0_i32 = arith.constant 0 : i32
    %c0_i32_0 = arith.constant 0 : i32
    return %arg0, %c0_i32 : i32, i32
  }
}

</mosaic_0001>

<sc_bundles>
// kernel: kernel.11.cloned.1.call-start
scs
__scs_entry_jumppad:
0x0: {  	(pc) =	sbr.rel $0x88, $3  }
0x1: {  	(tag) =	ssettag $0x0;
	lr =	simm.s32 $0x1  }
0x2: {  	[smem:$0x3F9D] =	sst lr;
	_ =	strace $0xD0000000  }
0x3: {  	_ = 	snop  }
0x4: {  	_ = 	snop  }
0x5: {  	_ = 	snop  }
0x6: {  	_ = 	snop  }
0x7: {  	_ = 	snop  }
__scs_overlays_trampoline_lowered:
0x8: {  	[smem:$0x3FAC] =	sst s0  }
0x9: {  	[smem:$0x3FAD] =	sst s1  }
0xa: {  	[smem:$0x3FAE] =	sst s2  }
0xb: {  	[smem:$0x3FAF] =	sst s3  }
0xc: {  	[smem:$0x3FB0] =	sst s4  }
0xd: {  	[smem:$0x3FB1] =	sst s5  }
0xe: {  	[smem:$0x3FB2] =	sst s6  }
0xf: {  	[smem:$0x3FB3] =	sst s7  }
0x10: {  	[smem:$0x3FB4] =	sst s8  }
0x11: {  	[smem:$0x3FB5] =	sst s9;
	s0 =	simm.s32 @!p0 $0x0  }
0x12: {  	s1 =	sld [smem:$0x3F9B];
	s0 =	simm.s32 @p0 $0x1  }
0x13: {  	[smem:$0x3FB6] =	sst s0;
	s0 =	simm.s32 @!p1 $0x0  }
0x14: {  	s2 =	sld [smem:$0x3F9A];
	s0 =	simm.s32 @p1 $0x1  }
0x15: {  	[smem:$0x3FB7] =	sst s0;
	s0 =	simm.s32 @!p2 $0x0  }
0x16: {  	s3 =	sld [smem:$0x3FDB];
	s0 =	simm.s32 @p2 $0x1  }
0x17: {  	s4 =	simm.s32 $0x1BF5;
	[smem:$0x3FB9] =	sst s0  }
0x18: {  	s0 =	sld [smem:$0x3F9C];
	_ =	swait.ge [sflag:s4], $0x0  }
0x19: {  	s7 =	sld [smem:$0x3F9D]  }
0x1a: {  	s8 =	sadd.s32 $0xFFFFE003, lr  }
0x1b: {  	s9 =	sadd.s32 $0xFFFFFEF7, lr;
	s5 =	simm.s32 $0xFFFFFFFF;
	p2 =	slt.u32 s8, $0xFFFFF086  }
0x1c: {  	p1 =	slt.u32 s9, $0xF7A;
	s5 =	simm.s32 @!p2 $0x0  }
0x1d: {  	s5 =	simm.s32 @p1 $0x1;
	p0 =	seq.s32 s7, s2  }
0x1e: {  	s7 =	smul.u32 @!p0 $0xF7A, s2;
	p2 =	seq.s32 @!p0 s5, $0x0  }
0x1f: {  	s9 =	smul.u32 $0xF7A, s1;
	s8 =	simm.s32 @!p0 $0x1BF5;
	p2 =	por !p2, p0  }
0x20: {  	[sflag:s8] =	ssyncset.s32 @!p0 $0xFFFFF086;
	s6 =	sadd.s32 @!p0 s3, s7;
	s7 =	simm.s32 @!p0 $0x108  }
0x21: {  	s3 =	sadd.s32 s3, s9;
	s6 =	sadd.s32 @!p0 $0x88, s6;
	s7 =	simm.s32 @p2 $0x1082  }
0x22: {  	[simem:s7], [sflag:s8] =	dma.local @!p0 [hbm:s6], $0xF7A  }
0x23: {  	s9 =	sor.u32 $0xD0000000, s2;
	s6 =	simm.s32 $0x108;
	_ =	swait.ge @!p0 [sflag:s8], $0x0  }
0x24: {  	s3 =	sadd.s32 $0x88, s3;
	s6 =	simm.s32 @!p1 $0x1082;
	[sflag:s4] =	ssyncset.s32 $0xFFFFF086  }
0x25: {  	[simem:s6], [sflag:s4] =	dma.local [hbm:s3], $0xF7A  }
0x26: {  	[smem:$0x3F9D] =	sst s1;
	(tag) =	ssettag s2;
	_ =	strace s9  }
0x27: {  	s1 =	sld [smem:$0x3FAD]  }
0x28: {  	s2 =	sld [smem:$0x3FAE]  }
0x29: {  	s4 =	sld [smem:$0x3FB0]  }
0x2a: {  	p0 =	seq.s32 s5, $0x0;
	s5 =	sld [smem:$0x3FB1]  }
0x2b: {  	s6 =	sld [smem:$0x3FB2]  }
0x2c: {  	s7 =	sld [smem:$0x3FB3]  }
0x2d: {  	s3 =	simm.s32 $0x108;
	s8 =	sld [smem:$0x3FB4]  }
0x2e: {  	s3 =	simm.s32 @!p0 $0x1082;
	s9 =	sld [smem:$0x3FB5]  }
0x2f: {  	lr =	sadd.s32 s0, s3;
	s0 =	sld [smem:$0x3FAC]  }
0x30: {  	s3 =	sld [smem:$0x3FAF]  }
0x31: {  	[smem:$0x3FB8] =	sst s10  }
0x32: {  	s10 =	sld [smem:$0x3FB6];
	_ =	sdelay $0x3  }
0x33: {  	p0 =	seq.s32 s10, $0x1;
	s10 =	sld [smem:$0x3FB8];
	_ =	sdelay $0x3  }
0x34: {  	[smem:$0x3FB8] =	sst s10  }
0x35: {  	s10 =	sld [smem:$0x3FB7];
	_ =	sdelay $0x3  }
0x36: {  	p1 =	seq.s32 s10, $0x1;
	s10 =	sld [smem:$0x3FB8];
	_ =	sdelay $0x3  }
0x37: {  	[smem:$0x3FB8] =	sst s10  }
0x38: {  	s10 =	sld [smem:$0x3FB9]  }
0x39: {  	_ = 	snop;
	(pc) =	sbr.ind lr, $3  }
0x3a: {  	_ = 	snop  }
0x3b: {  	_ = 	snop  }
0x3c: {  	p2 =	seq.s32 s10, $0x1;
	s10 =	sld [smem:$0x3FB8]  }
0x3d: {  	_ =	shalt  }
0x3e: {  	_ =	shalt  }
0x3f: {  	_ =	shalt  }
0x40: {  	_ =	shalt  }
0x41: {  	_ =	shalt  }
0x42: {  	_ =	shalt  }
0x43: {  	_ =	shalt  }
0x44: {  	_ =	shalt  }
0x45: {  	_ =	shalt  }
0x46: {  	_ =	shalt  }
0x47: {  	_ =	shalt  }
0x48: {  	_ =	shalt  }
0x49: {  	_ =	shalt  }
0x4a: {  	_ =	shalt  }
0x4b: {  	_ =	shalt  }
0x4c: {  	_ =	shalt  }
0x4d: {  	_ =	shalt  }
0x4e: {  	_ =	shalt  }
0x4f: {  	_ =	shalt  }
0x50: {  	_ =	shalt  }
0x51: {  	_ =	shalt  }
0x52: {  	_ =	shalt  }
0x53: {  	_ =	shalt  }
0x54: {  	_ =	shalt  }
0x55: {  	_ =	shalt  }
0x56: {  	_ =	shalt  }
0x57: {  	_ =	shalt  }
0x58: {  	_ =	shalt  }
0x59: {  	_ =	shalt  }
0x5a: {  	_ =	shalt  }
0x5b: {  	_ =	shalt  }
0x5c: {  	_ =	shalt  }
0x5d: {  	_ =	shalt  }
0x5e: {  	_ =	shalt  }
0x5f: {  	_ =	shalt  }
0x60: {  	_ =	shalt  }
0x61: {  	_ =	shalt  }
0x62: {  	_ =	shalt  }
0x63: {  	_ =	shalt  }
0x64: {  	_ =	shalt  }
0x65: {  	_ =	shalt  }
0x66: {  	_ =	shalt  }
0x67: {  	_ =	shalt  }
0x68: {  	_ =	shalt  }
0x69: {  	_ =	shalt  }
0x6a: {  	_ =	shalt  }
0x6b: {  	_ =	shalt  }
0x6c: {  	_ =	shalt  }
0x6d: {  	_ =	shalt  }
0x6e: {  	_ =	shalt  }
0x6f: {  	_ =	shalt  }
0x70: {  	_ =	shalt  }
0x71: {  	_ =	shalt  }
0x72: {  	_ =	shalt  }
0x73: {  	_ =	shalt  }
0x74: {  	_ =	shalt  }
0x75: {  	_ =	shalt  }
0x76: {  	_ =	shalt  }
0x77: {  	_ =	shalt  }
0x78: {  	_ =	shalt  }
0x79: {  	_ =	shalt  }
0x7a: {  	_ =	shalt  }
0x7b: {  	_ =	shalt  }
0x7c: {  	_ =	shalt  }
0x7d: {  	_ =	shalt  }
0x7e: {  	_ =	shalt  }
0x7f: {  	_ =	shalt  }
0x80: {  	_ =	shalt  }
0x81: {  	_ =	shalt  }
0x82: {  	_ =	shalt  }
0x83: {  	_ =	shalt  }
0x84: {  	_ =	shalt  }
0x85: {  	_ =	shalt  }
0x86: {  	_ =	shalt  }
0x87: {  	_ =	shalt  }
.Lfunc_end0:
.L_simem_size_0:
called_computation.1_lowered:
.L_overlay_start_0:
0x88: {  	s2 =	sld [smem:$0x3FD9]  }
0x89: {  	s3 =	sld [smem:$0x3FFE];
	_ =	sdelay $0x1  }
0x8a: {  	s1 =	srdreg.scid  }
0x8b: {  	s0 =	sand.u32 $0x1, s1  }
0x8c: {  	s14 =	sshll.u32 s0, $0xA;
	s2 =	sadd.s32 s3, s2  }
0x8d: {  	s2 =	sadd.s32 s2, s14  }
0x8e: {  	[smem:$0x3FC4] =	sst s2  }
0x8f: {  	_ = 	snop  }
0x90: {  	s2 =	sld [smem:$0x3FD0];
	_ =	sdelay $0x2  }
0x91: {  	s15 =	simm.s32 $0xA;
	s4 =	simm.s32 $0x10  }
0x92: {  	[smem:s4], [sflag:s15] =	dma.local [hbm:s2], $0x1  }
0x93: {  	_ =	swait.eq [sflag:s15], $0x1  }
0x94: {  	[sflag:s15] =	ssyncset.done $0x0  }
0x95: {  	[sflag:s15] =	ssyncadd.s32 $0xFFFFFFFF  }
0x96: {  	s16 =	sld [smem:$0x10];
	(tm) =	ssettm $0x1  }
0x97: {  	s17 =	sld [smem:$0x3FFB];
	_ =	sdelay $0x3  }
0x98: {  	_ =	strace s17  }
0x99: {  	s3 =	sld [smem:$0x3FFC];
	_ =	sdelay $0x3  }
0x9a: {  	_ =	strace s3  }
0x9b: {  	s3 =	sld [smem:$0x3FFD];
	_ =	sdelay $0x3  }
0x9c: {  	_ =	strace s3  }
0x9d: {  	_ =	strace $0x8FFFFFFF  }
0x9e: {  	s18 =	sld [smem:$0x3FDB];
	_ =	sdelay $0x1  }
0x9f: {  	s19 =	simm.s32 $_scs_section_size  }
0xa0: {  	s5 =	simm.s32 $_size__tile_overlayer_lowered;
	s6 =	simm.s32 $_tile_overlayer_lowered  }
0xa1: {  	s22 =	simm.s32 $0x1BFF;
	s21 =	sshll.u32 s6, $0x1;
	s3 =	sadd.s32 s19, s18  }
0xa2: {  	s7 =	simm.s32 $0x0;
	s20 =	sshll.u32 s5, $0x1;
	s5 =	sadd.s32 s21, s3  }
0xa3: {  	[timem:s7], [sflag:s22] =	dma.local [hbm:s5], s20  }
0xa4: {  	_ =	swait.ge [sflag:s22], s20  }
0xa5: {  	s4 =	ssub.s32 $0x0, s20;
	[sflag:s22] =	ssyncset.done $0x0  }
0xa6: {  	[sflag:s22] =	ssyncadd.s32 s4;
	_ =	sdelay $0x1  }
0xa7: {  	s23 =	simm.s32 $0x1B8B  }
0xa8: {  	_ =	swait.ge [sflag:s23], $0x1  }
0xa9: {  	[sflag:s23] =	ssyncset.done $0x0  }
0xaa: {  	s25 =	simm.s32 $0x1B8E;
	s24 =	sld [smem:$0x3FFE];
	[sflag:s23] =	ssyncadd.s32 $0xFFFFFFFF  }
0xab: {  	s26 =	simm.s32 $execute0_lowered;
	[smem:$0x3FD2] =	sst s25  }
0xac: {  	s5 =	sshll.u32 s26, $0x1;
	_ =	strace $0x80000049;
	[dreg:$0x1] =	wrdreg $0xFFFFFFFF  }
0xad: {  	s28 =	simm.s32 $_size_execute0_lowered;
	s3 =	sadd.s32 s3, s5;
	[dreg:$0x0] =	wrdreg $0x0  }
0xae: {  	s5 =	sshll.u32 s28, $0x1;
	[dreg:$0x2] =	wrdreg s3  }
0xaf: {  	[dreg:$0x3] =	wrdreg s5  }
0xb0: {  	[dreg:$0x4] =	wrdreg $0xC0  }
0xb1: {  	_ =	task [dreg:s7], $0x5FFFF  }
0xb2: {  	[dreg:$0x1] =	wrdreg $0xFFFFFFFF  }
0xb3: {  	[dreg:$0x0] =	wrdreg $0x60  }
0xb4: {  	[dreg:$0x2] =	wrdreg s24  }
0xb5: {  	[dreg:$0x3] =	wrdreg s16  }
0xb6: {  	[dreg:$0x4] =	wrdreg $0x82000  }
0xb7: {  	[dreg:$0x5] =	wrdreg $0x9  }
0xb8: {  	_ =	task.clear_ibuf [dreg:s7], $0x6FFFF;
	_ =	strace $0x90000049  }
0xb9: {  	s29 =	simm.s32 $0x9;
	_ =	strace $0x8000004B  }
0xba: {  	_ =	swait.ge [sflag:s29], $0x1  }
0xbb: {  	[sflag:s29] =	ssyncadd.s32 $0xFFFFFFFF  }
0xbc: {  	_ =	strace $0x9000004B  }
0xbd: {  	_ =	sfence  }
0xbe: {  	s30 =	sld [smem:$0x0];
	_ =	sdelay $0x2  }
0xbf: {  	s31 =	sshll.u32 s1, $0xD;
	s1 =	sshrl.u32 s1, $0x2  }
0xc0: {  	s3 =	sand.u32 $0x4000, s31;
	s1 =	sadd.s32 s1, s30  }
0xc1: {  	s0 =	sor.u32 s3, s0;
	s1 =	sshll.u32 s1, $0x11  }
0xc2: {  	s0 =	sor.u32 s1, s0  }
0xc3: {  	s0 =	sadd.s32 $0x8F2B, s0  }
0xc4: {  	[sflag:s0] =	ssyncadd.remote.s32 $0x1  }
0xc5: {  	_ =	sfence.sel $0xFFFF  }
0xc6: {  	[dreg:$0x0] =	wrdreg $0xFFFFFFFF;
	(pc) =	sbr.abs _section_cstart, $3  }
0xc7: {  	[dreg:$0x1] =	wrdreg $0xFFFFFFFF  }
0xc8: {  	_ =	task.clear_ibuf [dreg:s7], $0x2FFFF;
	_ =	strace $0x9FFFFFFF  }
0xc9: {  	(tm) =	ssettm $0x7FFFFFFF  }
tec
execute0_lowered:
.L_overlay_start_1:
0x0: {  	(tag) =	ssettag $0x1  }
0x1: {  	s4 =	rddreg [dreg:$0x0]  }
0x2: {  	s12 =	rddreg [dreg:$0x1]  }
0x3: {  	s2 =	rddreg [dreg:$0x2];
	s1 =	stileid.u32  }
0x4: {  	s0 =	rddreg [dreg:$0x3];
	s3 =	simm.s32 $0x0;
	s13 =	smul.u32 $0x540, s1  }
0x5: {  	s5 =	srdreg.scid;
	s19 =	simm.s32 $0x1;
	s6 =	smul.u32 $0x50000, s1  }
0x6: {  	[smem:$0x7FF] =	sst s3;
	s5 =	sand.u32 $0x1, s5;
	s21 =	smul.u32 $0x2800, s1  }
0x7: {  	s10 =	sadd.s32 $0x2EE00, s4;
	s11 =	sadd.s32 $0xCB200, s4;
	s9 =	smul.u32 $0x4E200, s5  }
0x8: {  	_ =	strace $0x8000004A;
	s15 =	smul.u32 $0x50000, s5;
	s16 =	sshllo.u32 s5, $0x1  }
0x9: {  	s7 =	ssub.s32 $0x2, s5;
	s14 =	sadd.s32 s13, s4;
	s18 =	smul.u32 $0x27100, s16  }
0xa: {  	s8 =	sshrl.u32 s7, $0x1;
	s31 =	sshrl.u32 s6, $0x2;
	s16 =	smul.u32 $0x28000, s16  }
0xb: {  	s12 =	sadd.s32 s13, s12;
	s4 =	sadd.s32 s31, s2;
	s17 =	ssub.s32 s7, s8  }
0xc: {  	s9 =	sadd.s32 s10, s9;
	s20 =	sadd.s32 s11, s15;
	s13 =	sadd.s32 $0x29A00, s14  }
0xd: {  	s14 =	simm.s32 $0x4200;
	s15 =	simm.s32 $0x2;
	s5 =	sadd.s32 $0x4000, s4  }
0xe: {  	s6 =	sadd.s32 $0x8000, s4;
	s7 =	sadd.s32 $0xC000, s4;
	s8 =	sadd.s32 $0x10000, s4  }
0xf: {  	s10 =	sadd.s32 s10, s18;
	s22 =	sadd.s32 s11, s16;
	s11 =	smax.u32 s17, $0x1  }
0x10: {  	s16 =	simm.s32 $0x100;
	s17 =	simm.s32 $0x80;
	s18 =	simm.s32 $0x200  }
0x11: {  	v0 =	vimm.f32 $0.0e+00;
	s20 =	sadd.s32 s21, s20;
	s21 =	sadd.s32 s21, s22;
	s22 =	simm.s32 $0x0  }
.LBB2_1:
0x12: {  	s23 =	simm.s32 $0x0;
	s24 =	simm.s32 $0x200  }
.LBB2_2:
0x13: {  	p0 =	sne.s32 s24, $0xFE00;
	[tilespmem:s23+$0x4270] =	vst v0  }
0x14: {  	[tilespmem:s23+$0x4200] =	vst v0  }
0x15: {  	[tilespmem:s23+$0x4210] =	vst v0  }
.Ltmp0:
0x16: {  	[tilespmem:s23+$0x4220] =	vst v0;
	(pc) =	sbr.rel @p0 .LBB2_2-.Ltmp0, $4  }
0x17: {  	[tilespmem:s23+$0x4230] =	vst v0  }
0x18: {  	[tilespmem:s23+$0x4240] =	vst v0  }
0x19: {  	[tilespmem:s23+$0x4250] =	vst v0  }
0x1a: {  	[tilespmem:s23+$0x4260] =	vst v0;
	s23 =	sshra.s32 s24, $0x2;
	s24 =	sadd.s32 $0x200, s24  }
0x1b: {  	[tilespmem:s23+$0x4270] =	vst v0  }
0x1c: {  	[tilespmem:s23+$0x4200] =	vst v0  }
0x1d: {  	[tilespmem:s23+$0x4210] =	vst v0  }
0x1e: {  	[tilespmem:s23+$0x4220] =	vst v0  }
0x1f: {  	[tilespmem:s23+$0x4230] =	vst v0  }
0x20: {  	[tilespmem:s23+$0x4240] =	vst v0  }
0x21: {  	[tilespmem:s23+$0x4250] =	vst v0  }
0x22: {  	[tilespmem:s23+$0x4260] =	vst v0  }
0x23: {  	[spmem:s4] =	stream.linear.scatter [tilespmem:s14], [sflag:$0x2], $0x4000, $0x38;
	[tilespmem:$0x1C200] =	vst v63  }
0x24: {  	_ =	swait.ge [sflag:s15], $0x4000  }
0x25: {  	[sflag:s15] =	ssyncset.done $0x0  }
0x26: {  	[sflag:s15] =	ssyncadd.s32 $0xFFFFC000  }
0x27: {  	[spmem:s5] =	stream.linear.scatter [tilespmem:s14], [sflag:$0x2], $0x4000, $0x38;
	[tilespmem:$0x1C200] =	vst v63  }
0x28: {  	_ =	swait.ge [sflag:s15], $0x4000  }
0x29: {  	[sflag:s15] =	ssyncset.done $0x0  }
0x2a: {  	[sflag:s15] =	ssyncadd.s32 $0xFFFFC000  }
0x2b: {  	[spmem:s6] =	stream.linear.scatter [tilespmem:s14], [sflag:$0x2], $0x4000, $0x38;
	[tilespmem:$0x1C200] =	vst v63  }
0x2c: {  	_ =	swait.ge [sflag:s15], $0x4000  }
0x2d: {  	[sflag:s15] =	ssyncset.done $0x0  }
0x2e: {  	[sflag:s15] =	ssyncadd.s32 $0xFFFFC000  }
0x2f: {  	[spmem:s7] =	stream.linear.scatter [tilespmem:s14], [sflag:$0x2], $0x4000, $0x38;
	[tilespmem:$0x1C200] =	vst v63  }
0x30: {  	_ =	swait.ge [sflag:s15], $0x4000  }
0x31: {  	[sflag:s15] =	ssyncset.done $0x0  }
0x32: {  	[sflag:s15] =	ssyncadd.s32 $0xFFFFC000  }
0x33: {  	[spmem:s8] =	stream.linear.scatter [tilespmem:s14], [sflag:$0x2], $0x4000, $0x38;
	[tilespmem:$0x1C200] =	vst v63  }
0x34: {  	_ =	swait.ge [sflag:s15], $0x4000  }
0x35: {  	[sflag:s15] =	ssyncset.done $0x0  }
0x36: {  	[sflag:s15] =	ssyncadd.s32 $0xFFFFC000  }
0x37: {  	s30 =	sadd.s32 $0x0, s13;
	[bflag:$0x0] =	sbarrier.arrive $0xFFFF  }
0x38: {  	[tilespmem:s3], [sflag:$0x2] =	stream.linear.gather [hbm4b:s30+s3], $0x80, $0x38;
	[tilespmem:$0x1C200] =	vst v63  }
0x39: {  	_ =	swait.ge [sflag:s15], $0x80  }
0x3a: {  	[sflag:s15] =	ssyncset.done $0x0  }
0x3b: {  	s31 =	sadd.s32 $0x0, s12;
	[sflag:s15] =	ssyncadd.s32 $0xFFFFFF80  }
0x3c: {  	[tilespmem:s16], [sflag:$0x2] =	stream.linear.gather [hbm4b:s31+s3], $0x80, $0x38;
	[tilespmem:$0x1C200] =	vst v63  }
0x3d: {  	_ =	swait.ge [sflag:s15], $0x80  }
0x3e: {  	[sflag:s15] =	ssyncset.done $0x0  }
0x3f: {  	[sflag:s15] =	ssyncadd.s32 $0xFFFFFF80  }
0x40: {  	[tilespmem:s18], [sflag:$0x1] =	stream.indirect.gather [hbm4b:s9+s17], $0x80, s3, s17, $0xb8;
	[tilespmem:$0x1C200] =	vst v63  }
0x41: {  	_ =	swait.ge [sflag:s19], $0x4000  }
0x42: {  	[sflag:s19] =	ssyncset.done $0x0  }
0x43: {  	[sflag:s19] =	ssyncadd.s32 $0xFFFFC000  }
0x44: {  	[spmem:s2] =	stream.indirect.scatter.add.f32 [tilespmem:s18], [sflag:$0x2], $0x80, s16, s17, $0xb8;
	[tilespmem:$0x1C200] =	vst v63  }
0x45: {  	_ =	swait.ge [sflag:s15], $0x4000  }
0x46: {  	s23 =	simm.s32 $0x10;
	s24 =	simm.s32 $0x20;
	[sflag:s15] =	ssyncset.done $0x0  }
.LBB2_4:
0x47: {  	s25 =	sadd.s32 s23, s13  }
0x48: {  	[sflag:s15] =	ssyncadd.s32 $0xFFFFC000;
	s26 =	smov.u32 s24;
	s28 =	sadd.s32 $0x10, s24  }
0x49: {  	[tilespmem:s3], [sflag:$0x2] =	stream.linear.gather [hbm4b:s25+s3], $0x80, $0x38;
	[tilespmem:$0x1C200] =	vst v63  }
0x4a: {  	p0 =	sne.s32 s24, $0x530;
	_ =	swait.ge [sflag:s15], $0x80  }
0x4b: {  	[sflag:s15] =	ssyncset.done $0x0  }
0x4c: {  	s24 =	sadd.s32 s23, s12;
	s23 =	smov.u32 s26;
	[sflag:s15] =	ssyncadd.s32 $0xFFFFFF80  }
0x4d: {  	[tilespmem:s16], [sflag:$0x2] =	stream.linear.gather [hbm4b:s24+s3], $0x80, $0x38;
	[tilespmem:$0x1C200] =	vst v63  }
0x4e: {  	_ =	swait.ge [sflag:s15], $0x80  }
0x4f: {  	[sflag:s15] =	ssyncset.done $0x0  }
0x50: {  	[sflag:s15] =	ssyncadd.s32 $0xFFFFFF80  }
0x51: {  	[tilespmem:s18], [sflag:$0x1] =	stream.indirect.gather [hbm4b:s9+s17], $0x80, s3, s17, $0xb8;
	[tilespmem:$0x1C200] =	vst v63  }
0x52: {  	_ =	swait.ge [sflag:s19], $0x4000  }
.Ltmp1:
0x53: {  	[sflag:s19] =	ssyncset.done $0x0;
	(pc) =	sbr.rel @p0 .LBB2_4-.Ltmp1, $4  }
0x54: {  	[sflag:s19] =	ssyncadd.s32 $0xFFFFC000  }
0x55: {  	[spmem:s2] =	stream.indirect.scatter.add.f32 [tilespmem:s18], [sflag:$0x2], $0x80, s16, s17, $0xb8;
	[tilespmem:$0x1C200] =	vst v63  }
0x56: {  	_ =	swait.ge [sflag:s15], $0x4000  }
0x57: {  	s24 =	smov.u32 s28;
	[sflag:s15] =	ssyncset.done $0x0  }
0x58: {  	s24 =	sadd.s32 s23, s13;
	[sflag:s15] =	ssyncadd.s32 $0xFFFFC000  }
0x59: {  	[tilespmem:s3], [sflag:$0x2] =	stream.linear.gather [hbm4b:s24+s3], $0x80, $0x38;
	[tilespmem:$0x1C200] =	vst v63  }
0x5a: {  	_ =	swait.ge [sflag:s15], $0x80  }
0x5b: {  	[sflag:s15] =	ssyncset.done $0x0  }
0x5c: {  	s29 =	sadd.s32 s23, s12;
	[sflag:s15] =	ssyncadd.s32 $0xFFFFFF80  }
0x5d: {  	[tilespmem:s16], [sflag:$0x2] =	stream.linear.gather [hbm4b:s29+s3], $0x80, $0x38;
	[tilespmem:$0x1C200] =	vst v63  }
0x5e: {  	_ =	swait.ge [sflag:s15], $0x80  }
0x5f: {  	[sflag:s15] =	ssyncset.done $0x0  }
0x60: {  	[sflag:s15] =	ssyncadd.s32 $0xFFFFFF80  }
0x61: {  	[tilespmem:s18], [sflag:$0x1] =	stream.indirect.gather [hbm4b:s9+s17], $0x80, s3, s17, $0xb8;
	[tilespmem:$0x1C200] =	vst v63  }
0x62: {  	_ =	swait.ge [sflag:s19], $0x4000  }
0x63: {  	[sflag:s19] =	ssyncset.done $0x0  }
0x64: {  	[sflag:s19] =	ssyncadd.s32 $0xFFFFC000  }
0x65: {  	[spmem:s2] =	stream.indirect.scatter.add.f32 [tilespmem:s18], [sflag:$0x2], $0x80, s16, s17, $0xb8;
	[tilespmem:$0x1C200] =	vst v63  }
0x66: {  	_ =	swait.ge [sflag:s15], $0x4000  }
0x67: {  	[sflag:s15] =	ssyncset.done $0x0  }
0x68: {  	s30 =	sshll.u32 s1, $0x6;
	[sflag:s15] =	ssyncadd.s32 $0xFFFFC000  }
0x69: {  	s23 =	sor.u32 $0x1C02, s30;
	s24 =	sshrl.u32 s4, $0x3;
	[bflag:$0x0] =	sbarrier.arrive $0xFFFF  }
0x6a: {  	[hbm:s20], [sflag:s23] =	dma.local [spmem:s24], $0x2800  }
0x6b: {  	_ =	swait.ge [sflag:s15], $0x2800  }
0x6c: {  	[sflag:s15] =	ssyncset.done $0x0  }
0x6d: {  	[sflag:s15] =	ssyncadd.s32 $0xFFFFD800  }
0x6e: {  	[bflag:$0x0] =	sbarrier.arrive $0xFFFF  }
0x6f: {  	[spmem:s4] =	stream.linear.scatter [tilespmem:s14], [sflag:$0x2], $0x4000, $0x38;
	[tilespmem:$0x1C200] =	vst v63  }
0x70: {  	_ =	swait.ge [sflag:s15], $0x4000  }
0x71: {  	[sflag:s15] =	ssyncset.done $0x0  }
0x72: {  	[sflag:s15] =	ssyncadd.s32 $0xFFFFC000  }
0x73: {  	[spmem:s5] =	stream.linear.scatter [tilespmem:s14], [sflag:$0x2], $0x4000, $0x38;
	[tilespmem:$0x1C200] =	vst v63  }
0x74: {  	_ =	swait.ge [sflag:s15], $0x4000  }
0x75: {  	[sflag:s15] =	ssyncset.done $0x0  }
0x76: {  	[sflag:s15] =	ssyncadd.s32 $0xFFFFC000  }
0x77: {  	[spmem:s6] =	stream.linear.scatter [tilespmem:s14], [sflag:$0x2], $0x4000, $0x38;
	[tilespmem:$0x1C200] =	vst v63  }
0x78: {  	_ =	swait.ge [sflag:s15], $0x4000  }
0x79: {  	[sflag:s15] =	ssyncset.done $0x0  }
0x7a: {  	[sflag:s15] =	ssyncadd.s32 $0xFFFFC000  }
0x7b: {  	[spmem:s7] =	stream.linear.scatter [tilespmem:s14], [sflag:$0x2], $0x4000, $0x38;
	[tilespmem:$0x1C200] =	vst v63  }
0x7c: {  	_ =	swait.ge [sflag:s15], $0x4000  }
0x7d: {  	[sflag:s15] =	ssyncset.done $0x0  }
0x7e: {  	[sflag:s15] =	ssyncadd.s32 $0xFFFFC000  }
0x7f: {  	[spmem:s8] =	stream.linear.scatter [tilespmem:s14], [sflag:$0x2], $0x4000, $0x38;
	[tilespmem:$0x1C200] =	vst v63  }
0x80: {  	_ =	swait.ge [sflag:s15], $0x4000  }
0x81: {  	[sflag:s15] =	ssyncset.done $0x0  }
0x82: {  	[sflag:s15] =	ssyncadd.s32 $0xFFFFC000  }
0x83: {  	s25 =	sadd.s32 $0x0, s13;
	[bflag:$0x0] =	sbarrier.arrive $0xFFFF  }
0x84: {  	[tilespmem:s3], [sflag:$0x2] =	stream.linear.gather [hbm4b:s25+s3], $0x80, $0x38;
	[tilespmem:$0x1C200] =	vst v63  }
0x85: {  	_ =	swait.ge [sflag:s15], $0x80  }
0x86: {  	[sflag:s15] =	ssyncset.done $0x0  }
0x87: {  	s31 =	sadd.s32 $0x0, s12;
	[sflag:s15] =	ssyncadd.s32 $0xFFFFFF80  }
0x88: {  	[tilespmem:s16], [sflag:$0x2] =	stream.linear.gather [hbm4b:s31+s3], $0x80, $0x38;
	[tilespmem:$0x1C200] =	vst v63  }
0x89: {  	_ =	swait.ge [sflag:s15], $0x80  }
0x8a: {  	[sflag:s15] =	ssyncset.done $0x0  }
0x8b: {  	[sflag:s15] =	ssyncadd.s32 $0xFFFFFF80  }
0x8c: {  	[tilespmem:s18], [sflag:$0x1] =	stream.indirect.gather [hbm4b:s10+s17], $0x80, s3, s17, $0xb8;
	[tilespmem:$0x1C200] =	vst v63  }
0x8d: {  	_ =	swait.ge [sflag:s19], $0x4000  }
0x8e: {  	[sflag:s19] =	ssyncset.done $0x0  }
0x8f: {  	[sflag:s19] =	ssyncadd.s32 $0xFFFFC000  }
0x90: {  	[spmem:s2] =	stream.indirect.scatter.add.f32 [tilespmem:s18], [sflag:$0x2], $0x80, s16, s17, $0xb8;
	[tilespmem:$0x1C200] =	vst v63  }
0x91: {  	_ =	swait.ge [sflag:s15], $0x4000  }
0x92: {  	s26 =	simm.s32 $0x20;
	s25 =	simm.s32 $0x10;
	[sflag:s15] =	ssyncset.done $0x0  }
.LBB2_6:
0x93: {  	s28 =	sadd.s32 s25, s13  }
0x94: {  	[sflag:s15] =	ssyncadd.s32 $0xFFFFC000;
	s29 =	smov.u32 s26;
	s30 =	sadd.s32 $0x10, s26  }
0x95: {  	[tilespmem:s3], [sflag:$0x2] =	stream.linear.gather [hbm4b:s28+s3], $0x80, $0x38;
	[tilespmem:$0x1C200] =	vst v63  }
0x96: {  	p0 =	sne.s32 s26, $0x530;
	_ =	swait.ge [sflag:s15], $0x80  }
0x97: {  	[sflag:s15] =	ssyncset.done $0x0  }
0x98: {  	s26 =	sadd.s32 s25, s12;
	s25 =	smov.u32 s29;
	[sflag:s15] =	ssyncadd.s32 $0xFFFFFF80  }
0x99: {  	[tilespmem:s16], [sflag:$0x2] =	stream.linear.gather [hbm4b:s26+s3], $0x80, $0x38;
	[tilespmem:$0x1C200] =	vst v63  }
0x9a: {  	_ =	swait.ge [sflag:s15], $0x80  }
0x9b: {  	[sflag:s15] =	ssyncset.done $0x0  }
0x9c: {  	[sflag:s15] =	ssyncadd.s32 $0xFFFFFF80  }
0x9d: {  	[tilespmem:s18], [sflag:$0x1] =	stream.indirect.gather [hbm4b:s10+s17], $0x80, s3, s17, $0xb8;
	[tilespmem:$0x1C200] =	vst v63  }
0x9e: {  	_ =	swait.ge [sflag:s19], $0x4000  }
.Ltmp2:
0x9f: {  	[sflag:s19] =	ssyncset.done $0x0;
	(pc) =	sbr.rel @p0 .LBB2_6-.Ltmp2, $4  }
0xa0: {  	[sflag:s19] =	ssyncadd.s32 $0xFFFFC000  }
0xa1: {  	[spmem:s2] =	stream.indirect.scatter.add.f32 [tilespmem:s18], [sflag:$0x2], $0x80, s16, s17, $0xb8;
	[tilespmem:$0x1C200] =	vst v63  }
0xa2: {  	_ =	swait.ge [sflag:s15], $0x4000  }
0xa3: {  	s26 =	smov.u32 s30;
	[sflag:s15] =	ssyncset.done $0x0  }
0xa4: {  	s26 =	sadd.s32 s25, s13;
	[sflag:s15] =	ssyncadd.s32 $0xFFFFC000  }
0xa5: {  	[tilespmem:s3], [sflag:$0x2] =	stream.linear.gather [hbm4b:s26+s3], $0x80, $0x38;
	[tilespmem:$0x1C200] =	vst v63  }
0xa6: {  	_ =	swait.ge [sflag:s15], $0x80  }
0xa7: {  	[sflag:s15] =	ssyncset.done $0x0  }
0xa8: {  	s31 =	sadd.s32 s25, s12;
	[sflag:s15] =	ssyncadd.s32 $0xFFFFFF80  }
0xa9: {  	[tilespmem:s16], [sflag:$0x2] =	stream.linear.gather [hbm4b:s31+s3], $0x80, $0x38;
	[tilespmem:$0x1C200] =	vst v63  }
0xaa: {  	_ =	swait.ge [sflag:s15], $0x80  }
0xab: {  	[sflag:s15] =	ssyncset.done $0x0  }
0xac: {  	[sflag:s15] =	ssyncadd.s32 $0xFFFFFF80  }
0xad: {  	[tilespmem:s18], [sflag:$0x1] =	stream.indirect.gather [hbm4b:s10+s17], $0x80, s3, s17, $0xb8;
	[tilespmem:$0x1C200] =	vst v63  }
0xae: {  	_ =	swait.ge [sflag:s19], $0x4000  }
0xaf: {  	[sflag:s19] =	ssyncset.done $0x0  }
0xb0: {  	[sflag:s19] =	ssyncadd.s32 $0xFFFFC000  }
0xb1: {  	[spmem:s2] =	stream.indirect.scatter.add.f32 [tilespmem:s18], [sflag:$0x2], $0x80, s16, s17, $0xb8;
	[tilespmem:$0x1C200] =	vst v63  }
0xb2: {  	_ =	swait.ge [sflag:s15], $0x4000  }
0xb3: {  	[sflag:s15] =	ssyncset.done $0x0  }
0xb4: {  	s22 =	sadd.s32 $0x1, s22;
	[sflag:s15] =	ssyncadd.s32 $0xFFFFC000  }
0xb5: {  	p0 =	sne.s32 s22, s11;
	[bflag:$0x0] =	sbarrier.arrive $0xFFFF  }
0xb6: {  	[hbm:s21], [sflag:s23] =	dma.local [spmem:s24], $0x2800  }
.Ltmp3:
0xb7: {  	_ =	swait.ge [sflag:s15], $0x2800;
	(pc) =	sbr.rel @p0 .LBB2_1-.Ltmp3, $3  }
0xb8: {  	[sflag:s15] =	ssyncset.done $0x0  }
0xb9: {  	[sflag:s15] =	ssyncadd.s32 $0xFFFFD800  }
0xba: {  	[bflag:$0x0] =	sbarrier.arrive $0xFFFF;
	_ =	sdelay $0x1  }
0xbb: {  	_ =	sfence.sel $0x180000  }
0xbc: {  	[bflag:$0x0] =	sbarrier.arrive $0xFFFF  }
0xbd: {  	p0 =	sne.s32 s1, $0x0;
	_ =	strace $0x9000004A  }
0xbe: {  	s0 =	sadd.s32 @!p0 $0x100000, s0;
	[bflag:$0x2] =	sbarrier.arrive $0xFFFF  }
0xbf: {  	[sflag:s0] =	ssyncadd.tile.s32 @!p0 $0x1;
	_ =	shalt  }
.Lfunc_end2:
_tile_overlayer_lowered:
.L_overlay_start_2:
0xc0: {  	(tag) =	ssettag $0x2  }
0xc1: {  	s0 =	rddreg [dreg:$0x0];
	s2 =	stileid.u32  }
0xc2: {  	s1 =	rddreg [dreg:$0x1];
	p0 =	sne.s32 s2, $0x0  }
0xc3: {  	s3 =	rddreg [dreg:$0x2];
	[bflag:$0x3] =	sbarrier.arrive $0xFFFF;
	s2 =	simm.s32 @!p0 $0x1C02  }
0xc4: {  	[timem:s3], [sflag:s2] =	dma.local @!p0 [hbm:s0], s1  }
0xc5: {  	s0 =	simm.s32 @!p0 $0x2  }
0xc6: {  	_ =	swait.ge @!p0 [sflag:s0], s1  }
0xc7: {  	s1 =	ssub.s32 @!p0 $0x0, s1;
	[sflag:s0] =	ssyncset.done @!p0 $0x0  }
0xc8: {  	[sflag:s0] =	ssyncadd.s32 @!p0 s1  }
0xc9: {  	[bflag:$0x3] =	sbarrier.arrive $0xFFFF  }
0xca: {  	_ =	shalt  }

// kernel: kernel.14.cloned.1.call-start
scs
__scs_entry_jumppad:
0x0: {  	(pc) =	sbr.rel $0x88, $3  }
0x1: {  	(tag) =	ssettag $0x0;
	lr =	simm.s32 $0x1  }
0x2: {  	[smem:$0x3F9D] =	sst lr;
	_ =	strace $0xD0000000  }
0x3: {  	_ = 	snop  }
0x4: {  	_ = 	snop  }
0x5: {  	_ = 	snop  }
0x6: {  	_ = 	snop  }
0x7: {  	_ = 	snop  }
__scs_overlays_trampoline_lowered:
0x8: {  	[smem:$0x3FAC] =	sst s0  }
0x9: {  	[smem:$0x3FAD] =	sst s1  }
0xa: {  	[smem:$0x3FAE] =	sst s2  }
0xb: {  	[smem:$0x3FAF] =	sst s3  }
0xc: {  	[smem:$0x3FB0] =	sst s4  }
0xd: {  	[smem:$0x3FB1] =	sst s5  }
0xe: {  	[smem:$0x3FB2] =	sst s6  }
0xf: {  	[smem:$0x3FB3] =	sst s7  }
0x10: {  	[smem:$0x3FB4] =	sst s8  }
0x11: {  	[smem:$0x3FB5] =	sst s9;
	s0 =	simm.s32 @!p0 $0x0  }
0x12: {  	s1 =	sld [smem:$0x3F9B];
	s0 =	simm.s32 @p0 $0x1  }
0x13: {  	[smem:$0x3FB6] =	sst s0;
	s0 =	simm.s32 @!p1 $0x0  }
0x14: {  	s2 =	sld [smem:$0x3F9A];
	s0 =	simm.s32 @p1 $0x1  }
0x15: {  	[smem:$0x3FB7] =	sst s0;
	s0 =	simm.s32 @!p2 $0x0  }
0x16: {  	s3 =	sld [smem:$0x3FDB];
	s0 =	simm.s32 @p2 $0x1  }
0x17: {  	s4 =	simm.s32 $0x1BF5;
	[smem:$0x3FB9] =	sst s0  }
0x18: {  	s0 =	sld [smem:$0x3F9C];
	_ =	swait.ge [sflag:s4], $0x0  }
0x19: {  	s7 =	sld [smem:$0x3F9D]  }
0x1a: {  	s8 =	sadd.s32 $0xFFFFE003, lr  }
0x1b: {  	s9 =	sadd.s32 $0xFFFFFEF7, lr;
	s5 =	simm.s32 $0xFFFFFFFF;
	p2 =	slt.u32 s8, $0xFFFFF086  }
0x1c: {  	p1 =	slt.u32 s9, $0xF7A;
	s5 =	simm.s32 @!p2 $0x0  }
0x1d: {  	s5 =	simm.s32 @p1 $0x1;
	p0 =	seq.s32 s7, s2  }
0x1e: {  	s7 =	smul.u32 @!p0 $0xF7A, s2;
	p2 =	seq.s32 @!p0 s5, $0x0  }
0x1f: {  	s9 =	smul.u32 $0xF7A, s1;
	s8 =	simm.s32 @!p0 $0x1BF5;
	p2 =	por !p2, p0  }
0x20: {  	[sflag:s8] =	ssyncset.s32 @!p0 $0xFFFFF086;
	s6 =	sadd.s32 @!p0 s3, s7;
	s7 =	simm.s32 @!p0 $0x108  }
0x21: {  	s3 =	sadd.s32 s3, s9;
	s6 =	sadd.s32 @!p0 $0x88, s6;
	s7 =	simm.s32 @p2 $0x1082  }
0x22: {  	[simem:s7], [sflag:s8] =	dma.local @!p0 [hbm:s6], $0xF7A  }
0x23: {  	s9 =	sor.u32 $0xD0000000, s2;
	s6 =	simm.s32 $0x108;
	_ =	swait.ge @!p0 [sflag:s8], $0x0  }
0x24: {  	s3 =	sadd.s32 $0x88, s3;
	s6 =	simm.s32 @!p1 $0x1082;
	[sflag:s4] =	ssyncset.s32 $0xFFFFF086  }
0x25: {  	[simem:s6], [sflag:s4] =	dma.local [hbm:s3], $0xF7A  }
0x26: {  	[smem:$0x3F9D] =	sst s1;
	(tag) =	ssettag s2;
	_ =	strace s9  }
0x27: {  	s1 =	sld [smem:$0x3FAD]  }
0x28: {  	s2 =	sld [smem:$0x3FAE]  }
0x29: {  	s4 =	sld [smem:$0x3FB0]  }
0x2a: {  	p0 =	seq.s32 s5, $0x0;
	s5 =	sld [smem:$0x3FB1]  }
0x2b: {  	s6 =	sld [smem:$0x3FB2]  }
0x2c: {  	s7 =	sld [smem:$0x3FB3]  }
0x2d: {  	s3 =	simm.s32 $0x108;
	s8 =	sld [smem:$0x3FB4]  }
0x2e: {  	s3 =	simm.s32 @!p0 $0x1082;
	s9 =	sld [smem:$0x3FB5]  }
0x2f: {  	lr =	sadd.s32 s0, s3;
	s0 =	sld [smem:$0x3FAC]  }
0x30: {  	s3 =	sld [smem:$0x3FAF]  }
0x31: {  	[smem:$0x3FB8] =	sst s10  }
0x32: {  	s10 =	sld [smem:$0x3FB6];
	_ =	sdelay $0x3  }
0x33: {  	p0 =	seq.s32 s10, $0x1;
	s10 =	sld [smem:$0x3FB8];
	_ =	sdelay $0x3  }
0x34: {  	[smem:$0x3FB8] =	sst s10  }
0x35: {  	s10 =	sld [smem:$0x3FB7];
	_ =	sdelay $0x3  }
0x36: {  	p1 =	seq.s32 s10, $0x1;
	s10 =	sld [smem:$0x3FB8];
	_ =	sdelay $0x3  }
0x37: {  	[smem:$0x3FB8] =	sst s10  }
0x38: {  	s10 =	sld [smem:$0x3FB9]  }
0x39: {  	_ = 	snop;
	(pc) =	sbr.ind lr, $3  }
0x3a: {  	_ = 	snop  }
0x3b: {  	_ = 	snop  }
0x3c: {  	p2 =	seq.s32 s10, $0x1;
	s10 =	sld [smem:$0x3FB8]  }
0x3d: {  	_ =	shalt  }
0x3e: {  	_ =	shalt  }
0x3f: {  	_ =	shalt  }
0x40: {  	_ =	shalt  }
0x41: {  	_ =	shalt  }
0x42: {  	_ =	shalt  }
0x43: {  	_ =	shalt  }
0x44: {  	_ =	shalt  }
0x45: {  	_ =	shalt  }
0x46: {  	_ =	shalt  }
0x47: {  	_ =	shalt  }
0x48: {  	_ =	shalt  }
0x49: {  	_ =	shalt  }
0x4a: {  	_ =	shalt  }
0x4b: {  	_ =	shalt  }
0x4c: {  	_ =	shalt  }
0x4d: {  	_ =	shalt  }
0x4e: {  	_ =	shalt  }
0x4f: {  	_ =	shalt  }
0x50: {  	_ =	shalt  }
0x51: {  	_ =	shalt  }
0x52: {  	_ =	shalt  }
0x53: {  	_ =	shalt  }
0x54: {  	_ =	shalt  }
0x55: {  	_ =	shalt  }
0x56: {  	_ =	shalt  }
0x57: {  	_ =	shalt  }
0x58: {  	_ =	shalt  }
0x59: {  	_ =	shalt  }
0x5a: {  	_ =	shalt  }
0x5b: {  	_ =	shalt  }
0x5c: {  	_ =	shalt  }
0x5d: {  	_ =	shalt  }
0x5e: {  	_ =	shalt  }
0x5f: {  	_ =	shalt  }
0x60: {  	_ =	shalt  }
0x61: {  	_ =	shalt  }
0x62: {  	_ =	shalt  }
0x63: {  	_ =	shalt  }
0x64: {  	_ =	shalt  }
0x65: {  	_ =	shalt  }
0x66: {  	_ =	shalt  }
0x67: {  	_ =	shalt  }
0x68: {  	_ =	shalt  }
0x69: {  	_ =	shalt  }
0x6a: {  	_ =	shalt  }
0x6b: {  	_ =	shalt  }
0x6c: {  	_ =	shalt  }
0x6d: {  	_ =	shalt  }
0x6e: {  	_ =	shalt  }
0x6f: {  	_ =	shalt  }
0x70: {  	_ =	shalt  }
0x71: {  	_ =	shalt  }
0x72: {  	_ =	shalt  }
0x73: {  	_ =	shalt  }
0x74: {  	_ =	shalt  }
0x75: {  	_ =	shalt  }
0x76: {  	_ =	shalt  }
0x77: {  	_ =	shalt  }
0x78: {  	_ =	shalt  }
0x79: {  	_ =	shalt  }
0x7a: {  	_ =	shalt  }
0x7b: {  	_ =	shalt  }
0x7c: {  	_ =	shalt  }
0x7d: {  	_ =	shalt  }
0x7e: {  	_ =	shalt  }
0x7f: {  	_ =	shalt  }
0x80: {  	_ =	shalt  }
0x81: {  	_ =	shalt  }
0x82: {  	_ =	shalt  }
0x83: {  	_ =	shalt  }
0x84: {  	_ =	shalt  }
0x85: {  	_ =	shalt  }
0x86: {  	_ =	shalt  }
0x87: {  	_ =	shalt  }
.Lfunc_end0:
.L_simem_size_0:
called_computation.2_lowered:
.L_overlay_start_0:
0x88: {  	s2 =	sld [smem:$0x3FD9]  }
0x89: {  	s3 =	sld [smem:$0x3FFE];
	_ =	sdelay $0x1  }
0x8a: {  	s1 =	srdreg.scid  }
0x8b: {  	s0 =	sand.u32 $0x1, s1  }
0x8c: {  	s14 =	sshll.u32 s0, $0xA;
	s2 =	sadd.s32 s3, s2  }
0x8d: {  	s2 =	sadd.s32 s2, s14  }
0x8e: {  	[smem:$0x3FC4] =	sst s2  }
0x8f: {  	_ = 	snop  }
0x90: {  	s2 =	sld [smem:$0x3FD0];
	_ =	sdelay $0x2  }
0x91: {  	s15 =	simm.s32 $0xA;
	s4 =	simm.s32 $0x10  }
0x92: {  	[smem:s4], [sflag:s15] =	dma.local [hbm:s2], $0x1  }
0x93: {  	_ =	swait.eq [sflag:s15], $0x1  }
0x94: {  	[sflag:s15] =	ssyncset.done $0x0  }
0x95: {  	s16 =	sld [smem:$0x10];
	[sflag:s15] =	ssyncadd.s32 $0xFFFFFFFF  }
0x96: {  	s17 =	sld [smem:$0x11];
	(tm) =	ssettm $0x1  }
0x97: {  	s18 =	sld [smem:$0x3FFB];
	_ =	sdelay $0x3  }
0x98: {  	_ =	strace s18  }
0x99: {  	s4 =	sld [smem:$0x3FFC];
	_ =	sdelay $0x3  }
0x9a: {  	_ =	strace s4  }
0x9b: {  	s4 =	sld [smem:$0x3FFD];
	_ =	sdelay $0x3  }
0x9c: {  	_ =	strace s4  }
0x9d: {  	_ =	strace $0x8FFFFFFF  }
0x9e: {  	s19 =	sld [smem:$0x3FDB];
	_ =	sdelay $0x1  }
0x9f: {  	s5 =	simm.s32 $_scs_section_size  }
0xa0: {  	s6 =	simm.s32 $_size__tile_overlayer_lowered;
	s7 =	simm.s32 $_tile_overlayer_lowered  }
0xa1: {  	s22 =	simm.s32 $0x1BFF;
	s21 =	sshll.u32 s7, $0x1;
	s4 =	sadd.s32 s5, s19  }
0xa2: {  	s8 =	simm.s32 $0x0;
	s20 =	sshll.u32 s6, $0x1;
	s6 =	sadd.s32 s21, s4  }
0xa3: {  	[timem:s8], [sflag:s22] =	dma.local [hbm:s6], s20  }
0xa4: {  	_ =	swait.ge [sflag:s22], s20  }
0xa5: {  	s5 =	ssub.s32 $0x0, s20;
	[sflag:s22] =	ssyncset.done $0x0  }
0xa6: {  	[sflag:s22] =	ssyncadd.s32 s5;
	_ =	sdelay $0x1  }
0xa7: {  	s23 =	simm.s32 $0x1B8B  }
0xa8: {  	_ =	swait.ge [sflag:s23], $0x1  }
0xa9: {  	[sflag:s23] =	ssyncset.done $0x0  }
0xaa: {  	s25 =	simm.s32 $0x1B8E;
	s24 =	sld [smem:$0x3FFE];
	[sflag:s23] =	ssyncadd.s32 $0xFFFFFFFF  }
0xab: {  	s26 =	simm.s32 $execute0_lowered;
	[smem:$0x3FD2] =	sst s25  }
0xac: {  	s6 =	sshll.u32 s26, $0x1;
	_ =	strace $0x8000004C;
	[dreg:$0x1] =	wrdreg $0xFFFFFFFF  }
0xad: {  	s28 =	simm.s32 $_size_execute0_lowered;
	s4 =	sadd.s32 s4, s6;
	[dreg:$0x0] =	wrdreg $0x0  }
0xae: {  	s6 =	sshll.u32 s28, $0x1;
	[dreg:$0x2] =	wrdreg s4  }
0xaf: {  	[dreg:$0x3] =	wrdreg s6  }
0xb0: {  	[dreg:$0x4] =	wrdreg $0xC0  }
0xb1: {  	_ =	task [dreg:s8], $0x5FFFF  }
0xb2: {  	[dreg:$0x1] =	wrdreg $0xFFFFFFFF  }
0xb3: {  	[dreg:$0x0] =	wrdreg $0x60  }
0xb4: {  	[dreg:$0x2] =	wrdreg s17  }
0xb5: {  	[dreg:$0x3] =	wrdreg s24  }
0xb6: {  	[dreg:$0x4] =	wrdreg s16  }
0xb7: {  	[dreg:$0x5] =	wrdreg $0x82000  }
0xb8: {  	[dreg:$0x6] =	wrdreg $0x9  }
0xb9: {  	_ =	task.clear_ibuf [dreg:s8], $0x7FFFF;
	_ =	strace $0x9000004C  }
0xba: {  	s29 =	simm.s32 $0x9;
	_ =	strace $0x8000004E  }
0xbb: {  	_ =	swait.ge [sflag:s29], $0x1  }
0xbc: {  	[sflag:s29] =	ssyncadd.s32 $0xFFFFFFFF  }
0xbd: {  	_ =	strace $0x9000004E  }
0xbe: {  	_ =	sfence  }
0xbf: {  	s30 =	sld [smem:$0x0];
	_ =	sdelay $0x2  }
0xc0: {  	s31 =	sshll.u32 s1, $0xD;
	s1 =	sshrl.u32 s1, $0x2  }
0xc1: {  	s3 =	sand.u32 $0x4000, s31;
	s1 =	sadd.s32 s1, s30  }
0xc2: {  	s0 =	sor.u32 s3, s0;
	s1 =	sshll.u32 s1, $0x11  }
0xc3: {  	s0 =	sor.u32 s1, s0  }
0xc4: {  	s0 =	sadd.s32 $0x8F2B, s0  }
0xc5: {  	[sflag:s0] =	ssyncadd.remote.s32 $0x1  }
0xc6: {  	_ =	sfence.sel $0xFFFF  }
0xc7: {  	[dreg:$0x0] =	wrdreg $0xFFFFFFFF;
	(pc) =	sbr.abs _section_cstart, $3  }
0xc8: {  	[dreg:$0x1] =	wrdreg $0xFFFFFFFF  }
0xc9: {  	_ =	task.clear_ibuf [dreg:s8], $0x2FFFF;
	_ =	strace $0x9FFFFFFF  }
0xca: {  	(tm) =	ssettm $0x7FFFFFFF  }
0xcb: {  	_ =	shalt  }
tec
execute0_lowered:
.L_overlay_start_1:
0x0: {  	(tag) =	ssettag $0x1  }
0x1: {  	s1 =	rddreg [dreg:$0x0]  }
0x2: {  	s6 =	rddreg [dreg:$0x1]  }
0x3: {  	s11 =	rddreg [dreg:$0x2]  }
0x4: {  	s3 =	rddreg [dreg:$0x3]  }
0x5: {  	s0 =	rddreg [dreg:$0x4];
	s4 =	simm.s32 $0x0;
	s2 =	stileid.u32  }
0x6: {  	s5 =	srdreg.scid;
	s16 =	simm.s32 $0x80;
	s7 =	smul.u32 $0x50000, s2  }
0x7: {  	s17 =	simm.s32 $0x200;
	s18 =	simm.s32 $0x1;
	s15 =	smul.u32 $0x2A0, s2  }
0x8: {  	[smem:$0x7FF] =	sst s4;
	s5 =	sand.u32 $0x1, s5;
	s20 =	smul.u32 $0x2800, s2  }
0x9: {  	s21 =	sshll.u32 s2, $0x6;
	_ =	strace $0x8000004D;
	s12 =	smul.u32 $0x2A00, s5  }
0xa: {  	s8 =	smul.u32 $0x28000, s5;
	s9 =	ssub.s32 $0x2, s5;
	s29 =	sshrl.u32 s7, $0x2  }
0xb: {  	s30 =	sshrl.u32 s9, $0x1;
	s13 =	sadd.s32 s12, s6;
	s5 =	sadd.s32 s29, s3  }
0xc: {  	s10 =	sadd.s32 s8, s6;
	s14 =	ssub.s32 s9, s30;
	s11 =	sadd.s32 s12, s11  }
0xd: {  	s6 =	sadd.s32 $0x4000, s5;
	s7 =	sadd.s32 $0x8000, s5;
	s8 =	sadd.s32 $0xC000, s5  }
0xe: {  	s9 =	sadd.s32 $0x10000, s5;
	s19 =	sadd.s32 $0x2EE00, s10;
	s10 =	smax.u32 s14, $0x1  }
0xf: {  	s31 =	sadd.s32 s15, s13;
	s11 =	sadd.s32 s15, s11;
	s13 =	simm.s32 $0x4200  }
0x10: {  	s14 =	simm.s32 $0x2;
	s15 =	simm.s32 $0x100;
	s12 =	sadd.s32 $0x29A00, s31  }
0x11: {  	v0 =	vimm.f32 $0.0e+00;
	s19 =	sadd.s32 s20, s19;
	s20 =	sor.u32 $0x1C02, s21;
	s21 =	simm.s32 $0x0  }
.LBB2_1:
0x12: {  	s22 =	simm.s32 $0x0;
	s23 =	simm.s32 $0x200  }
.LBB2_2:
0x13: {  	p0 =	sne.s32 s23, $0xFE00;
	[tilespmem:s22+$0x4270] =	vst v0  }
0x14: {  	[tilespmem:s22+$0x4200] =	vst v0  }
0x15: {  	[tilespmem:s22+$0x4210] =	vst v0  }
.Ltmp0:
0x16: {  	[tilespmem:s22+$0x4220] =	vst v0;
	(pc) =	sbr.rel @p0 .LBB2_2-.Ltmp0, $4  }
0x17: {  	[tilespmem:s22+$0x4230] =	vst v0  }
0x18: {  	[tilespmem:s22+$0x4240] =	vst v0  }
0x19: {  	[tilespmem:s22+$0x4250] =	vst v0  }
0x1a: {  	[tilespmem:s22+$0x4260] =	vst v0;
	s22 =	sshra.s32 s23, $0x2;
	s23 =	sadd.s32 $0x200, s23  }
0x1b: {  	[tilespmem:s22+$0x4270] =	vst v0  }
0x1c: {  	[tilespmem:s22+$0x4200] =	vst v0  }
0x1d: {  	[tilespmem:s22+$0x4210] =	vst v0  }
0x1e: {  	[tilespmem:s22+$0x4220] =	vst v0  }
0x1f: {  	[tilespmem:s22+$0x4230] =	vst v0  }
0x20: {  	[tilespmem:s22+$0x4240] =	vst v0  }
0x21: {  	[tilespmem:s22+$0x4250] =	vst v0  }
0x22: {  	[tilespmem:s22+$0x4260] =	vst v0  }
0x23: {  	[spmem:s5] =	stream.linear.scatter [tilespmem:s13], [sflag:$0x2], $0x4000, $0x38;
	[tilespmem:$0x1C200] =	vst v63  }
0x24: {  	_ =	swait.ge [sflag:s14], $0x4000  }
0x25: {  	[sflag:s14] =	ssyncset.done $0x0  }
0x26: {  	[sflag:s14] =	ssyncadd.s32 $0xFFFFC000  }
0x27: {  	[spmem:s6] =	stream.linear.scatter [tilespmem:s13], [sflag:$0x2], $0x4000, $0x38;
	[tilespmem:$0x1C200] =	vst v63  }
0x28: {  	_ =	swait.ge [sflag:s14], $0x4000  }
0x29: {  	[sflag:s14] =	ssyncset.done $0x0  }
0x2a: {  	[sflag:s14] =	ssyncadd.s32 $0xFFFFC000  }
0x2b: {  	[spmem:s7] =	stream.linear.scatter [tilespmem:s13], [sflag:$0x2], $0x4000, $0x38;
	[tilespmem:$0x1C200] =	vst v63  }
0x2c: {  	_ =	swait.ge [sflag:s14], $0x4000  }
0x2d: {  	[sflag:s14] =	ssyncset.done $0x0  }
0x2e: {  	[sflag:s14] =	ssyncadd.s32 $0xFFFFC000  }
0x2f: {  	[spmem:s8] =	stream.linear.scatter [tilespmem:s13], [sflag:$0x2], $0x4000, $0x38;
	[tilespmem:$0x1C200] =	vst v63  }
0x30: {  	_ =	swait.ge [sflag:s14], $0x4000  }
0x31: {  	[sflag:s14] =	ssyncset.done $0x0  }
0x32: {  	[sflag:s14] =	ssyncadd.s32 $0xFFFFC000  }
0x33: {  	[spmem:s9] =	stream.linear.scatter [tilespmem:s13], [sflag:$0x2], $0x4000, $0x38;
	[tilespmem:$0x1C200] =	vst v63  }
0x34: {  	_ =	swait.ge [sflag:s14], $0x4000  }
0x35: {  	[sflag:s14] =	ssyncset.done $0x0  }
0x36: {  	[sflag:s14] =	ssyncadd.s32 $0xFFFFC000  }
0x37: {  	s30 =	sadd.s32 $0x0, s12;
	[bflag:$0x0] =	sbarrier.arrive $0xFFFF  }
0x38: {  	[tilespmem:s4], [sflag:$0x2] =	stream.linear.gather [hbm4b:s30+s4], $0x80, $0x38;
	[tilespmem:$0x1C200] =	vst v63  }
0x39: {  	_ =	swait.ge [sflag:s14], $0x80  }
0x3a: {  	[sflag:s14] =	ssyncset.done $0x0  }
0x3b: {  	s31 =	sadd.s32 $0x0, s11;
	[sflag:s14] =	ssyncadd.s32 $0xFFFFFF80  }
0x3c: {  	[tilespmem:s15], [sflag:$0x2] =	stream.linear.gather [hbm4b:s31+s4], $0x80, $0x38;
	[tilespmem:$0x1C200] =	vst v63  }
0x3d: {  	_ =	swait.ge [sflag:s14], $0x80  }
0x3e: {  	[sflag:s14] =	ssyncset.done $0x0  }
0x3f: {  	[sflag:s14] =	ssyncadd.s32 $0xFFFFFF80  }
0x40: {  	[tilespmem:s17], [sflag:$0x1] =	stream.indirect.gather [hbm4b:s1+s16], $0x80, s4, s16, $0xb8;
	[tilespmem:$0x1C200] =	vst v63  }
0x41: {  	_ =	swait.ge [sflag:s18], $0x4000  }
0x42: {  	[sflag:s18] =	ssyncset.done $0x0  }
0x43: {  	[sflag:s18] =	ssyncadd.s32 $0xFFFFC000  }
0x44: {  	[spmem:s3] =	stream.indirect.scatter.add.f32 [tilespmem:s17], [sflag:$0x2], $0x80, s15, s16, $0xb8;
	[tilespmem:$0x1C200] =	vst v63  }
0x45: {  	_ =	swait.ge [sflag:s14], $0x4000  }
0x46: {  	s22 =	simm.s32 $0x10;
	s23 =	simm.s32 $0x20;
	[sflag:s14] =	ssyncset.done $0x0  }
.LBB2_4:
0x47: {  	s24 =	sadd.s32 s22, s12  }
0x48: {  	[sflag:s14] =	ssyncadd.s32 $0xFFFFC000;
	s25 =	smov.u32 s23;
	s26 =	sadd.s32 $0x10, s23  }
0x49: {  	[tilespmem:s4], [sflag:$0x2] =	stream.linear.gather [hbm4b:s24+s4], $0x80, $0x38;
	[tilespmem:$0x1C200] =	vst v63  }
0x4a: {  	p0 =	sne.s32 s23, $0x290;
	_ =	swait.ge [sflag:s14], $0x80  }
0x4b: {  	[sflag:s14] =	ssyncset.done $0x0  }
0x4c: {  	s23 =	sadd.s32 s22, s11;
	s22 =	smov.u32 s25;
	[sflag:s14] =	ssyncadd.s32 $0xFFFFFF80  }
0x4d: {  	[tilespmem:s15], [sflag:$0x2] =	stream.linear.gather [hbm4b:s23+s4], $0x80, $0x38;
	[tilespmem:$0x1C200] =	vst v63  }
0x4e: {  	_ =	swait.ge [sflag:s14], $0x80  }
0x4f: {  	[sflag:s14] =	ssyncset.done $0x0  }
0x50: {  	[sflag:s14] =	ssyncadd.s32 $0xFFFFFF80  }
0x51: {  	[tilespmem:s17], [sflag:$0x1] =	stream.indirect.gather [hbm4b:s1+s16], $0x80, s4, s16, $0xb8;
	[tilespmem:$0x1C200] =	vst v63  }
0x52: {  	_ =	swait.ge [sflag:s18], $0x4000  }
.Ltmp1:
0x53: {  	[sflag:s18] =	ssyncset.done $0x0;
	(pc) =	sbr.rel @p0 .LBB2_4-.Ltmp1, $4  }
0x54: {  	[sflag:s18] =	ssyncadd.s32 $0xFFFFC000  }
0x55: {  	[spmem:s3] =	stream.indirect.scatter.add.f32 [tilespmem:s17], [sflag:$0x2], $0x80, s15, s16, $0xb8;
	[tilespmem:$0x1C200] =	vst v63  }
0x56: {  	_ =	swait.ge [sflag:s14], $0x4000  }
0x57: {  	s23 =	smov.u32 s26;
	[sflag:s14] =	ssyncset.done $0x0  }
0x58: {  	s23 =	sadd.s32 s22, s12;
	[sflag:s14] =	ssyncadd.s32 $0xFFFFC000  }
0x59: {  	[tilespmem:s4], [sflag:$0x2] =	stream.linear.gather [hbm4b:s23+s4], $0x80, $0x38;
	[tilespmem:$0x1C200] =	vst v63  }
0x5a: {  	_ =	swait.ge [sflag:s14], $0x80  }
0x5b: {  	[sflag:s14] =	ssyncset.done $0x0  }
0x5c: {  	s30 =	sadd.s32 s22, s11;
	[sflag:s14] =	ssyncadd.s32 $0xFFFFFF80  }
0x5d: {  	[tilespmem:s15], [sflag:$0x2] =	stream.linear.gather [hbm4b:s30+s4], $0x80, $0x38;
	[tilespmem:$0x1C200] =	vst v63  }
0x5e: {  	_ =	swait.ge [sflag:s14], $0x80  }
0x5f: {  	[sflag:s14] =	ssyncset.done $0x0  }
0x60: {  	[sflag:s14] =	ssyncadd.s32 $0xFFFFFF80  }
0x61: {  	[tilespmem:s17], [sflag:$0x1] =	stream.indirect.gather [hbm4b:s1+s16], $0x80, s4, s16, $0xb8;
	[tilespmem:$0x1C200] =	vst v63  }
0x62: {  	_ =	swait.ge [sflag:s18], $0x4000  }
0x63: {  	[sflag:s18] =	ssyncset.done $0x0  }
0x64: {  	[sflag:s18] =	ssyncadd.s32 $0xFFFFC000  }
0x65: {  	[spmem:s3] =	stream.indirect.scatter.add.f32 [tilespmem:s17], [sflag:$0x2], $0x80, s15, s16, $0xb8;
	[tilespmem:$0x1C200] =	vst v63  }
0x66: {  	_ =	swait.ge [sflag:s14], $0x4000  }
0x67: {  	s21 =	sadd.s32 $0x1, s21;
	[sflag:s14] =	ssyncset.done $0x0  }
0x68: {  	p0 =	sne.s32 s21, s10;
	[sflag:s14] =	ssyncadd.s32 $0xFFFFC000  }
.Ltmp2:
0x69: {  	s31 =	sshrl.u32 s5, $0x3;
	[bflag:$0x0] =	sbarrier.arrive $0xFFFF;
	(pc) =	sbr.rel @p0 .LBB2_1-.Ltmp2, $4  }
0x6a: {  	[hbm:s19], [sflag:s20] =	dma.local [spmem:s31], $0x2800  }
0x6b: {  	_ =	swait.ge [sflag:s14], $0x2800  }
0x6c: {  	[sflag:s14] =	ssyncset.done $0x0  }
0x6d: {  	[sflag:s14] =	ssyncadd.s32 $0xFFFFD800  }
0x6e: {  	_ =	sfence.sel $0x180000  }
0x6f: {  	[bflag:$0x0] =	sbarrier.arrive $0xFFFF  }
0x70: {  	p0 =	sne.s32 s2, $0x0;
	_ =	strace $0x9000004D  }
0x71: {  	s0 =	sadd.s32 @!p0 $0x100000, s0;
	[bflag:$0x2] =	sbarrier.arrive $0xFFFF  }
0x72: {  	[sflag:s0] =	ssyncadd.tile.s32 @!p0 $0x1;
	_ =	shalt  }
.Lfunc_end2:
_tile_overlayer_lowered:
.L_overlay_start_2:
0x73: {  	(tag) =	ssettag $0x2  }
0x74: {  	s0 =	rddreg [dreg:$0x0];
	s2 =	stileid.u32  }
0x75: {  	s1 =	rddreg [dreg:$0x1];
	p0 =	sne.s32 s2, $0x0  }
0x76: {  	s3 =	rddreg [dreg:$0x2];
	[bflag:$0x3] =	sbarrier.arrive $0xFFFF;
	s2 =	simm.s32 @!p0 $0x1C02  }
0x77: {  	[timem:s3], [sflag:s2] =	dma.local @!p0 [hbm:s0], s1  }
0x78: {  	s0 =	simm.s32 @!p0 $0x2  }
0x79: {  	_ =	swait.ge @!p0 [sflag:s0], s1  }
0x7a: {  	s1 =	ssub.s32 @!p0 $0x0, s1;
	[sflag:s0] =	ssyncset.done @!p0 $0x0  }
0x7b: {  	[sflag:s0] =	ssyncadd.s32 @!p0 s1  }
0x7c: {  	[bflag:$0x3] =	sbarrier.arrive $0xFFFF  }
0x7d: {  	_ =	shalt  }

// kernel: kernel.8.cloned.1.call-start
scs
__scs_entry_jumppad:
0x0: {  	(pc) =	sbr.rel $0x88, $3  }
0x1: {  	(tag) =	ssettag $0x0;
	lr =	simm.s32 $0x1  }
0x2: {  	[smem:$0x3F9D] =	sst lr;
	_ =	strace $0xD0000000  }
0x3: {  	_ = 	snop  }
0x4: {  	_ = 	snop  }
0x5: {  	_ = 	snop  }
0x6: {  	_ = 	snop  }
0x7: {  	_ = 	snop  }
__scs_overlays_trampoline_lowered:
0x8: {  	[smem:$0x3FAC] =	sst s0  }
0x9: {  	[smem:$0x3FAD] =	sst s1  }
0xa: {  	[smem:$0x3FAE] =	sst s2  }
0xb: {  	[smem:$0x3FAF] =	sst s3  }
0xc: {  	[smem:$0x3FB0] =	sst s4  }
0xd: {  	[smem:$0x3FB1] =	sst s5  }
0xe: {  	[smem:$0x3FB2] =	sst s6  }
0xf: {  	[smem:$0x3FB3] =	sst s7  }
0x10: {  	[smem:$0x3FB4] =	sst s8  }
0x11: {  	[smem:$0x3FB5] =	sst s9;
	s0 =	simm.s32 @!p0 $0x0  }
0x12: {  	s1 =	sld [smem:$0x3F9B];
	s0 =	simm.s32 @p0 $0x1  }
0x13: {  	[smem:$0x3FB6] =	sst s0;
	s0 =	simm.s32 @!p1 $0x0  }
0x14: {  	s2 =	sld [smem:$0x3F9A];
	s0 =	simm.s32 @p1 $0x1  }
0x15: {  	[smem:$0x3FB7] =	sst s0;
	s0 =	simm.s32 @!p2 $0x0  }
0x16: {  	s3 =	sld [smem:$0x3FDB];
	s0 =	simm.s32 @p2 $0x1  }
0x17: {  	s4 =	simm.s32 $0x1BF5;
	[smem:$0x3FB9] =	sst s0  }
0x18: {  	s0 =	sld [smem:$0x3F9C];
	_ =	swait.ge [sflag:s4], $0x0  }
0x19: {  	s7 =	sld [smem:$0x3F9D]  }
0x1a: {  	s8 =	sadd.s32 $0xFFFFE003, lr  }
0x1b: {  	s9 =	sadd.s32 $0xFFFFFEF7, lr;
	s5 =	simm.s32 $0xFFFFFFFF;
	p2 =	slt.u32 s8, $0xFFFFF086  }
0x1c: {  	p1 =	slt.u32 s9, $0xF7A;
	s5 =	simm.s32 @!p2 $0x0  }
0x1d: {  	s5 =	simm.s32 @p1 $0x1;
	p0 =	seq.s32 s7, s2  }
0x1e: {  	s7 =	smul.u32 @!p0 $0xF7A, s2;
	p2 =	seq.s32 @!p0 s5, $0x0  }
0x1f: {  	s9 =	smul.u32 $0xF7A, s1;
	s8 =	simm.s32 @!p0 $0x1BF5;
	p2 =	por !p2, p0  }
0x20: {  	[sflag:s8] =	ssyncset.s32 @!p0 $0xFFFFF086;
	s6 =	sadd.s32 @!p0 s3, s7;
	s7 =	simm.s32 @!p0 $0x108  }
0x21: {  	s3 =	sadd.s32 s3, s9;
	s6 =	sadd.s32 @!p0 $0x88, s6;
	s7 =	simm.s32 @p2 $0x1082  }
0x22: {  	[simem:s7], [sflag:s8] =	dma.local @!p0 [hbm:s6], $0xF7A  }
0x23: {  	s9 =	sor.u32 $0xD0000000, s2;
	s6 =	simm.s32 $0x108;
	_ =	swait.ge @!p0 [sflag:s8], $0x0  }
0x24: {  	s3 =	sadd.s32 $0x88, s3;
	s6 =	simm.s32 @!p1 $0x1082;
	[sflag:s4] =	ssyncset.s32 $0xFFFFF086  }
0x25: {  	[simem:s6], [sflag:s4] =	dma.local [hbm:s3], $0xF7A  }
0x26: {  	[smem:$0x3F9D] =	sst s1;
	(tag) =	ssettag s2;
	_ =	strace s9  }
0x27: {  	s1 =	sld [smem:$0x3FAD]  }
0x28: {  	s2 =	sld [smem:$0x3FAE]  }
0x29: {  	s4 =	sld [smem:$0x3FB0]  }
0x2a: {  	p0 =	seq.s32 s5, $0x0;
	s5 =	sld [smem:$0x3FB1]  }
0x2b: {  	s6 =	sld [smem:$0x3FB2]  }
0x2c: {  	s7 =	sld [smem:$0x3FB3]  }
0x2d: {  	s3 =	simm.s32 $0x108;
	s8 =	sld [smem:$0x3FB4]  }
0x2e: {  	s3 =	simm.s32 @!p0 $0x1082;
	s9 =	sld [smem:$0x3FB5]  }
0x2f: {  	lr =	sadd.s32 s0, s3;
	s0 =	sld [smem:$0x3FAC]  }
0x30: {  	s3 =	sld [smem:$0x3FAF]  }
0x31: {  	[smem:$0x3FB8] =	sst s10  }
0x32: {  	s10 =	sld [smem:$0x3FB6];
	_ =	sdelay $0x3  }
0x33: {  	p0 =	seq.s32 s10, $0x1;
	s10 =	sld [smem:$0x3FB8];
	_ =	sdelay $0x3  }
0x34: {  	[smem:$0x3FB8] =	sst s10  }
0x35: {  	s10 =	sld [smem:$0x3FB7];
	_ =	sdelay $0x3  }
0x36: {  	p1 =	seq.s32 s10, $0x1;
	s10 =	sld [smem:$0x3FB8];
	_ =	sdelay $0x3  }
0x37: {  	[smem:$0x3FB8] =	sst s10  }
0x38: {  	s10 =	sld [smem:$0x3FB9]  }
0x39: {  	_ = 	snop;
	(pc) =	sbr.ind lr, $3  }
0x3a: {  	_ = 	snop  }
0x3b: {  	_ = 	snop  }
0x3c: {  	p2 =	seq.s32 s10, $0x1;
	s10 =	sld [smem:$0x3FB8]  }
0x3d: {  	_ =	shalt  }
0x3e: {  	_ =	shalt  }
0x3f: {  	_ =	shalt  }
0x40: {  	_ =	shalt  }
0x41: {  	_ =	shalt  }
0x42: {  	_ =	shalt  }
0x43: {  	_ =	shalt  }
0x44: {  	_ =	shalt  }
0x45: {  	_ =	shalt  }
0x46: {  	_ =	shalt  }
0x47: {  	_ =	shalt  }
0x48: {  	_ =	shalt  }
0x49: {  	_ =	shalt  }
0x4a: {  	_ =	shalt  }
0x4b: {  	_ =	shalt  }
0x4c: {  	_ =	shalt  }
0x4d: {  	_ =	shalt  }
0x4e: {  	_ =	shalt  }
0x4f: {  	_ =	shalt  }
0x50: {  	_ =	shalt  }
0x51: {  	_ =	shalt  }
0x52: {  	_ =	shalt  }
0x53: {  	_ =	shalt  }
0x54: {  	_ =	shalt  }
0x55: {  	_ =	shalt  }
0x56: {  	_ =	shalt  }
0x57: {  	_ =	shalt  }
0x58: {  	_ =	shalt  }
0x59: {  	_ =	shalt  }
0x5a: {  	_ =	shalt  }
0x5b: {  	_ =	shalt  }
0x5c: {  	_ =	shalt  }
0x5d: {  	_ =	shalt  }
0x5e: {  	_ =	shalt  }
0x5f: {  	_ =	shalt  }
0x60: {  	_ =	shalt  }
0x61: {  	_ =	shalt  }
0x62: {  	_ =	shalt  }
0x63: {  	_ =	shalt  }
0x64: {  	_ =	shalt  }
0x65: {  	_ =	shalt  }
0x66: {  	_ =	shalt  }
0x67: {  	_ =	shalt  }
0x68: {  	_ =	shalt  }
0x69: {  	_ =	shalt  }
0x6a: {  	_ =	shalt  }
0x6b: {  	_ =	shalt  }
0x6c: {  	_ =	shalt  }
0x6d: {  	_ =	shalt  }
0x6e: {  	_ =	shalt  }
0x6f: {  	_ =	shalt  }
0x70: {  	_ =	shalt  }
0x71: {  	_ =	shalt  }
0x72: {  	_ =	shalt  }
0x73: {  	_ =	shalt  }
0x74: {  	_ =	shalt  }
0x75: {  	_ =	shalt  }
0x76: {  	_ =	shalt  }
0x77: {  	_ =	shalt  }
0x78: {  	_ =	shalt  }
0x79: {  	_ =	shalt  }
0x7a: {  	_ =	shalt  }
0x7b: {  	_ =	shalt  }
0x7c: {  	_ =	shalt  }
0x7d: {  	_ =	shalt  }
0x7e: {  	_ =	shalt  }
0x7f: {  	_ =	shalt  }
0x80: {  	_ =	shalt  }
0x81: {  	_ =	shalt  }
0x82: {  	_ =	shalt  }
0x83: {  	_ =	shalt  }
0x84: {  	_ =	shalt  }
0x85: {  	_ =	shalt  }
0x86: {  	_ =	shalt  }
0x87: {  	_ =	shalt  }
.Lfunc_end0:
.L_simem_size_0:
called_computation_lowered:
.L_overlay_start_0:
0x88: {  	s2 =	sld [smem:$0x3FD9]  }
0x89: {  	s3 =	sld [smem:$0x3FFE];
	_ =	sdelay $0x1  }
0x8a: {  	s1 =	srdreg.scid  }
0x8b: {  	s0 =	sand.u32 $0x1, s1  }
0x8c: {  	s14 =	sshll.u32 s0, $0xA;
	s2 =	sadd.s32 s3, s2  }
0x8d: {  	s2 =	sadd.s32 s2, s14  }
0x8e: {  	[smem:$0x3FC4] =	sst s2  }
0x8f: {  	_ = 	snop  }
0x90: {  	s2 =	sld [smem:$0x3FD0];
	_ =	sdelay $0x2  }
0x91: {  	s15 =	simm.s32 $0xA;
	s4 =	simm.s32 $0x10  }
0x92: {  	[smem:s4], [sflag:s15] =	dma.local [hbm:s2], $0x1  }
0x93: {  	_ =	swait.eq [sflag:s15], $0x1  }
0x94: {  	[sflag:s15] =	ssyncset.done $0x0  }
0x95: {  	[sflag:s15] =	ssyncadd.s32 $0xFFFFFFFF  }
0x96: {  	s16 =	sld [smem:$0x10];
	(tm) =	ssettm $0x1  }
0x97: {  	s17 =	sld [smem:$0x3FFB];
	_ =	sdelay $0x3  }
0x98: {  	_ =	strace s17  }
0x99: {  	s3 =	sld [smem:$0x3FFC];
	_ =	sdelay $0x3  }
0x9a: {  	_ =	strace s3  }
0x9b: {  	s3 =	sld [smem:$0x3FFD];
	_ =	sdelay $0x3  }
0x9c: {  	_ =	strace s3  }
0x9d: {  	_ =	strace $0x8FFFFFFF  }
0x9e: {  	s18 =	sld [smem:$0x3FDB];
	_ =	sdelay $0x1  }
0x9f: {  	s19 =	simm.s32 $_scs_section_size  }
0xa0: {  	s5 =	simm.s32 $_size__tile_overlayer_lowered;
	s6 =	simm.s32 $_tile_overlayer_lowered  }
0xa1: {  	s22 =	simm.s32 $0x1BFF;
	s21 =	sshll.u32 s6, $0x1;
	s3 =	sadd.s32 s19, s18  }
0xa2: {  	s7 =	simm.s32 $0x0;
	s20 =	sshll.u32 s5, $0x1;
	s5 =	sadd.s32 s21, s3  }
0xa3: {  	[timem:s7], [sflag:s22] =	dma.local [hbm:s5], s20  }
0xa4: {  	_ =	swait.ge [sflag:s22], s20  }
0xa5: {  	s4 =	ssub.s32 $0x0, s20;
	[sflag:s22] =	ssyncset.done $0x0  }
0xa6: {  	[sflag:s22] =	ssyncadd.s32 s4;
	_ =	sdelay $0x1  }
0xa7: {  	s23 =	simm.s32 $0x1B8B  }
0xa8: {  	_ =	swait.ge [sflag:s23], $0x1  }
0xa9: {  	[sflag:s23] =	ssyncset.done $0x0  }
0xaa: {  	s25 =	simm.s32 $0x1B8E;
	s24 =	sld [smem:$0x3FFE];
	[sflag:s23] =	ssyncadd.s32 $0xFFFFFFFF  }
0xab: {  	s26 =	simm.s32 $execute0_lowered;
	[smem:$0x3FD2] =	sst s25  }
0xac: {  	s5 =	sshll.u32 s26, $0x1;
	_ =	strace $0x80000046;
	[dreg:$0x1] =	wrdreg $0xFFFFFFFF  }
0xad: {  	s28 =	simm.s32 $_size_execute0_lowered;
	s3 =	sadd.s32 s3, s5;
	[dreg:$0x0] =	wrdreg $0x0  }
0xae: {  	s5 =	sshll.u32 s28, $0x1;
	[dreg:$0x2] =	wrdreg s3  }
0xaf: {  	[dreg:$0x3] =	wrdreg s5  }
0xb0: {  	[dreg:$0x4] =	wrdreg $0xC0  }
0xb1: {  	_ =	task [dreg:s7], $0x5FFFF  }
0xb2: {  	[dreg:$0x1] =	wrdreg $0xFFFFFFFF  }
0xb3: {  	[dreg:$0x0] =	wrdreg $0x60  }
0xb4: {  	[dreg:$0x2] =	wrdreg s16  }
0xb5: {  	[dreg:$0x3] =	wrdreg s24  }
0xb6: {  	[dreg:$0x4] =	wrdreg $0x81000  }
0xb7: {  	[dreg:$0x5] =	wrdreg $0x9  }
0xb8: {  	_ =	task.clear_ibuf [dreg:s7], $0x6FFFF;
	_ =	strace $0x90000046  }
0xb9: {  	s29 =	simm.s32 $0x9;
	_ =	strace $0x80000048  }
0xba: {  	_ =	swait.ge [sflag:s29], $0x1  }
0xbb: {  	[sflag:s29] =	ssyncadd.s32 $0xFFFFFFFF  }
0xbc: {  	_ =	strace $0x90000048  }
0xbd: {  	_ =	sfence  }
0xbe: {  	s30 =	sld [smem:$0x0];
	_ =	sdelay $0x2  }
0xbf: {  	s31 =	sshll.u32 s1, $0xD;
	s1 =	sshrl.u32 s1, $0x2  }
0xc0: {  	s3 =	sand.u32 $0x4000, s31;
	s1 =	sadd.s32 s1, s30  }
0xc1: {  	s0 =	sor.u32 s3, s0;
	s1 =	sshll.u32 s1, $0x11  }
0xc2: {  	s0 =	sor.u32 s1, s0  }
0xc3: {  	s0 =	sadd.s32 $0x8F2B, s0  }
0xc4: {  	[sflag:s0] =	ssyncadd.remote.s32 $0x1  }
0xc5: {  	_ =	sfence.sel $0xFFFF  }
0xc6: {  	[dreg:$0x0] =	wrdreg $0xFFFFFFFF;
	(pc) =	sbr.abs _section_cstart, $3  }
0xc7: {  	[dreg:$0x1] =	wrdreg $0xFFFFFFFF  }
0xc8: {  	_ =	task.clear_ibuf [dreg:s7], $0x2FFFF;
	_ =	strace $0x9FFFFFFF  }
0xc9: {  	(tm) =	ssettm $0x7FFFFFFF  }
tec
execute0_lowered:
.L_overlay_start_1:
0x0: {  	(tag) =	ssettag $0x1  }
0x1: {  	s1 =	srdreg.scid  }
0x2: {  	s1 =	sand.u32 $0x1, s1  }
0x3: {  	p0 =	seq.s32 s1, $0x1  }
.Ltmp0:
0x4: {  	s5 =	rddreg [dreg:$0x0];
	(pc) =	sbr.rel @p0 .LBB2_8-.Ltmp0, $4  }
0x5: {  	s4 =	rddreg [dreg:$0x1]  }
0x6: {  	s2 =	rddreg [dreg:$0x2];
	s3 =	simm.s32 $0x0  }
0x7: {  	[smem:$0x7FF] =	sst s3  }
0x8: {  	s0 =	rddreg [dreg:$0x3];
	_ =	strace $0x80000047;
	s1 =	stileid.u32  }
0x9: {  	s3 =	smul.u32 $0x50000, s1  }
0xa: {  	s6 =	smul.u32 $0x2800, s1  }
0xb: {  	s3 =	sshrl.u32 s3, $0x2  }
0xc: {  	s10 =	simm.s32 $0x0;
	s4 =	sadd.s32 s6, s4;
	s3 =	sadd.s32 s3, s2  }
0xd: {  	s11 =	simm.s32 $0x200;
	s4 =	sadd.s32 $0x1A00, s4;
	s9 =	sadd.s32 $0x4000, s3  }
0xe: {  	v0 =	vimm.f32 $1.000000000e+00;
	s8 =	sadd.s32 $0x8000, s3;
	s7 =	sadd.s32 $0xC000, s3;
	s6 =	sadd.s32 $0x10000, s3  }
.LBB2_2:
0xf: {  	p0 =	sne.s32 s11, $0xFE00;
	[tilespmem:s10+$0x170] =	vst v0  }
0x10: {  	[tilespmem:s10+$0x100] =	vst v0  }
0x11: {  	[tilespmem:s10+$0x110] =	vst v0  }
.Ltmp1:
0x12: {  	[tilespmem:s10+$0x120] =	vst v0;
	(pc) =	sbr.rel @p0 .LBB2_2-.Ltmp1, $4  }
0x13: {  	[tilespmem:s10+$0x130] =	vst v0  }
0x14: {  	[tilespmem:s10+$0x140] =	vst v0  }
0x15: {  	[tilespmem:s10+$0x150] =	vst v0  }
0x16: {  	[tilespmem:s10+$0x160] =	vst v0;
	s10 =	sshra.s32 s11, $0x2;
	s11 =	sadd.s32 $0x200, s11  }
0x17: {  	[tilespmem:s10+$0x170] =	vst v0  }
0x18: {  	[tilespmem:s10+$0x100] =	vst v0  }
0x19: {  	[tilespmem:s10+$0x110] =	vst v0  }
0x1a: {  	[tilespmem:s10+$0x120] =	vst v0  }
0x1b: {  	[tilespmem:s10+$0x130] =	vst v0  }
0x1c: {  	[tilespmem:s10+$0x140] =	vst v0  }
0x1d: {  	[tilespmem:s10+$0x150] =	vst v0  }
0x1e: {  	[tilespmem:s10+$0x160] =	vst v0;
	v0 =	vimm.f32 $0.0e+00;
	s10 =	simm.s32 $0x0;
	s11 =	simm.s32 $0x200  }
.LBB2_4:
0x1f: {  	p0 =	sne.s32 s11, $0xFE00;
	[tilespmem:s10+$0x4170] =	vst v0  }
0x20: {  	[tilespmem:s10+$0x4100] =	vst v0  }
0x21: {  	[tilespmem:s10+$0x4110] =	vst v0  }
.Ltmp2:
0x22: {  	[tilespmem:s10+$0x4120] =	vst v0;
	(pc) =	sbr.rel @p0 .LBB2_4-.Ltmp2, $4  }
0x23: {  	[tilespmem:s10+$0x4130] =	vst v0  }
0x24: {  	[tilespmem:s10+$0x4140] =	vst v0  }
0x25: {  	[tilespmem:s10+$0x4150] =	vst v0  }
0x26: {  	[tilespmem:s10+$0x4160] =	vst v0;
	s10 =	sshra.s32 s11, $0x2;
	s11 =	sadd.s32 $0x200, s11  }
0x27: {  	[tilespmem:s10+$0x4170] =	vst v0  }
0x28: {  	[tilespmem:s10+$0x4100] =	vst v0  }
0x29: {  	[tilespmem:s10+$0x4110] =	vst v0  }
0x2a: {  	[tilespmem:s10+$0x4120] =	vst v0  }
0x2b: {  	[tilespmem:s10+$0x4130] =	vst v0  }
0x2c: {  	[tilespmem:s10+$0x4140] =	vst v0  }
0x2d: {  	[tilespmem:s10+$0x4150] =	vst v0  }
0x2e: {  	[tilespmem:s10+$0x4160] =	vst v0;
	s11 =	simm.s32 $0x4100;
	s10 =	simm.s32 $0x1  }
0x2f: {  	[spmem:s3] =	stream.linear.scatter [tilespmem:s11], [sflag:$0x1], $0x4000, $0x38;
	[tilespmem:$0x1C100] =	vst v63  }
0x30: {  	_ =	swait.ge [sflag:s10], $0x4000  }
0x31: {  	[sflag:s10] =	ssyncset.done $0x0  }
0x32: {  	[sflag:s10] =	ssyncadd.s32 $0xFFFFC000  }
0x33: {  	[spmem:s9] =	stream.linear.scatter [tilespmem:s11], [sflag:$0x1], $0x4000, $0x38;
	[tilespmem:$0x1C100] =	vst v63  }
0x34: {  	_ =	swait.ge [sflag:s10], $0x4000  }
0x35: {  	[sflag:s10] =	ssyncset.done $0x0  }
0x36: {  	[sflag:s10] =	ssyncadd.s32 $0xFFFFC000  }
0x37: {  	[spmem:s8] =	stream.linear.scatter [tilespmem:s11], [sflag:$0x1], $0x4000, $0x38;
	[tilespmem:$0x1C100] =	vst v63  }
0x38: {  	_ =	swait.ge [sflag:s10], $0x4000  }
0x39: {  	[sflag:s10] =	ssyncset.done $0x0  }
0x3a: {  	[sflag:s10] =	ssyncadd.s32 $0xFFFFC000  }
0x3b: {  	[spmem:s7] =	stream.linear.scatter [tilespmem:s11], [sflag:$0x1], $0x4000, $0x38;
	[tilespmem:$0x1C100] =	vst v63  }
0x3c: {  	_ =	swait.ge [sflag:s10], $0x4000  }
0x3d: {  	[sflag:s10] =	ssyncset.done $0x0  }
0x3e: {  	[sflag:s10] =	ssyncadd.s32 $0xFFFFC000  }
0x3f: {  	[spmem:s6] =	stream.linear.scatter [tilespmem:s11], [sflag:$0x1], $0x4000, $0x38;
	[tilespmem:$0x1C100] =	vst v63  }
0x40: {  	s30 =	smul.u32 $0x540, s1;
	_ =	swait.ge [sflag:s10], $0x4000  }
0x41: {  	[sflag:s10] =	ssyncset.done $0x0  }
0x42: {  	s6 =	sadd.s32 s30, s5;
	[sflag:s10] =	ssyncadd.s32 $0xFFFFC000  }
0x43: {  	s5 =	simm.s32 $0x0;
	s31 =	sadd.s32 $0x0, s6;
	[bflag:$0x0] =	sbarrier.arrive $0xFFFF  }
0x44: {  	[tilespmem:s5], [sflag:$0x1] =	stream.linear.gather [hbm4b:s31+s5], $0x80, $0x38;
	[tilespmem:$0x1C100] =	vst v63  }
0x45: {  	_ =	swait.ge [sflag:s10], $0x80  }
0x46: {  	[sflag:s10] =	ssyncset.done $0x0  }
0x47: {  	s8 =	simm.s32 $0x100;
	s7 =	simm.s32 $0x80;
	[sflag:s10] =	ssyncadd.s32 $0xFFFFFF80  }
0x48: {  	[spmem:s2] =	stream.indirect.scatter.add.f32 [tilespmem:s8], [sflag:$0x1], $0x80, s5, s7, $0xb8;
	[tilespmem:$0x1C100] =	vst v63  }
0x49: {  	_ =	swait.ge [sflag:s10], $0x4000  }
0x4a: {  	s9 =	simm.s32 $0x10;
	s11 =	simm.s32 $0x20;
	[sflag:s10] =	ssyncset.done $0x0  }
.LBB2_6:
0x4b: {  	s12 =	sadd.s32 s9, s6  }
0x4c: {  	[sflag:s10] =	ssyncadd.s32 $0xFFFFC000;
	s9 =	smov.u32 s11;
	s13 =	sadd.s32 $0x10, s11  }
0x4d: {  	[tilespmem:s5], [sflag:$0x1] =	stream.linear.gather [hbm4b:s12+s5], $0x80, $0x38;
	[tilespmem:$0x1C100] =	vst v63  }
0x4e: {  	p0 =	sne.s32 s11, $0x530;
	_ =	swait.ge [sflag:s10], $0x80  }
.Ltmp3:
0x4f: {  	[sflag:s10] =	ssyncset.done $0x0;
	(pc) =	sbr.rel @p0 .LBB2_6-.Ltmp3, $4  }
0x50: {  	[sflag:s10] =	ssyncadd.s32 $0xFFFFFF80  }
0x51: {  	[spmem:s2] =	stream.indirect.scatter.add.f32 [tilespmem:s8], [sflag:$0x1], $0x80, s5, s7, $0xb8;
	[tilespmem:$0x1C100] =	vst v63  }
0x52: {  	_ =	swait.ge [sflag:s10], $0x4000  }
0x53: {  	s11 =	smov.u32 s13;
	[sflag:s10] =	ssyncset.done $0x0  }
0x54: {  	s6 =	sadd.s32 s9, s6;
	[sflag:s10] =	ssyncadd.s32 $0xFFFFC000  }
0x55: {  	[tilespmem:s5], [sflag:$0x1] =	stream.linear.gather [hbm4b:s6+s5], $0x80, $0x38;
	[tilespmem:$0x1C100] =	vst v63  }
0x56: {  	_ =	swait.ge [sflag:s10], $0x80  }
0x57: {  	[sflag:s10] =	ssyncset.done $0x0  }
0x58: {  	[sflag:s10] =	ssyncadd.s32 $0xFFFFFF80  }
0x59: {  	[spmem:s2] =	stream.indirect.scatter.add.f32 [tilespmem:s8], [sflag:$0x1], $0x80, s5, s7, $0xb8;
	[tilespmem:$0x1C100] =	vst v63  }
0x5a: {  	_ =	swait.ge [sflag:s10], $0x4000  }
0x5b: {  	[sflag:s10] =	ssyncset.done $0x0  }
0x5c: {  	s30 =	sshll.u32 s1, $0x6;
	s3 =	sshrl.u32 s3, $0x3;
	[sflag:s10] =	ssyncadd.s32 $0xFFFFC000  }
0x5d: {  	s31 =	simm.s32 $0x1;
	s2 =	sor.u32 $0x1C01, s30;
	[bflag:$0x0] =	sbarrier.arrive $0xFFFF  }
0x5e: {  	[hbm:s4], [sflag:s2] =	dma.local [spmem:s3], $0x2800  }
0x5f: {  	_ =	swait.ge [sflag:s31], $0x2800  }
0x60: {  	[sflag:s31] =	ssyncset.done $0x0  }
0x61: {  	[sflag:s31] =	ssyncadd.s32 $0xFFFFD800  }
.LBB2_8:
0x62: {  	_ =	sfence.sel $0x180000  }
0x63: {  	[bflag:$0x0] =	sbarrier.arrive $0xFFFF  }
0x64: {  	p0 =	sne.s32 s1, $0x0;
	_ =	strace $0x90000047  }
0x65: {  	s0 =	sadd.s32 @!p0 $0x100000, s0;
	[bflag:$0x2] =	sbarrier.arrive $0xFFFF  }
0x66: {  	[sflag:s0] =	ssyncadd.tile.s32 @!p0 $0x1;
	_ =	shalt  }
.Lfunc_end2:
_tile_overlayer_lowered:
.L_overlay_start_2:
0x67: {  	(tag) =	ssettag $0x2  }
0x68: {  	s0 =	rddreg [dreg:$0x0];
	s2 =	stileid.u32  }
0x69: {  	s1 =	rddreg [dreg:$0x1];
	p0 =	sne.s32 s2, $0x0  }
0x6a: {  	s3 =	rddreg [dreg:$0x2];
	[bflag:$0x3] =	sbarrier.arrive $0xFFFF;
	s2 =	simm.s32 @!p0 $0x1C01  }
0x6b: {  	[timem:s3], [sflag:s2] =	dma.local @!p0 [hbm:s0], s1  }
0x6c: {  	s0 =	simm.s32 @!p0 $0x1  }
0x6d: {  	_ =	swait.ge @!p0 [sflag:s0], s1  }
0x6e: {  	s1 =	ssub.s32 @!p0 $0x0, s1;
	[sflag:s0] =	ssyncset.done @!p0 $0x0  }
0x6f: {  	[sflag:s0] =	ssyncadd.s32 @!p0 s1  }
0x70: {  	[bflag:$0x3] =	sbarrier.arrive $0xFFFF  }
0x71: {  	_ =	shalt  }

</sc_bundles>
